<compile_context>
chip_gen: v7x
topology: tpu7x:2x2x1
jax: 0.10.2.dev20260603
libtpu: 0.0.44.dev20260713+nightly
codegen_flags: <defaults>
</compile_context>

<pallas_src>
import functools

import jax
import jax.numpy as jnp
from jax import lax
from jax.experimental import pallas as pl
from jax.experimental.pallas import tpu as pltpu
from jax.experimental.pallas import tpu_sc as plsc

_B, _T, _N = 64, 12, 2048
_TIME, _FEAT = 288, 64
_NT = _N * _T
_NC, _NS = 2, 16
_NW = _NC * _NS
_BPW = _B // _NW
_CTAB = _TIME * 7
_FH = 8
_NH = _N // 128


def _sc_body(x_hbm, dt_hbm, wt_hbm, out_hbm,
             ci_v, dt_v, wt_v,
             cc0, cc1, cc2, cc3, cc4, cc5, cc6, cc7,
             xa0, xb0, xa1, xb1, sb0, sb1,
             xsem0, xsem1, sem0, sem1):
    wid = lax.axis_index("s") * _NC + lax.axis_index("c")
    lanes = lax.iota(jnp.int32, 16)
    ccs = (cc0, cc1, cc2, cc3, cc4, cc5, cc6, cc7)
    xbufs = ((xa0, xb0, xsem0), (xa1, xb1, xsem1))

    pltpu.sync_copy(dt_hbm, dt_v)
    pltpu.sync_copy(wt_hbm, wt_v)

    for b2 in range(_BPW):
        bb = wid * _BPW + b2
        bhi = bb // 8
        blo = bb % 8

        for p, (xa, xb, xsem) in enumerate(xbufs):
            pltpu.async_copy(x_hbm.at[p, 1, bhi, :, blo, :], xa, xsem)
            pltpu.async_copy(x_hbm.at[p, 2, bhi, :, blo, :], xb, xsem)

        def q_loop(q, carry):
            for p, (xa, xb, xsem) in enumerate(xbufs):
                t = q * 2 + p
                pltpu.make_async_copy(x_hbm.at[t, 1, bhi, :, blo, :],
                                      xa, xsem).wait()
                pltpu.make_async_copy(x_hbm.at[t, 2, bhi, :, blo, :],
                                      xb, xsem).wait()
                base = b2 * _NT + t * _N

                @plsc.parallel_loop(0, _N // 16, unroll=2)
                def _build_ci(i):
                    r = lax.div(i, jnp.int32(8))
                    g8 = i - r * 8
                    day = (xa[r, pl.ds(g8 * 16, 16)]
                           * float(_TIME)).astype(jnp.int32)
                    day = jnp.minimum(jnp.maximum(day, 0), _TIME - 1)
                    wk = xb[r, pl.ds(g8 * 16, 16)].astype(jnp.int32)
                    wk = jnp.minimum(jnp.maximum(wk, 0), 6)
                    ci_v[pl.ds(base + i * 16, 16)] = day * 7 + wk

                @pl.when(t + 2 < _T)
                def _prefetch():
                    pltpu.async_copy(x_hbm.at[t + 2, 1, bhi, :, blo, :],
                                     xa, xsem)
                    pltpu.async_copy(x_hbm.at[t + 2, 2, bhi, :, blo, :],
                                     xb, xsem)
            return carry
        lax.fori_loop(0, _T // 2, q_loop, 0)

    def fh_loop(f_hi, carry):
        @plsc.parallel_loop(0, _CTAB // 16, unroll=2)
        def _ctab_build(i):
            v = lanes + i * 16
            d = lax.div(v, jnp.int32(7))
            w = v - d * 7
            for fl in range(8):
                f = f_hi * 8 + fl
                a = plsc.load_gather(dt_v, [f * _TIME + d])
                bvec = plsc.load_gather(wt_v, [f * 8 + w])
                ccs[fl][pl.ds(i * 16, 16)] = a + bvec

        def s_loop(s, scarry):
            g = f_hi * _T + s
            for p, (sb, sem) in enumerate(((sb0, sem0), (sb1, sem1))):
                idx = s * 2 + p
                b2 = lax.div(idx, jnp.int32(_T))
                t = idx - b2 * _T
                bb = wid * _BPW + b2
                dst = out_hbm.at[bb, t, f_hi]

                @pl.when(g >= 1)
                def _wait():
                    pltpu.make_async_copy(sb, dst, sem).wait()

                base = b2 * _NT + t * _N

                @plsc.parallel_loop(0, _N // 16, unroll=16)
                def _gat(i):
                    nh = lax.div(i, jnp.int32(8))
                    g8 = i - nh * 8
                    civ = ci_v[pl.ds(base + i * 16, 16)]
                    for fl in range(8):
                        sb[nh, fl, pl.ds(g8 * 16, 16)] = (
                            plsc.load_gather(ccs[fl], [civ]))

                pltpu.async_copy(sb, dst, sem)
            return scarry
        lax.fori_loop(0, _T, s_loop, 0)
        return carry
    lax.fori_loop(0, _FH, fh_loop, 0)

    dummy = out_hbm.at[0, 0, 0]
    pltpu.make_async_copy(sb0, dummy, sem0).wait()
    pltpu.make_async_copy(sb1, dummy, sem1).wait()


_sc_call = functools.partial(
    pl.kernel,
    mesh=plsc.VectorSubcoreMesh(core_axis_name="c", subcore_axis_name="s"),
    out_type=jax.ShapeDtypeStruct((_B, _T, _FH, _NH, 8, 128), jnp.float32),
    compiler_params=pltpu.CompilerParams(needs_layout_passes=False),
    scratch_types=[
        pltpu.VMEM((_BPW * _NT,), jnp.int32),
        pltpu.VMEM((_FEAT * _TIME,), jnp.float32),
        pltpu.VMEM((_FEAT * 8,), jnp.float32),
    ] + [pltpu.VMEM((_CTAB,), jnp.float32) for _ in range(8)] + [
        pltpu.VMEM((_NH, 128), jnp.float32),
        pltpu.VMEM((_NH, 128), jnp.float32),
        pltpu.VMEM((_NH, 128), jnp.float32),
        pltpu.VMEM((_NH, 128), jnp.float32),
        pltpu.VMEM((_NH, 8, 128), jnp.float32),
        pltpu.VMEM((_NH, 8, 128), jnp.float32),
        pltpu.SemaphoreType.DMA,
        pltpu.SemaphoreType.DMA,
        pltpu.SemaphoreType.DMA,
        pltpu.SemaphoreType.DMA,
    ],
)(_sc_body)


@jax.jit
def kernel(x, time_day, time_week):
    x6 = jnp.transpose(x, (1, 3, 0, 2))
    x6 = x6.reshape(_T, 3, 8, 8, _NH, 128)
    x6 = jnp.transpose(x6, (0, 1, 2, 4, 3, 5))
    dt = time_day.T.reshape(-1)
    wt = jnp.pad(time_week.T, ((0, 0), (0, 1))).reshape(-1)
    out6 = _sc_call(x6, dt, wt)
    out = jnp.transpose(out6, (0, 2, 4, 3, 5, 1))
    return out.reshape(_B, _FEAT, _N, _T)

# --- scband reference (transcript-rebuilt; emitter-appended) ---
"""Pipeline reference for scband-temporal-embedding-29755533426721 (READ-ONLY COPY).

The authoritative reference and input builder live on the scoring server;
editing this copy changes nothing except your own understanding.
"""

import jax, jax.numpy as jnp
import numpy as np

B, T, N = 64, 12, 2048
TIME, FEAT = 288, 64

def _xavier_uniform(key, shape):
    fan_in, fan_out = shape[0], shape[1]
    bound = float(np.sqrt(6.0 / (fan_in + fan_out)))
    return jax.random.uniform(key, shape, dtype=jnp.float32, minval=-bound, maxval=bound)

def setup_inputs(seed: int = 0) -> dict:
    key = jax.random.key(seed)
    k_x, k_day, k_week = jax.random.split(key, 3)
    x = jax.random.uniform(k_x, (B, T, N, 3), dtype=jnp.float32)
    time_day = _xavier_uniform(k_day, (TIME, FEAT))
    time_week = _xavier_uniform(k_week, (7, FEAT))
    return {"x": x, "time_day": time_day, "time_week": time_week}

def reference(x, time_day, time_week):
    time = time_day.shape[0]
    # day-of-day embedding: x[...,1] in [0,1) scaled to [0, time) then truncated
    day_emb = x[..., 1]
    day_idx = (day_emb * time).astype(jnp.int32)
    td = jnp.take(time_day, day_idx, axis=0)          # [B, T, N, F]
    td = jnp.swapaxes(td, 1, 2)                        # [B, N, T, F] (transpose(1,2))
    # day-of-week embedding: x[...,2] truncated to int index < 7
    week_emb = x[..., 2]
    week_idx = week_emb.astype(jnp.int32)
    tw = jnp.take(time_week, week_idx, axis=0)         # [B, T, N, F]
    tw = jnp.swapaxes(tw, 1, 2)                        # [B, N, T, F]
    tem_emb = td + tw
    tem_emb = jnp.transpose(tem_emb, (0, 3, 1, 2))     # [B, F, N, T]
    return tem_emb

if __name__ == "__main__":
    import jax
    _d = setup_inputs()
    print(jax.jit(kernel)(*tuple(_d.values())))

</pallas_src>

<mosaic_0001>
#map = affine_map<(d0, d1) -> (0, 0, 0, 0, 0, 0)>
#map1 = affine_map<(d0, d1) -> (0)>
module attributes {stable_mosaic.version = 14 : i64} {
  func.func @_sc_body(%arg0: i32, %arg1: i32, %arg2: memref<12x3x8x16x8x128xf32, #tpu.memory_space<hbm>>, %arg3: memref<18432xf32, #tpu.memory_space<hbm>>, %arg4: memref<512xf32, #tpu.memory_space<hbm>>, %arg5: memref<64x12x8x16x8x128xf32, #tpu.memory_space<hbm>>, %arg6: memref<49152xi32, #tpu.memory_space<vmem>>, %arg7: memref<18432xf32, #tpu.memory_space<vmem>>, %arg8: memref<512xf32, #tpu.memory_space<vmem>>, %arg9: memref<2016xf32, #tpu.memory_space<vmem>>, %arg10: memref<2016xf32, #tpu.memory_space<vmem>>, %arg11: memref<2016xf32, #tpu.memory_space<vmem>>, %arg12: memref<2016xf32, #tpu.memory_space<vmem>>, %arg13: memref<2016xf32, #tpu.memory_space<vmem>>, %arg14: memref<2016xf32, #tpu.memory_space<vmem>>, %arg15: memref<2016xf32, #tpu.memory_space<vmem>>, %arg16: memref<2016xf32, #tpu.memory_space<vmem>>, %arg17: memref<16x128xf32, #tpu.memory_space<vmem>>, %arg18: memref<16x128xf32, #tpu.memory_space<vmem>>, %arg19: memref<16x128xf32, #tpu.memory_space<vmem>>, %arg20: memref<16x128xf32, #tpu.memory_space<vmem>>, %arg21: memref<16x8x128xf32, #tpu.memory_space<vmem>>, %arg22: memref<16x8x128xf32, #tpu.memory_space<vmem>>, %arg23: memref<!tpu.dma_semaphore, #tpu.memory_space<semaphore_mem>>, %arg24: memref<!tpu.dma_semaphore, #tpu.memory_space<semaphore_mem>>, %arg25: memref<!tpu.dma_semaphore, #tpu.memory_space<semaphore_mem>>, %arg26: memref<!tpu.dma_semaphore, #tpu.memory_space<semaphore_mem>>) attributes {dimension_semantics = [#tpu.dimension_semantics<core_parallel>, #tpu.dimension_semantics<subcore_parallel>], iteration_bounds = array<i64: 2, 16>, scalar_prefetch = 0 : i64, scratch_operands = 21 : i64, tpu.core_type = #tpu.core_type<sc_vector_subcore>, window_params = [{transform_indices = #map}, {transform_indices = #map1}, {transform_indices = #map1}, {transform_indices = #map}]} {
    %mul3A = arith.constant 2 : i32
    %mul3A_0 = arith.muli %arg1, %mul3A : i32
    %add3A = arith.addi %mul3A_0, %arg0 : i32
    %iota3A = tpu.iota {dimensions = array<i32: 0>} : vector<16xi32>
    "tpu.region"() ({
      %run_scoped3A = tpu.sem_alloc : memref<!tpu.dma_semaphore, #tpu.memory_space<semaphore_mem>>
      tpu.enqueue_dma source(%arg3 : memref<18432xf32, #tpu.memory_space<hbm>>) target(%arg7 : memref<18432xf32, #tpu.memory_space<vmem>>) target_semaphore(%run_scoped3A : memref<!tpu.dma_semaphore, #tpu.memory_space<semaphore_mem>>)
      tpu.wait_dma2 semaphore(%run_scoped3A : memref<!tpu.dma_semaphore, #tpu.memory_space<semaphore_mem>>) src(%arg3 : memref<18432xf32, #tpu.memory_space<hbm>>) dst(%arg7 : memref<18432xf32, #tpu.memory_space<vmem>>)
      tpu.yield
    }) : () -> ()
    "tpu.region"() ({
      %run_scoped3A = tpu.sem_alloc : memref<!tpu.dma_semaphore, #tpu.memory_space<semaphore_mem>>
      tpu.enqueue_dma source(%arg4 : memref<512xf32, #tpu.memory_space<hbm>>) target(%arg8 : memref<512xf32, #tpu.memory_space<vmem>>) target_semaphore(%run_scoped3A : memref<!tpu.dma_semaphore, #tpu.memory_space<semaphore_mem>>)
      tpu.wait_dma2 semaphore(%run_scoped3A : memref<!tpu.dma_semaphore, #tpu.memory_space<semaphore_mem>>) src(%arg4 : memref<512xf32, #tpu.memory_space<hbm>>) dst(%arg8 : memref<512xf32, #tpu.memory_space<vmem>>)
      tpu.yield
    }) : () -> ()
    %mul3A_1 = arith.constant 2 : i32
    %mul3A_2 = arith.muli %add3A, %mul3A_1 : i32
    %add3A_3 = arith.constant 0 : i32
    %add3A_4 = arith.addi %mul3A_2, %add3A_3 : i32
    %jit3A = arith.constant 8 : i32
    %div3A = arith.divsi %add3A_4, %jit3A : i32
    %sign3A = arith.constant 0 : i32
    %sign3A_5 = arith.cmpi sgt, %add3A_4, %sign3A : i32
    %sign3A_6 = arith.extui %sign3A_5 : i1 to i32
    %sign3A_7 = arith.constant 0 : i32
    %sign3A_8 = arith.cmpi slt, %add3A_4, %sign3A_7 : i32
    %sign3A_9 = arith.extui %sign3A_8 : i1 to i32
    %sign3A_10 = arith.subi %sign3A_6, %sign3A_9 : i32
    %sign3A_11 = arith.constant 0 : i32
    %sign3A_12 = arith.cmpi sgt, %jit3A, %sign3A_11 : i32
    %sign3A_13 = arith.extui %sign3A_12 : i1 to i32
    %sign3A_14 = arith.constant 0 : i32
    %sign3A_15 = arith.cmpi slt, %jit3A, %sign3A_14 : i32
    %sign3A_16 = arith.extui %sign3A_15 : i1 to i32
    %sign3A_17 = arith.subi %sign3A_13, %sign3A_16 : i32
    %ne3A = arith.cmpi ne, %sign3A_10, %sign3A_17 : i32
    %rem3A = arith.remsi %add3A_4, %jit3A : i32
    %ne3A_18 = arith.constant 0 : i32
    %ne3A_19 = arith.cmpi ne, %rem3A, %ne3A_18 : i32
    %and3A = arith.andi %ne3A, %ne3A_19 : i1
    %sub3A = arith.constant 1 : i32
    %sub3A_20 = arith.subi %div3A, %sub3A : i32
    %select_n3A = arith.select %and3A, %sub3A_20, %div3A : i32
    %jit3A_21 = arith.constant 8 : i32
    %eq3A = arith.constant 0 : i32
    %eq3A_22 = arith.cmpi eq, %jit3A_21, %eq3A : i32
    %jit3A_23 = arith.constant 1 : i32
    %select_n3A_24 = arith.select %eq3A_22, %jit3A_23, %jit3A_21 : i32
    %rem3A_25 = arith.remsi %add3A_4, %select_n3A_24 : i32
    %ne3A_26 = arith.constant 0 : i32
    %ne3A_27 = arith.cmpi ne, %rem3A_25, %ne3A_26 : i32
    %lt3A = arith.constant 0 : i32
    %lt3A_28 = arith.cmpi slt, %rem3A_25, %lt3A : i32
    %lt3A_29 = arith.constant 0 : i32
    %lt3A_30 = arith.cmpi slt, %select_n3A_24, %lt3A_29 : i32
    %ne3A_31 = arith.xori %lt3A_28, %lt3A_30 : i1
    %and3A_32 = arith.andi %ne3A_31, %ne3A_27 : i1
    %add3A_33 = arith.addi %rem3A_25, %select_n3A_24 : i32
    %select_n3A_34 = arith.select %and3A_32, %add3A_33, %rem3A_25 : i32
    %dma_start3A = arith.constant 0 : i32
    %dma_start3A_35 = arith.constant 1 : i32
    %dma_start3A_36 = arith.constant 0 : i32
    %dma_start3A_37 = arith.constant 0 : i32
    %dma_start3A_38 = tpu.memref_slice %arg2[%dma_start3A, %dma_start3A_35, %select_n3A, %dma_start3A_36, %select_n3A_34, %dma_start3A_37] : memref<12x3x8x16x8x128xf32, #tpu.memory_space<hbm>> -> memref<1x1x1x16x1x128xf32, #tpu.memory_space<hbm>>
    %dma_start3A_39 = tpu.memref_squeeze %dma_start3A_38 : memref<1x1x1x16x1x128xf32, #tpu.memory_space<hbm>> -> memref<16x128xf32, #tpu.memory_space<hbm>>
    %dma_start3A_40 = arith.constant 0 : i32
    %dma_start3A_41 = arith.constant 0 : i32
    %dma_start3A_42 = tpu.memref_slice %arg2[%dma_start3A, %dma_start3A_35, %select_n3A, %dma_start3A_40, %select_n3A_34, %dma_start3A_41] : memref<12x3x8x16x8x128xf32, #tpu.memory_space<hbm>> -> memref<1x1x1x16x1x128xf32, #tpu.memory_space<hbm>>
    %dma_start3A_43 = tpu.memref_squeeze %dma_start3A_42 : memref<1x1x1x16x1x128xf32, #tpu.memory_space<hbm>> -> memref<16x128xf32, #tpu.memory_space<hbm>>
    tpu.enqueue_dma source(%dma_start3A_43 : memref<16x128xf32, #tpu.memory_space<hbm>>) target(%arg17 : memref<16x128xf32, #tpu.memory_space<vmem>>) target_semaphore(%arg23 : memref<!tpu.dma_semaphore, #tpu.memory_space<semaphore_mem>>)
    %dma_start3A_44 = arith.constant 0 : i32
    %dma_start3A_45 = arith.constant 2 : i32
    %dma_start3A_46 = arith.constant 0 : i32
    %dma_start3A_47 = arith.constant 0 : i32
    %dma_start3A_48 = tpu.memref_slice %arg2[%dma_start3A_44, %dma_start3A_45, %select_n3A, %dma_start3A_46, %select_n3A_34, %dma_start3A_47] : memref<12x3x8x16x8x128xf32, #tpu.memory_space<hbm>> -> memref<1x1x1x16x1x128xf32, #tpu.memory_space<hbm>>
    %dma_start3A_49 = tpu.memref_squeeze %dma_start3A_48 : memref<1x1x1x16x1x128xf32, #tpu.memory_space<hbm>> -> memref<16x128xf32, #tpu.memory_space<hbm>>
    %dma_start3A_50 = arith.constant 0 : i32
    %dma_start3A_51 = arith.constant 0 : i32
    %dma_start3A_52 = tpu.memref_slice %arg2[%dma_start3A_44, %dma_start3A_45, %select_n3A, %dma_start3A_50, %select_n3A_34, %dma_start3A_51] : memref<12x3x8x16x8x128xf32, #tpu.memory_space<hbm>> -> memref<1x1x1x16x1x128xf32, #tpu.memory_space<hbm>>
    %dma_start3A_53 = tpu.memref_squeeze %dma_start3A_52 : memref<1x1x1x16x1x128xf32, #tpu.memory_space<hbm>> -> memref<16x128xf32, #tpu.memory_space<hbm>>
    tpu.enqueue_dma source(%dma_start3A_53 : memref<16x128xf32, #tpu.memory_space<hbm>>) target(%arg18 : memref<16x128xf32, #tpu.memory_space<vmem>>) target_semaphore(%arg23 : memref<!tpu.dma_semaphore, #tpu.memory_space<semaphore_mem>>)
    %dma_start3A_54 = arith.constant 1 : i32
    %dma_start3A_55 = arith.constant 1 : i32
    %dma_start3A_56 = arith.constant 0 : i32
    %dma_start3A_57 = arith.constant 0 : i32
    %dma_start3A_58 = tpu.memref_slice %arg2[%dma_start3A_54, %dma_start3A_55, %select_n3A, %dma_start3A_56, %select_n3A_34, %dma_start3A_57] : memref<12x3x8x16x8x128xf32, #tpu.memory_space<hbm>> -> memref<1x1x1x16x1x128xf32, #tpu.memory_space<hbm>>
    %dma_start3A_59 = tpu.memref_squeeze %dma_start3A_58 : memref<1x1x1x16x1x128xf32, #tpu.memory_space<hbm>> -> memref<16x128xf32, #tpu.memory_space<hbm>>
    %dma_start3A_60 = arith.constant 0 : i32
    %dma_start3A_61 = arith.constant 0 : i32
    %dma_start3A_62 = tpu.memref_slice %arg2[%dma_start3A_54, %dma_start3A_55, %select_n3A, %dma_start3A_60, %select_n3A_34, %dma_start3A_61] : memref<12x3x8x16x8x128xf32, #tpu.memory_space<hbm>> -> memref<1x1x1x16x1x128xf32, #tpu.memory_space<hbm>>
    %dma_start3A_63 = tpu.memref_squeeze %dma_start3A_62 : memref<1x1x1x16x1x128xf32, #tpu.memory_space<hbm>> -> memref<16x128xf32, #tpu.memory_space<hbm>>
    tpu.enqueue_dma source(%dma_start3A_63 : memref<16x128xf32, #tpu.memory_space<hbm>>) target(%arg19 : memref<16x128xf32, #tpu.memory_space<vmem>>) target_semaphore(%arg24 : memref<!tpu.dma_semaphore, #tpu.memory_space<semaphore_mem>>)
    %dma_start3A_64 = arith.constant 1 : i32
    %dma_start3A_65 = arith.constant 2 : i32
    %dma_start3A_66 = arith.constant 0 : i32
    %dma_start3A_67 = arith.constant 0 : i32
    %dma_start3A_68 = tpu.memref_slice %arg2[%dma_start3A_64, %dma_start3A_65, %select_n3A, %dma_start3A_66, %select_n3A_34, %dma_start3A_67] : memref<12x3x8x16x8x128xf32, #tpu.memory_space<hbm>> -> memref<1x1x1x16x1x128xf32, #tpu.memory_space<hbm>>
    %dma_start3A_69 = tpu.memref_squeeze %dma_start3A_68 : memref<1x1x1x16x1x128xf32, #tpu.memory_space<hbm>> -> memref<16x128xf32, #tpu.memory_space<hbm>>
    %dma_start3A_70 = arith.constant 0 : i32
    %dma_start3A_71 = arith.constant 0 : i32
    %dma_start3A_72 = tpu.memref_slice %arg2[%dma_start3A_64, %dma_start3A_65, %select_n3A, %dma_start3A_70, %select_n3A_34, %dma_start3A_71] : memref<12x3x8x16x8x128xf32, #tpu.memory_space<hbm>> -> memref<1x1x1x16x1x128xf32, #tpu.memory_space<hbm>>
    %dma_start3A_73 = tpu.memref_squeeze %dma_start3A_72 : memref<1x1x1x16x1x128xf32, #tpu.memory_space<hbm>> -> memref<16x128xf32, #tpu.memory_space<hbm>>
    tpu.enqueue_dma source(%dma_start3A_73 : memref<16x128xf32, #tpu.memory_space<hbm>>) target(%arg20 : memref<16x128xf32, #tpu.memory_space<vmem>>) target_semaphore(%arg24 : memref<!tpu.dma_semaphore, #tpu.memory_space<semaphore_mem>>)
    %scan3A = arith.constant 0 : i32
    %scan3A_74 = arith.constant 0 : i32
    %scan3A_75 = arith.constant 6 : i32
    %scan3A_76 = arith.addi %scan3A_74, %scan3A_75 : i32
    %scan3A_77 = arith.constant 1 : i32
    scf.for %scan3A_200 = %scan3A_74 to %scan3A_76 step %scan3A_77  : i32 {
      %mul3A_201 = arith.constant 2 : i32
      %mul3A_202 = arith.muli %scan3A_200, %mul3A_201 : i32
      %add3A_203 = arith.constant 0 : i32
      %add3A_204 = arith.addi %mul3A_202, %add3A_203 : i32
      %dma_wait3A_205 = arith.constant 1 : i32
      %dma_wait3A_206 = arith.constant 0 : i32
      %dma_wait3A_207 = arith.constant 0 : i32
      %dma_wait3A_208 = tpu.memref_slice %arg2[%add3A_204, %dma_wait3A_205, %select_n3A, %dma_wait3A_206, %select_n3A_34, %dma_wait3A_207] : memref<12x3x8x16x8x128xf32, #tpu.memory_space<hbm>> -> memref<1x1x1x16x1x128xf32, #tpu.memory_space<hbm>>
      %dma_wait3A_209 = tpu.memref_squeeze %dma_wait3A_208 : memref<1x1x1x16x1x128xf32, #tpu.memory_space<hbm>> -> memref<16x128xf32, #tpu.memory_space<hbm>>
      %dma_wait3A_210 = arith.constant 0 : i32
      %dma_wait3A_211 = arith.constant 0 : i32
      %dma_wait3A_212 = tpu.memref_slice %arg2[%add3A_204, %dma_wait3A_205, %select_n3A, %dma_wait3A_210, %select_n3A_34, %dma_wait3A_211] : memref<12x3x8x16x8x128xf32, #tpu.memory_space<hbm>> -> memref<1x1x1x16x1x128xf32, #tpu.memory_space<hbm>>
      %dma_wait3A_213 = tpu.memref_squeeze %dma_wait3A_212 : memref<1x1x1x16x1x128xf32, #tpu.memory_space<hbm>> -> memref<16x128xf32, #tpu.memory_space<hbm>>
      tpu.wait_dma2 semaphore(%arg23 : memref<!tpu.dma_semaphore, #tpu.memory_space<semaphore_mem>>) src(%dma_wait3A_213 : memref<16x128xf32, #tpu.memory_space<hbm>>) dst(%arg17 : memref<16x128xf32, #tpu.memory_space<vmem>>)
      %dma_wait3A_214 = arith.constant 2 : i32
      %dma_wait3A_215 = arith.constant 0 : i32
      %dma_wait3A_216 = arith.constant 0 : i32
      %dma_wait3A_217 = tpu.memref_slice %arg2[%add3A_204, %dma_wait3A_214, %select_n3A, %dma_wait3A_215, %select_n3A_34, %dma_wait3A_216] : memref<12x3x8x16x8x128xf32, #tpu.memory_space<hbm>> -> memref<1x1x1x16x1x128xf32, #tpu.memory_space<hbm>>
      %dma_wait3A_218 = tpu.memref_squeeze %dma_wait3A_217 : memref<1x1x1x16x1x128xf32, #tpu.memory_space<hbm>> -> memref<16x128xf32, #tpu.memory_space<hbm>>
      %dma_wait3A_219 = arith.constant 0 : i32
      %dma_wait3A_220 = arith.constant 0 : i32
      %dma_wait3A_221 = tpu.memref_slice %arg2[%add3A_204, %dma_wait3A_214, %select_n3A, %dma_wait3A_219, %select_n3A_34, %dma_wait3A_220] : memref<12x3x8x16x8x128xf32, #tpu.memory_space<hbm>> -> memref<1x1x1x16x1x128xf32, #tpu.memory_space<hbm>>
      %dma_wait3A_222 = tpu.memref_squeeze %dma_wait3A_221 : memref<1x1x1x16x1x128xf32, #tpu.memory_space<hbm>> -> memref<16x128xf32, #tpu.memory_space<hbm>>
      tpu.wait_dma2 semaphore(%arg23 : memref<!tpu.dma_semaphore, #tpu.memory_space<semaphore_mem>>) src(%dma_wait3A_222 : memref<16x128xf32, #tpu.memory_space<hbm>>) dst(%arg18 : memref<16x128xf32, #tpu.memory_space<vmem>>)
      %mul3A_223 = arith.constant 2048 : i32
      %mul3A_224 = arith.muli %add3A_204, %mul3A_223 : i32
      %add3A_225 = arith.constant 0 : i32
      %add3A_226 = arith.addi %add3A_225, %mul3A_224 : i32
      %parallel_loop3A = arith.constant 0 : i32
      %parallel_loop3A_227 = arith.constant 128 : i32
      %parallel_loop3A_228 = arith.constant 1 : i32
      scf.for %parallel_loop3A_270 = %parallel_loop3A to %parallel_loop3A_227 step %parallel_loop3A_228  : i32 {
        %parallel_loop3A_271 = arith.constant 8 : i32
        %parallel_loop3A_272 = arith.divsi %parallel_loop3A_270, %parallel_loop3A_271 : i32
        %parallel_loop3A_273 = arith.constant 8 : i32
        %parallel_loop3A_274 = arith.muli %parallel_loop3A_272, %parallel_loop3A_273 : i32
        %parallel_loop3A_275 = arith.subi %parallel_loop3A_270, %parallel_loop3A_274 : i32
        %parallel_loop3A_276 = arith.constant 16 : i32
        %parallel_loop3A_277 = arith.muli %parallel_loop3A_275, %parallel_loop3A_276 : i32
        %parallel_loop3A_278 = arith.index_cast %parallel_loop3A_272 : i32 to index
        %parallel_loop3A_279 = arith.index_cast %parallel_loop3A_277 : i32 to index
        %parallel_loop3A_280 = tpu.vector_load %arg17[%parallel_loop3A_278, %parallel_loop3A_279] {strides = array<i32>} : memref<16x128xf32, #tpu.memory_space<vmem>>, vector<16xf32>,
        %parallel_loop3A_281 = arith.constant 2.880000e+02 : f32
        %parallel_loop3A_282 = vector.broadcast %parallel_loop3A_281 : f32 to vector<16xf32>
        %parallel_loop3A_283 = arith.mulf %parallel_loop3A_280, %parallel_loop3A_282 : vector<16xf32>
        %parallel_loop3A_284 = arith.fptosi %parallel_loop3A_283 : vector<16xf32> to vector<16xi32>
        %parallel_loop3A_285 = arith.constant 0 : i32
        %parallel_loop3A_286 = vector.broadcast %parallel_loop3A_285 : i32 to vector<16xi32>
        %parallel_loop3A_287 = arith.maxsi %parallel_loop3A_284, %parallel_loop3A_286 : vector<16xi32>
        %parallel_loop3A_288 = arith.constant 287 : i32
        %parallel_loop3A_289 = vector.broadcast %parallel_loop3A_288 : i32 to vector<16xi32>
        %parallel_loop3A_290 = arith.minsi %parallel_loop3A_287, %parallel_loop3A_289 : vector<16xi32>
        %parallel_loop3A_291 = arith.constant 16 : i32
        %parallel_loop3A_292 = arith.muli %parallel_loop3A_275, %parallel_loop3A_291 : i32
        %parallel_loop3A_293 = arith.index_cast %parallel_loop3A_272 : i32 to index
        %parallel_loop3A_294 = arith.index_cast %parallel_loop3A_292 : i32 to index
        %parallel_loop3A_295 = tpu.vector_load %arg18[%parallel_loop3A_293, %parallel_loop3A_294] {strides = array<i32>} : memref<16x128xf32, #tpu.memory_space<vmem>>, vector<16xf32>,
        %parallel_loop3A_296 = arith.fptosi %parallel_loop3A_295 : vector<16xf32> to vector<16xi32>
        %parallel_loop3A_297 = arith.constant 0 : i32
        %parallel_loop3A_298 = vector.broadcast %parallel_loop3A_297 : i32 to vector<16xi32>
        %parallel_loop3A_299 = arith.maxsi %parallel_loop3A_296, %parallel_loop3A_298 : vector<16xi32>
        %parallel_loop3A_300 = arith.constant 6 : i32
        %parallel_loop3A_301 = vector.broadcast %parallel_loop3A_300 : i32 to vector<16xi32>
        %parallel_loop3A_302 = arith.minsi %parallel_loop3A_299, %parallel_loop3A_301 : vector<16xi32>
        %parallel_loop3A_303 = arith.constant 7 : i32
        %parallel_loop3A_304 = vector.broadcast %parallel_loop3A_303 : i32 to vector<16xi32>
        %parallel_loop3A_305 = arith.muli %parallel_loop3A_290, %parallel_loop3A_304 : vector<16xi32>
        %parallel_loop3A_306 = arith.addi %parallel_loop3A_305, %parallel_loop3A_302 : vector<16xi32>
        %parallel_loop3A_307 = arith.constant 16 : i32
        %parallel_loop3A_308 = arith.muli %parallel_loop3A_270, %parallel_loop3A_307 : i32
        %parallel_loop3A_309 = arith.addi %add3A_226, %parallel_loop3A_308 : i32
        %parallel_loop3A_310 = arith.index_cast %parallel_loop3A_309 : i32 to index
        %parallel_loop3A_311 = tpu.vector_load %arg6[%parallel_loop3A_310] {strides = array<i32>} : memref<49152xi32, #tpu.memory_space<vmem>>, vector<16xi32>,
        tpu.vector_store %arg6[%parallel_loop3A_310], %parallel_loop3A_306 {strides = array<i32>} : memref<49152xi32, #tpu.memory_space<vmem>>, vector<16xi32>,
      } {sc.loop_unroll_factor = 2 : i64, sc.parallel_access}
      %add3A_229 = arith.constant 2 : i32
      %add3A_230 = arith.addi %add3A_204, %add3A_229 : i32
      %lt3A_231 = arith.constant 12 : i32
      %lt3A_232 = arith.cmpi slt, %add3A_230, %lt3A_231 : i32
      %convert_element_type3A = arith.extui %lt3A_232 : i1 to i32
      %cond3A = arith.constant 0 : i32
      %cond3A_233 = arith.cmpi ne, %convert_element_type3A, %cond3A : i32
      scf.if %cond3A_233 {
        %add3A_270 = arith.constant 2 : i32
        %add3A_271 = arith.addi %add3A_204, %add3A_270 : i32
        %dma_start3A_272 = arith.constant 1 : i32
        %dma_start3A_273 = arith.constant 0 : i32
        %dma_start3A_274 = arith.constant 0 : i32
        %dma_start3A_275 = tpu.memref_slice %arg2[%add3A_271, %dma_start3A_272, %select_n3A, %dma_start3A_273, %select_n3A_34, %dma_start3A_274] : memref<12x3x8x16x8x128xf32, #tpu.memory_space<hbm>> -> memref<1x1x1x16x1x128xf32, #tpu.memory_space<hbm>>
        %dma_start3A_276 = tpu.memref_squeeze %dma_start3A_275 : memref<1x1x1x16x1x128xf32, #tpu.memory_space<hbm>> -> memref<16x128xf32, #tpu.memory_space<hbm>>
        %dma_start3A_277 = arith.constant 0 : i32
        %dma_start3A_278 = arith.constant 0 : i32
        %dma_start3A_279 = tpu.memref_slice %arg2[%add3A_271, %dma_start3A_272, %select_n3A, %dma_start3A_277, %select_n3A_34, %dma_start3A_278] : memref<12x3x8x16x8x128xf32, #tpu.memory_space<hbm>> -> memref<1x1x1x16x1x128xf32, #tpu.memory_space<hbm>>
        %dma_start3A_280 = tpu.memref_squeeze %dma_start3A_279 : memref<1x1x1x16x1x128xf32, #tpu.memory_space<hbm>> -> memref<16x128xf32, #tpu.memory_space<hbm>>
        tpu.enqueue_dma source(%dma_start3A_280 : memref<16x128xf32, #tpu.memory_space<hbm>>) target(%arg17 : memref<16x128xf32, #tpu.memory_space<vmem>>) target_semaphore(%arg23 : memref<!tpu.dma_semaphore, #tpu.memory_space<semaphore_mem>>)
        %add3A_281 = arith.constant 2 : i32
        %add3A_282 = arith.addi %add3A_204, %add3A_281 : i32
        %dma_start3A_283 = arith.constant 2 : i32
        %dma_start3A_284 = arith.constant 0 : i32
        %dma_start3A_285 = arith.constant 0 : i32
        %dma_start3A_286 = tpu.memref_slice %arg2[%add3A_282, %dma_start3A_283, %select_n3A, %dma_start3A_284, %select_n3A_34, %dma_start3A_285] : memref<12x3x8x16x8x128xf32, #tpu.memory_space<hbm>> -> memref<1x1x1x16x1x128xf32, #tpu.memory_space<hbm>>
        %dma_start3A_287 = tpu.memref_squeeze %dma_start3A_286 : memref<1x1x1x16x1x128xf32, #tpu.memory_space<hbm>> -> memref<16x128xf32, #tpu.memory_space<hbm>>
        %dma_start3A_288 = arith.constant 0 : i32
        %dma_start3A_289 = arith.constant 0 : i32
        %dma_start3A_290 = tpu.memref_slice %arg2[%add3A_282, %dma_start3A_283, %select_n3A, %dma_start3A_288, %select_n3A_34, %dma_start3A_289] : memref<12x3x8x16x8x128xf32, #tpu.memory_space<hbm>> -> memref<1x1x1x16x1x128xf32, #tpu.memory_space<hbm>>
        %dma_start3A_291 = tpu.memref_squeeze %dma_start3A_290 : memref<1x1x1x16x1x128xf32, #tpu.memory_space<hbm>> -> memref<16x128xf32, #tpu.memory_space<hbm>>
        tpu.enqueue_dma source(%dma_start3A_291 : memref<16x128xf32, #tpu.memory_space<hbm>>) target(%arg18 : memref<16x128xf32, #tpu.memory_space<vmem>>) target_semaphore(%arg23 : memref<!tpu.dma_semaphore, #tpu.memory_space<semaphore_mem>>)
      } else {
      }
      %mul3A_234 = arith.constant 2 : i32
      %mul3A_235 = arith.muli %scan3A_200, %mul3A_234 : i32
      %add3A_236 = arith.constant 1 : i32
      %add3A_237 = arith.addi %mul3A_235, %add3A_236 : i32
      %dma_wait3A_238 = arith.constant 1 : i32
      %dma_wait3A_239 = arith.constant 0 : i32
      %dma_wait3A_240 = arith.constant 0 : i32
      %dma_wait3A_241 = tpu.memref_slice %arg2[%add3A_237, %dma_wait3A_238, %select_n3A, %dma_wait3A_239, %select_n3A_34, %dma_wait3A_240] : memref<12x3x8x16x8x128xf32, #tpu.memory_space<hbm>> -> memref<1x1x1x16x1x128xf32, #tpu.memory_space<hbm>>
      %dma_wait3A_242 = tpu.memref_squeeze %dma_wait3A_241 : memref<1x1x1x16x1x128xf32, #tpu.memory_space<hbm>> -> memref<16x128xf32, #tpu.memory_space<hbm>>
      %dma_wait3A_243 = arith.constant 0 : i32
      %dma_wait3A_244 = arith.constant 0 : i32
      %dma_wait3A_245 = tpu.memref_slice %arg2[%add3A_237, %dma_wait3A_238, %select_n3A, %dma_wait3A_243, %select_n3A_34, %dma_wait3A_244] : memref<12x3x8x16x8x128xf32, #tpu.memory_space<hbm>> -> memref<1x1x1x16x1x128xf32, #tpu.memory_space<hbm>>
      %dma_wait3A_246 = tpu.memref_squeeze %dma_wait3A_245 : memref<1x1x1x16x1x128xf32, #tpu.memory_space<hbm>> -> memref<16x128xf32, #tpu.memory_space<hbm>>
      tpu.wait_dma2 semaphore(%arg24 : memref<!tpu.dma_semaphore, #tpu.memory_space<semaphore_mem>>) src(%dma_wait3A_246 : memref<16x128xf32, #tpu.memory_space<hbm>>) dst(%arg19 : memref<16x128xf32, #tpu.memory_space<vmem>>)
      %dma_wait3A_247 = arith.constant 2 : i32
      %dma_wait3A_248 = arith.constant 0 : i32
      %dma_wait3A_249 = arith.constant 0 : i32
      %dma_wait3A_250 = tpu.memref_slice %arg2[%add3A_237, %dma_wait3A_247, %select_n3A, %dma_wait3A_248, %select_n3A_34, %dma_wait3A_249] : memref<12x3x8x16x8x128xf32, #tpu.memory_space<hbm>> -> memref<1x1x1x16x1x128xf32, #tpu.memory_space<hbm>>
      %dma_wait3A_251 = tpu.memref_squeeze %dma_wait3A_250 : memref<1x1x1x16x1x128xf32, #tpu.memory_space<hbm>> -> memref<16x128xf32, #tpu.memory_space<hbm>>
      %dma_wait3A_252 = arith.constant 0 : i32
      %dma_wait3A_253 = arith.constant 0 : i32
      %dma_wait3A_254 = tpu.memref_slice %arg2[%add3A_237, %dma_wait3A_247, %select_n3A, %dma_wait3A_252, %select_n3A_34, %dma_wait3A_253] : memref<12x3x8x16x8x128xf32, #tpu.memory_space<hbm>> -> memref<1x1x1x16x1x128xf32, #tpu.memory_space<hbm>>
      %dma_wait3A_255 = tpu.memref_squeeze %dma_wait3A_254 : memref<1x1x1x16x1x128xf32, #tpu.memory_space<hbm>> -> memref<16x128xf32, #tpu.memory_space<hbm>>
      tpu.wait_dma2 semaphore(%arg24 : memref<!tpu.dma_semaphore, #tpu.memory_space<semaphore_mem>>) src(%dma_wait3A_255 : memref<16x128xf32, #tpu.memory_space<hbm>>) dst(%arg20 : memref<16x128xf32, #tpu.memory_space<vmem>>)
      %mul3A_256 = arith.constant 2048 : i32
      %mul3A_257 = arith.muli %add3A_237, %mul3A_256 : i32
      %add3A_258 = arith.constant 0 : i32
      %add3A_259 = arith.addi %add3A_258, %mul3A_257 : i32
      %parallel_loop3A_260 = arith.constant 0 : i32
      %parallel_loop3A_261 = arith.constant 128 : i32
      %parallel_loop3A_262 = arith.constant 1 : i32
      scf.for %parallel_loop3A_270 = %parallel_loop3A_260 to %parallel_loop3A_261 step %parallel_loop3A_262  : i32 {
        %parallel_loop3A_271 = arith.constant 8 : i32
        %parallel_loop3A_272 = arith.divsi %parallel_loop3A_270, %parallel_loop3A_271 : i32
        %parallel_loop3A_273 = arith.constant 8 : i32
        %parallel_loop3A_274 = arith.muli %parallel_loop3A_272, %parallel_loop3A_273 : i32
        %parallel_loop3A_275 = arith.subi %parallel_loop3A_270, %parallel_loop3A_274 : i32
        %parallel_loop3A_276 = arith.constant 16 : i32
        %parallel_loop3A_277 = arith.muli %parallel_loop3A_275, %parallel_loop3A_276 : i32
        %parallel_loop3A_278 = arith.index_cast %parallel_loop3A_272 : i32 to index
        %parallel_loop3A_279 = arith.index_cast %parallel_loop3A_277 : i32 to index
        %parallel_loop3A_280 = tpu.vector_load %arg19[%parallel_loop3A_278, %parallel_loop3A_279] {strides = array<i32>} : memref<16x128xf32, #tpu.memory_space<vmem>>, vector<16xf32>,
        %parallel_loop3A_281 = arith.constant 2.880000e+02 : f32
        %parallel_loop3A_282 = vector.broadcast %parallel_loop3A_281 : f32 to vector<16xf32>
        %parallel_loop3A_283 = arith.mulf %parallel_loop3A_280, %parallel_loop3A_282 : vector<16xf32>
        %parallel_loop3A_284 = arith.fptosi %parallel_loop3A_283 : vector<16xf32> to vector<16xi32>
        %parallel_loop3A_285 = arith.constant 0 : i32
        %parallel_loop3A_286 = vector.broadcast %parallel_loop3A_285 : i32 to vector<16xi32>
        %parallel_loop3A_287 = arith.maxsi %parallel_loop3A_284, %parallel_loop3A_286 : vector<16xi32>
        %parallel_loop3A_288 = arith.constant 287 : i32
        %parallel_loop3A_289 = vector.broadcast %parallel_loop3A_288 : i32 to vector<16xi32>
        %parallel_loop3A_290 = arith.minsi %parallel_loop3A_287, %parallel_loop3A_289 : vector<16xi32>
        %parallel_loop3A_291 = arith.constant 16 : i32
        %parallel_loop3A_292 = arith.muli %parallel_loop3A_275, %parallel_loop3A_291 : i32
        %parallel_loop3A_293 = arith.index_cast %parallel_loop3A_272 : i32 to index
        %parallel_loop3A_294 = arith.index_cast %parallel_loop3A_292 : i32 to index
        %parallel_loop3A_295 = tpu.vector_load %arg20[%parallel_loop3A_293, %parallel_loop3A_294] {strides = array<i32>} : memref<16x128xf32, #tpu.memory_space<vmem>>, vector<16xf32>,
        %parallel_loop3A_296 = arith.fptosi %parallel_loop3A_295 : vector<16xf32> to vector<16xi32>
        %parallel_loop3A_297 = arith.constant 0 : i32
        %parallel_loop3A_298 = vector.broadcast %parallel_loop3A_297 : i32 to vector<16xi32>
        %parallel_loop3A_299 = arith.maxsi %parallel_loop3A_296, %parallel_loop3A_298 : vector<16xi32>
        %parallel_loop3A_300 = arith.constant 6 : i32
        %parallel_loop3A_301 = vector.broadcast %parallel_loop3A_300 : i32 to vector<16xi32>
        %parallel_loop3A_302 = arith.minsi %parallel_loop3A_299, %parallel_loop3A_301 : vector<16xi32>
        %parallel_loop3A_303 = arith.constant 7 : i32
        %parallel_loop3A_304 = vector.broadcast %parallel_loop3A_303 : i32 to vector<16xi32>
        %parallel_loop3A_305 = arith.muli %parallel_loop3A_290, %parallel_loop3A_304 : vector<16xi32>
        %parallel_loop3A_306 = arith.addi %parallel_loop3A_305, %parallel_loop3A_302 : vector<16xi32>
        %parallel_loop3A_307 = arith.constant 16 : i32
        %parallel_loop3A_308 = arith.muli %parallel_loop3A_270, %parallel_loop3A_307 : i32
        %parallel_loop3A_309 = arith.addi %add3A_259, %parallel_loop3A_308 : i32
        %parallel_loop3A_310 = arith.index_cast %parallel_loop3A_309 : i32 to index
        %parallel_loop3A_311 = tpu.vector_load %arg6[%parallel_loop3A_310] {strides = array<i32>} : memref<49152xi32, #tpu.memory_space<vmem>>, vector<16xi32>,
        tpu.vector_store %arg6[%parallel_loop3A_310], %parallel_loop3A_306 {strides = array<i32>} : memref<49152xi32, #tpu.memory_space<vmem>>, vector<16xi32>,
      } {sc.loop_unroll_factor = 2 : i64, sc.parallel_access}
      %add3A_263 = arith.constant 2 : i32
      %add3A_264 = arith.addi %add3A_237, %add3A_263 : i32
      %lt3A_265 = arith.constant 12 : i32
      %lt3A_266 = arith.cmpi slt, %add3A_264, %lt3A_265 : i32
      %convert_element_type3A_267 = arith.extui %lt3A_266 : i1 to i32
      %cond3A_268 = arith.constant 0 : i32
      %cond3A_269 = arith.cmpi ne, %convert_element_type3A_267, %cond3A_268 : i32
      scf.if %cond3A_269 {
        %add3A_270 = arith.constant 2 : i32
        %add3A_271 = arith.addi %add3A_237, %add3A_270 : i32
        %dma_start3A_272 = arith.constant 1 : i32
        %dma_start3A_273 = arith.constant 0 : i32
        %dma_start3A_274 = arith.constant 0 : i32
        %dma_start3A_275 = tpu.memref_slice %arg2[%add3A_271, %dma_start3A_272, %select_n3A, %dma_start3A_273, %select_n3A_34, %dma_start3A_274] : memref<12x3x8x16x8x128xf32, #tpu.memory_space<hbm>> -> memref<1x1x1x16x1x128xf32, #tpu.memory_space<hbm>>
        %dma_start3A_276 = tpu.memref_squeeze %dma_start3A_275 : memref<1x1x1x16x1x128xf32, #tpu.memory_space<hbm>> -> memref<16x128xf32, #tpu.memory_space<hbm>>
        %dma_start3A_277 = arith.constant 0 : i32
        %dma_start3A_278 = arith.constant 0 : i32
        %dma_start3A_279 = tpu.memref_slice %arg2[%add3A_271, %dma_start3A_272, %select_n3A, %dma_start3A_277, %select_n3A_34, %dma_start3A_278] : memref<12x3x8x16x8x128xf32, #tpu.memory_space<hbm>> -> memref<1x1x1x16x1x128xf32, #tpu.memory_space<hbm>>
        %dma_start3A_280 = tpu.memref_squeeze %dma_start3A_279 : memref<1x1x1x16x1x128xf32, #tpu.memory_space<hbm>> -> memref<16x128xf32, #tpu.memory_space<hbm>>
        tpu.enqueue_dma source(%dma_start3A_280 : memref<16x128xf32, #tpu.memory_space<hbm>>) target(%arg19 : memref<16x128xf32, #tpu.memory_space<vmem>>) target_semaphore(%arg24 : memref<!tpu.dma_semaphore, #tpu.memory_space<semaphore_mem>>)
        %add3A_281 = arith.constant 2 : i32
        %add3A_282 = arith.addi %add3A_237, %add3A_281 : i32
        %dma_start3A_283 = arith.constant 2 : i32
        %dma_start3A_284 = arith.constant 0 : i32
        %dma_start3A_285 = arith.constant 0 : i32
        %dma_start3A_286 = tpu.memref_slice %arg2[%add3A_282, %dma_start3A_283, %select_n3A, %dma_start3A_284, %select_n3A_34, %dma_start3A_285] : memref<12x3x8x16x8x128xf32, #tpu.memory_space<hbm>> -> memref<1x1x1x16x1x128xf32, #tpu.memory_space<hbm>>
        %dma_start3A_287 = tpu.memref_squeeze %dma_start3A_286 : memref<1x1x1x16x1x128xf32, #tpu.memory_space<hbm>> -> memref<16x128xf32, #tpu.memory_space<hbm>>
        %dma_start3A_288 = arith.constant 0 : i32
        %dma_start3A_289 = arith.constant 0 : i32
        %dma_start3A_290 = tpu.memref_slice %arg2[%add3A_282, %dma_start3A_283, %select_n3A, %dma_start3A_288, %select_n3A_34, %dma_start3A_289] : memref<12x3x8x16x8x128xf32, #tpu.memory_space<hbm>> -> memref<1x1x1x16x1x128xf32, #tpu.memory_space<hbm>>
        %dma_start3A_291 = tpu.memref_squeeze %dma_start3A_290 : memref<1x1x1x16x1x128xf32, #tpu.memory_space<hbm>> -> memref<16x128xf32, #tpu.memory_space<hbm>>
        tpu.enqueue_dma source(%dma_start3A_291 : memref<16x128xf32, #tpu.memory_space<hbm>>) target(%arg20 : memref<16x128xf32, #tpu.memory_space<vmem>>) target_semaphore(%arg24 : memref<!tpu.dma_semaphore, #tpu.memory_space<semaphore_mem>>)
      } else {
      }
    }
    %scan3A_78 = arith.constant 6 : i32
    %mul3A_79 = arith.constant 2 : i32
    %mul3A_80 = arith.muli %add3A, %mul3A_79 : i32
    %add3A_81 = arith.constant 1 : i32
    %add3A_82 = arith.addi %mul3A_80, %add3A_81 : i32
    %jit3A_83 = arith.constant 8 : i32
    %div3A_84 = arith.divsi %add3A_82, %jit3A_83 : i32
    %sign3A_85 = arith.constant 0 : i32
    %sign3A_86 = arith.cmpi sgt, %add3A_82, %sign3A_85 : i32
    %sign3A_87 = arith.extui %sign3A_86 : i1 to i32
    %sign3A_88 = arith.constant 0 : i32
    %sign3A_89 = arith.cmpi slt, %add3A_82, %sign3A_88 : i32
    %sign3A_90 = arith.extui %sign3A_89 : i1 to i32
    %sign3A_91 = arith.subi %sign3A_87, %sign3A_90 : i32
    %sign3A_92 = arith.constant 0 : i32
    %sign3A_93 = arith.cmpi sgt, %jit3A_83, %sign3A_92 : i32
    %sign3A_94 = arith.extui %sign3A_93 : i1 to i32
    %sign3A_95 = arith.constant 0 : i32
    %sign3A_96 = arith.cmpi slt, %jit3A_83, %sign3A_95 : i32
    %sign3A_97 = arith.extui %sign3A_96 : i1 to i32
    %sign3A_98 = arith.subi %sign3A_94, %sign3A_97 : i32
    %ne3A_99 = arith.cmpi ne, %sign3A_91, %sign3A_98 : i32
    %rem3A_100 = arith.remsi %add3A_82, %jit3A_83 : i32
    %ne3A_101 = arith.constant 0 : i32
    %ne3A_102 = arith.cmpi ne, %rem3A_100, %ne3A_101 : i32
    %and3A_103 = arith.andi %ne3A_99, %ne3A_102 : i1
    %sub3A_104 = arith.constant 1 : i32
    %sub3A_105 = arith.subi %div3A_84, %sub3A_104 : i32
    %select_n3A_106 = arith.select %and3A_103, %sub3A_105, %div3A_84 : i32
    %jit3A_107 = arith.constant 8 : i32
    %eq3A_108 = arith.constant 0 : i32
    %eq3A_109 = arith.cmpi eq, %jit3A_107, %eq3A_108 : i32
    %jit3A_110 = arith.constant 1 : i32
    %select_n3A_111 = arith.select %eq3A_109, %jit3A_110, %jit3A_107 : i32
    %rem3A_112 = arith.remsi %add3A_82, %select_n3A_111 : i32
    %ne3A_113 = arith.constant 0 : i32
    %ne3A_114 = arith.cmpi ne, %rem3A_112, %ne3A_113 : i32
    %lt3A_115 = arith.constant 0 : i32
    %lt3A_116 = arith.cmpi slt, %rem3A_112, %lt3A_115 : i32
    %lt3A_117 = arith.constant 0 : i32
    %lt3A_118 = arith.cmpi slt, %select_n3A_111, %lt3A_117 : i32
    %ne3A_119 = arith.xori %lt3A_116, %lt3A_118 : i1
    %and3A_120 = arith.andi %ne3A_119, %ne3A_114 : i1
    %add3A_121 = arith.addi %rem3A_112, %select_n3A_111 : i32
    %select_n3A_122 = arith.select %and3A_120, %add3A_121, %rem3A_112 : i32
    %dma_start3A_123 = arith.constant 0 : i32
    %dma_start3A_124 = arith.constant 1 : i32
    %dma_start3A_125 = arith.constant 0 : i32
    %dma_start3A_126 = arith.constant 0 : i32
    %dma_start3A_127 = tpu.memref_slice %arg2[%dma_start3A_123, %dma_start3A_124, %select_n3A_106, %dma_start3A_125, %select_n3A_122, %dma_start3A_126] : memref<12x3x8x16x8x128xf32, #tpu.memory_space<hbm>> -> memref<1x1x1x16x1x128xf32, #tpu.memory_space<hbm>>
    %dma_start3A_128 = tpu.memref_squeeze %dma_start3A_127 : memref<1x1x1x16x1x128xf32, #tpu.memory_space<hbm>> -> memref<16x128xf32, #tpu.memory_space<hbm>>
    %dma_start3A_129 = arith.constant 0 : i32
    %dma_start3A_130 = arith.constant 0 : i32
    %dma_start3A_131 = tpu.memref_slice %arg2[%dma_start3A_123, %dma_start3A_124, %select_n3A_106, %dma_start3A_129, %select_n3A_122, %dma_start3A_130] : memref<12x3x8x16x8x128xf32, #tpu.memory_space<hbm>> -> memref<1x1x1x16x1x128xf32, #tpu.memory_space<hbm>>
    %dma_start3A_132 = tpu.memref_squeeze %dma_start3A_131 : memref<1x1x1x16x1x128xf32, #tpu.memory_space<hbm>> -> memref<16x128xf32, #tpu.memory_space<hbm>>
    tpu.enqueue_dma source(%dma_start3A_132 : memref<16x128xf32, #tpu.memory_space<hbm>>) target(%arg17 : memref<16x128xf32, #tpu.memory_space<vmem>>) target_semaphore(%arg23 : memref<!tpu.dma_semaphore, #tpu.memory_space<semaphore_mem>>)
    %dma_start3A_133 = arith.constant 0 : i32
    %dma_start3A_134 = arith.constant 2 : i32
    %dma_start3A_135 = arith.constant 0 : i32
    %dma_start3A_136 = arith.constant 0 : i32
    %dma_start3A_137 = tpu.memref_slice %arg2[%dma_start3A_133, %dma_start3A_134, %select_n3A_106, %dma_start3A_135, %select_n3A_122, %dma_start3A_136] : memref<12x3x8x16x8x128xf32, #tpu.memory_space<hbm>> -> memref<1x1x1x16x1x128xf32, #tpu.memory_space<hbm>>
    %dma_start3A_138 = tpu.memref_squeeze %dma_start3A_137 : memref<1x1x1x16x1x128xf32, #tpu.memory_space<hbm>> -> memref<16x128xf32, #tpu.memory_space<hbm>>
    %dma_start3A_139 = arith.constant 0 : i32
    %dma_start3A_140 = arith.constant 0 : i32
    %dma_start3A_141 = tpu.memref_slice %arg2[%dma_start3A_133, %dma_start3A_134, %select_n3A_106, %dma_start3A_139, %select_n3A_122, %dma_start3A_140] : memref<12x3x8x16x8x128xf32, #tpu.memory_space<hbm>> -> memref<1x1x1x16x1x128xf32, #tpu.memory_space<hbm>>
    %dma_start3A_142 = tpu.memref_squeeze %dma_start3A_141 : memref<1x1x1x16x1x128xf32, #tpu.memory_space<hbm>> -> memref<16x128xf32, #tpu.memory_space<hbm>>
    tpu.enqueue_dma source(%dma_start3A_142 : memref<16x128xf32, #tpu.memory_space<hbm>>) target(%arg18 : memref<16x128xf32, #tpu.memory_space<vmem>>) target_semaphore(%arg23 : memref<!tpu.dma_semaphore, #tpu.memory_space<semaphore_mem>>)
    %dma_start3A_143 = arith.constant 1 : i32
    %dma_start3A_144 = arith.constant 1 : i32
    %dma_start3A_145 = arith.constant 0 : i32
    %dma_start3A_146 = arith.constant 0 : i32
    %dma_start3A_147 = tpu.memref_slice %arg2[%dma_start3A_143, %dma_start3A_144, %select_n3A_106, %dma_start3A_145, %select_n3A_122, %dma_start3A_146] : memref<12x3x8x16x8x128xf32, #tpu.memory_space<hbm>> -> memref<1x1x1x16x1x128xf32, #tpu.memory_space<hbm>>
    %dma_start3A_148 = tpu.memref_squeeze %dma_start3A_147 : memref<1x1x1x16x1x128xf32, #tpu.memory_space<hbm>> -> memref<16x128xf32, #tpu.memory_space<hbm>>
    %dma_start3A_149 = arith.constant 0 : i32
    %dma_start3A_150 = arith.constant 0 : i32
    %dma_start3A_151 = tpu.memref_slice %arg2[%dma_start3A_143, %dma_start3A_144, %select_n3A_106, %dma_start3A_149, %select_n3A_122, %dma_start3A_150] : memref<12x3x8x16x8x128xf32, #tpu.memory_space<hbm>> -> memref<1x1x1x16x1x128xf32, #tpu.memory_space<hbm>>
    %dma_start3A_152 = tpu.memref_squeeze %dma_start3A_151 : memref<1x1x1x16x1x128xf32, #tpu.memory_space<hbm>> -> memref<16x128xf32, #tpu.memory_space<hbm>>
    tpu.enqueue_dma source(%dma_start3A_152 : memref<16x128xf32, #tpu.memory_space<hbm>>) target(%arg19 : memref<16x128xf32, #tpu.memory_space<vmem>>) target_semaphore(%arg24 : memref<!tpu.dma_semaphore, #tpu.memory_space<semaphore_mem>>)
    %dma_start3A_153 = arith.constant 1 : i32
    %dma_start3A_154 = arith.constant 2 : i32
    %dma_start3A_155 = arith.constant 0 : i32
    %dma_start3A_156 = arith.constant 0 : i32
    %dma_start3A_157 = tpu.memref_slice %arg2[%dma_start3A_153, %dma_start3A_154, %select_n3A_106, %dma_start3A_155, %select_n3A_122, %dma_start3A_156] : memref<12x3x8x16x8x128xf32, #tpu.memory_space<hbm>> -> memref<1x1x1x16x1x128xf32, #tpu.memory_space<hbm>>
    %dma_start3A_158 = tpu.memref_squeeze %dma_start3A_157 : memref<1x1x1x16x1x128xf32, #tpu.memory_space<hbm>> -> memref<16x128xf32, #tpu.memory_space<hbm>>
    %dma_start3A_159 = arith.constant 0 : i32
    %dma_start3A_160 = arith.constant 0 : i32
    %dma_start3A_161 = tpu.memref_slice %arg2[%dma_start3A_153, %dma_start3A_154, %select_n3A_106, %dma_start3A_159, %select_n3A_122, %dma_start3A_160] : memref<12x3x8x16x8x128xf32, #tpu.memory_space<hbm>> -> memref<1x1x1x16x1x128xf32, #tpu.memory_space<hbm>>
    %dma_start3A_162 = tpu.memref_squeeze %dma_start3A_161 : memref<1x1x1x16x1x128xf32, #tpu.memory_space<hbm>> -> memref<16x128xf32, #tpu.memory_space<hbm>>
    tpu.enqueue_dma source(%dma_start3A_162 : memref<16x128xf32, #tpu.memory_space<hbm>>) target(%arg20 : memref<16x128xf32, #tpu.memory_space<vmem>>) target_semaphore(%arg24 : memref<!tpu.dma_semaphore, #tpu.memory_space<semaphore_mem>>)
    %scan3A_163 = arith.constant 0 : i32
    %scan3A_164 = arith.constant 0 : i32
    %scan3A_165 = arith.constant 6 : i32
    %scan3A_166 = arith.addi %scan3A_164, %scan3A_165 : i32
    %scan3A_167 = arith.constant 1 : i32
    scf.for %scan3A_200 = %scan3A_164 to %scan3A_166 step %scan3A_167  : i32 {
      %mul3A_201 = arith.constant 2 : i32
      %mul3A_202 = arith.muli %scan3A_200, %mul3A_201 : i32
      %add3A_203 = arith.constant 0 : i32
      %add3A_204 = arith.addi %mul3A_202, %add3A_203 : i32
      %dma_wait3A_205 = arith.constant 1 : i32
      %dma_wait3A_206 = arith.constant 0 : i32
      %dma_wait3A_207 = arith.constant 0 : i32
      %dma_wait3A_208 = tpu.memref_slice %arg2[%add3A_204, %dma_wait3A_205, %select_n3A_106, %dma_wait3A_206, %select_n3A_122, %dma_wait3A_207] : memref<12x3x8x16x8x128xf32, #tpu.memory_space<hbm>> -> memref<1x1x1x16x1x128xf32, #tpu.memory_space<hbm>>
      %dma_wait3A_209 = tpu.memref_squeeze %dma_wait3A_208 : memref<1x1x1x16x1x128xf32, #tpu.memory_space<hbm>> -> memref<16x128xf32, #tpu.memory_space<hbm>>
      %dma_wait3A_210 = arith.constant 0 : i32
      %dma_wait3A_211 = arith.constant 0 : i32
      %dma_wait3A_212 = tpu.memref_slice %arg2[%add3A_204, %dma_wait3A_205, %select_n3A_106, %dma_wait3A_210, %select_n3A_122, %dma_wait3A_211] : memref<12x3x8x16x8x128xf32, #tpu.memory_space<hbm>> -> memref<1x1x1x16x1x128xf32, #tpu.memory_space<hbm>>
      %dma_wait3A_213 = tpu.memref_squeeze %dma_wait3A_212 : memref<1x1x1x16x1x128xf32, #tpu.memory_space<hbm>> -> memref<16x128xf32, #tpu.memory_space<hbm>>
      tpu.wait_dma2 semaphore(%arg23 : memref<!tpu.dma_semaphore, #tpu.memory_space<semaphore_mem>>) src(%dma_wait3A_213 : memref<16x128xf32, #tpu.memory_space<hbm>>) dst(%arg17 : memref<16x128xf32, #tpu.memory_space<vmem>>)
      %dma_wait3A_214 = arith.constant 2 : i32
      %dma_wait3A_215 = arith.constant 0 : i32
      %dma_wait3A_216 = arith.constant 0 : i32
      %dma_wait3A_217 = tpu.memref_slice %arg2[%add3A_204, %dma_wait3A_214, %select_n3A_106, %dma_wait3A_215, %select_n3A_122, %dma_wait3A_216] : memref<12x3x8x16x8x128xf32, #tpu.memory_space<hbm>> -> memref<1x1x1x16x1x128xf32, #tpu.memory_space<hbm>>
      %dma_wait3A_218 = tpu.memref_squeeze %dma_wait3A_217 : memref<1x1x1x16x1x128xf32, #tpu.memory_space<hbm>> -> memref<16x128xf32, #tpu.memory_space<hbm>>
      %dma_wait3A_219 = arith.constant 0 : i32
      %dma_wait3A_220 = arith.constant 0 : i32
      %dma_wait3A_221 = tpu.memref_slice %arg2[%add3A_204, %dma_wait3A_214, %select_n3A_106, %dma_wait3A_219, %select_n3A_122, %dma_wait3A_220] : memref<12x3x8x16x8x128xf32, #tpu.memory_space<hbm>> -> memref<1x1x1x16x1x128xf32, #tpu.memory_space<hbm>>
      %dma_wait3A_222 = tpu.memref_squeeze %dma_wait3A_221 : memref<1x1x1x16x1x128xf32, #tpu.memory_space<hbm>> -> memref<16x128xf32, #tpu.memory_space<hbm>>
      tpu.wait_dma2 semaphore(%arg23 : memref<!tpu.dma_semaphore, #tpu.memory_space<semaphore_mem>>) src(%dma_wait3A_222 : memref<16x128xf32, #tpu.memory_space<hbm>>) dst(%arg18 : memref<16x128xf32, #tpu.memory_space<vmem>>)
      %mul3A_223 = arith.constant 2048 : i32
      %mul3A_224 = arith.muli %add3A_204, %mul3A_223 : i32
      %add3A_225 = arith.constant 24576 : i32
      %add3A_226 = arith.addi %add3A_225, %mul3A_224 : i32
      %parallel_loop3A = arith.constant 0 : i32
      %parallel_loop3A_227 = arith.constant 128 : i32
      %parallel_loop3A_228 = arith.constant 1 : i32
      scf.for %parallel_loop3A_270 = %parallel_loop3A to %parallel_loop3A_227 step %parallel_loop3A_228  : i32 {
        %parallel_loop3A_271 = arith.constant 8 : i32
        %parallel_loop3A_272 = arith.divsi %parallel_loop3A_270, %parallel_loop3A_271 : i32
        %parallel_loop3A_273 = arith.constant 8 : i32
        %parallel_loop3A_274 = arith.muli %parallel_loop3A_272, %parallel_loop3A_273 : i32
        %parallel_loop3A_275 = arith.subi %parallel_loop3A_270, %parallel_loop3A_274 : i32
        %parallel_loop3A_276 = arith.constant 16 : i32
        %parallel_loop3A_277 = arith.muli %parallel_loop3A_275, %parallel_loop3A_276 : i32
        %parallel_loop3A_278 = arith.index_cast %parallel_loop3A_272 : i32 to index
        %parallel_loop3A_279 = arith.index_cast %parallel_loop3A_277 : i32 to index
        %parallel_loop3A_280 = tpu.vector_load %arg17[%parallel_loop3A_278, %parallel_loop3A_279] {strides = array<i32>} : memref<16x128xf32, #tpu.memory_space<vmem>>, vector<16xf32>,
        %parallel_loop3A_281 = arith.constant 2.880000e+02 : f32
        %parallel_loop3A_282 = vector.broadcast %parallel_loop3A_281 : f32 to vector<16xf32>
        %parallel_loop3A_283 = arith.mulf %parallel_loop3A_280, %parallel_loop3A_282 : vector<16xf32>
        %parallel_loop3A_284 = arith.fptosi %parallel_loop3A_283 : vector<16xf32> to vector<16xi32>
        %parallel_loop3A_285 = arith.constant 0 : i32
        %parallel_loop3A_286 = vector.broadcast %parallel_loop3A_285 : i32 to vector<16xi32>
        %parallel_loop3A_287 = arith.maxsi %parallel_loop3A_284, %parallel_loop3A_286 : vector<16xi32>
        %parallel_loop3A_288 = arith.constant 287 : i32
        %parallel_loop3A_289 = vector.broadcast %parallel_loop3A_288 : i32 to vector<16xi32>
        %parallel_loop3A_290 = arith.minsi %parallel_loop3A_287, %parallel_loop3A_289 : vector<16xi32>
        %parallel_loop3A_291 = arith.constant 16 : i32
        %parallel_loop3A_292 = arith.muli %parallel_loop3A_275, %parallel_loop3A_291 : i32
        %parallel_loop3A_293 = arith.index_cast %parallel_loop3A_272 : i32 to index
        %parallel_loop3A_294 = arith.index_cast %parallel_loop3A_292 : i32 to index
        %parallel_loop3A_295 = tpu.vector_load %arg18[%parallel_loop3A_293, %parallel_loop3A_294] {strides = array<i32>} : memref<16x128xf32, #tpu.memory_space<vmem>>, vector<16xf32>,
        %parallel_loop3A_296 = arith.fptosi %parallel_loop3A_295 : vector<16xf32> to vector<16xi32>
        %parallel_loop3A_297 = arith.constant 0 : i32
        %parallel_loop3A_298 = vector.broadcast %parallel_loop3A_297 : i32 to vector<16xi32>
        %parallel_loop3A_299 = arith.maxsi %parallel_loop3A_296, %parallel_loop3A_298 : vector<16xi32>
        %parallel_loop3A_300 = arith.constant 6 : i32
        %parallel_loop3A_301 = vector.broadcast %parallel_loop3A_300 : i32 to vector<16xi32>
        %parallel_loop3A_302 = arith.minsi %parallel_loop3A_299, %parallel_loop3A_301 : vector<16xi32>
        %parallel_loop3A_303 = arith.constant 7 : i32
        %parallel_loop3A_304 = vector.broadcast %parallel_loop3A_303 : i32 to vector<16xi32>
        %parallel_loop3A_305 = arith.muli %parallel_loop3A_290, %parallel_loop3A_304 : vector<16xi32>
        %parallel_loop3A_306 = arith.addi %parallel_loop3A_305, %parallel_loop3A_302 : vector<16xi32>
        %parallel_loop3A_307 = arith.constant 16 : i32
        %parallel_loop3A_308 = arith.muli %parallel_loop3A_270, %parallel_loop3A_307 : i32
        %parallel_loop3A_309 = arith.addi %add3A_226, %parallel_loop3A_308 : i32
        %parallel_loop3A_310 = arith.index_cast %parallel_loop3A_309 : i32 to index
        %parallel_loop3A_311 = tpu.vector_load %arg6[%parallel_loop3A_310] {strides = array<i32>} : memref<49152xi32, #tpu.memory_space<vmem>>, vector<16xi32>,
        tpu.vector_store %arg6[%parallel_loop3A_310], %parallel_loop3A_306 {strides = array<i32>} : memref<49152xi32, #tpu.memory_space<vmem>>, vector<16xi32>,
      } {sc.loop_unroll_factor = 2 : i64, sc.parallel_access}
      %add3A_229 = arith.constant 2 : i32
      %add3A_230 = arith.addi %add3A_204, %add3A_229 : i32
      %lt3A_231 = arith.constant 12 : i32
      %lt3A_232 = arith.cmpi slt, %add3A_230, %lt3A_231 : i32
      %convert_element_type3A = arith.extui %lt3A_232 : i1 to i32
      %cond3A = arith.constant 0 : i32
      %cond3A_233 = arith.cmpi ne, %convert_element_type3A, %cond3A : i32
      scf.if %cond3A_233 {
        %add3A_270 = arith.constant 2 : i32
        %add3A_271 = arith.addi %add3A_204, %add3A_270 : i32
        %dma_start3A_272 = arith.constant 1 : i32
        %dma_start3A_273 = arith.constant 0 : i32
        %dma_start3A_274 = arith.constant 0 : i32
        %dma_start3A_275 = tpu.memref_slice %arg2[%add3A_271, %dma_start3A_272, %select_n3A_106, %dma_start3A_273, %select_n3A_122, %dma_start3A_274] : memref<12x3x8x16x8x128xf32, #tpu.memory_space<hbm>> -> memref<1x1x1x16x1x128xf32, #tpu.memory_space<hbm>>
        %dma_start3A_276 = tpu.memref_squeeze %dma_start3A_275 : memref<1x1x1x16x1x128xf32, #tpu.memory_space<hbm>> -> memref<16x128xf32, #tpu.memory_space<hbm>>
        %dma_start3A_277 = arith.constant 0 : i32
        %dma_start3A_278 = arith.constant 0 : i32
        %dma_start3A_279 = tpu.memref_slice %arg2[%add3A_271, %dma_start3A_272, %select_n3A_106, %dma_start3A_277, %select_n3A_122, %dma_start3A_278] : memref<12x3x8x16x8x128xf32, #tpu.memory_space<hbm>> -> memref<1x1x1x16x1x128xf32, #tpu.memory_space<hbm>>
        %dma_start3A_280 = tpu.memref_squeeze %dma_start3A_279 : memref<1x1x1x16x1x128xf32, #tpu.memory_space<hbm>> -> memref<16x128xf32, #tpu.memory_space<hbm>>
        tpu.enqueue_dma source(%dma_start3A_280 : memref<16x128xf32, #tpu.memory_space<hbm>>) target(%arg17 : memref<16x128xf32, #tpu.memory_space<vmem>>) target_semaphore(%arg23 : memref<!tpu.dma_semaphore, #tpu.memory_space<semaphore_mem>>)
        %add3A_281 = arith.constant 2 : i32
        %add3A_282 = arith.addi %add3A_204, %add3A_281 : i32
        %dma_start3A_283 = arith.constant 2 : i32
        %dma_start3A_284 = arith.constant 0 : i32
        %dma_start3A_285 = arith.constant 0 : i32
        %dma_start3A_286 = tpu.memref_slice %arg2[%add3A_282, %dma_start3A_283, %select_n3A_106, %dma_start3A_284, %select_n3A_122, %dma_start3A_285] : memref<12x3x8x16x8x128xf32, #tpu.memory_space<hbm>> -> memref<1x1x1x16x1x128xf32, #tpu.memory_space<hbm>>
        %dma_start3A_287 = tpu.memref_squeeze %dma_start3A_286 : memref<1x1x1x16x1x128xf32, #tpu.memory_space<hbm>> -> memref<16x128xf32, #tpu.memory_space<hbm>>
        %dma_start3A_288 = arith.constant 0 : i32
        %dma_start3A_289 = arith.constant 0 : i32
        %dma_start3A_290 = tpu.memref_slice %arg2[%add3A_282, %dma_start3A_283, %select_n3A_106, %dma_start3A_288, %select_n3A_122, %dma_start3A_289] : memref<12x3x8x16x8x128xf32, #tpu.memory_space<hbm>> -> memref<1x1x1x16x1x128xf32, #tpu.memory_space<hbm>>
        %dma_start3A_291 = tpu.memref_squeeze %dma_start3A_290 : memref<1x1x1x16x1x128xf32, #tpu.memory_space<hbm>> -> memref<16x128xf32, #tpu.memory_space<hbm>>
        tpu.enqueue_dma source(%dma_start3A_291 : memref<16x128xf32, #tpu.memory_space<hbm>>) target(%arg18 : memref<16x128xf32, #tpu.memory_space<vmem>>) target_semaphore(%arg23 : memref<!tpu.dma_semaphore, #tpu.memory_space<semaphore_mem>>)
      } else {
      }
      %mul3A_234 = arith.constant 2 : i32
      %mul3A_235 = arith.muli %scan3A_200, %mul3A_234 : i32
      %add3A_236 = arith.constant 1 : i32
      %add3A_237 = arith.addi %mul3A_235, %add3A_236 : i32
      %dma_wait3A_238 = arith.constant 1 : i32
      %dma_wait3A_239 = arith.constant 0 : i32
      %dma_wait3A_240 = arith.constant 0 : i32
      %dma_wait3A_241 = tpu.memref_slice %arg2[%add3A_237, %dma_wait3A_238, %select_n3A_106, %dma_wait3A_239, %select_n3A_122, %dma_wait3A_240] : memref<12x3x8x16x8x128xf32, #tpu.memory_space<hbm>> -> memref<1x1x1x16x1x128xf32, #tpu.memory_space<hbm>>
      %dma_wait3A_242 = tpu.memref_squeeze %dma_wait3A_241 : memref<1x1x1x16x1x128xf32, #tpu.memory_space<hbm>> -> memref<16x128xf32, #tpu.memory_space<hbm>>
      %dma_wait3A_243 = arith.constant 0 : i32
      %dma_wait3A_244 = arith.constant 0 : i32
      %dma_wait3A_245 = tpu.memref_slice %arg2[%add3A_237, %dma_wait3A_238, %select_n3A_106, %dma_wait3A_243, %select_n3A_122, %dma_wait3A_244] : memref<12x3x8x16x8x128xf32, #tpu.memory_space<hbm>> -> memref<1x1x1x16x1x128xf32, #tpu.memory_space<hbm>>
      %dma_wait3A_246 = tpu.memref_squeeze %dma_wait3A_245 : memref<1x1x1x16x1x128xf32, #tpu.memory_space<hbm>> -> memref<16x128xf32, #tpu.memory_space<hbm>>
      tpu.wait_dma2 semaphore(%arg24 : memref<!tpu.dma_semaphore, #tpu.memory_space<semaphore_mem>>) src(%dma_wait3A_246 : memref<16x128xf32, #tpu.memory_space<hbm>>) dst(%arg19 : memref<16x128xf32, #tpu.memory_space<vmem>>)
      %dma_wait3A_247 = arith.constant 2 : i32
      %dma_wait3A_248 = arith.constant 0 : i32
      %dma_wait3A_249 = arith.constant 0 : i32
      %dma_wait3A_250 = tpu.memref_slice %arg2[%add3A_237, %dma_wait3A_247, %select_n3A_106, %dma_wait3A_248, %select_n3A_122, %dma_wait3A_249] : memref<12x3x8x16x8x128xf32, #tpu.memory_space<hbm>> -> memref<1x1x1x16x1x128xf32, #tpu.memory_space<hbm>>
      %dma_wait3A_251 = tpu.memref_squeeze %dma_wait3A_250 : memref<1x1x1x16x1x128xf32, #tpu.memory_space<hbm>> -> memref<16x128xf32, #tpu.memory_space<hbm>>
      %dma_wait3A_252 = arith.constant 0 : i32
      %dma_wait3A_253 = arith.constant 0 : i32
      %dma_wait3A_254 = tpu.memref_slice %arg2[%add3A_237, %dma_wait3A_247, %select_n3A_106, %dma_wait3A_252, %select_n3A_122, %dma_wait3A_253] : memref<12x3x8x16x8x128xf32, #tpu.memory_space<hbm>> -> memref<1x1x1x16x1x128xf32, #tpu.memory_space<hbm>>
      %dma_wait3A_255 = tpu.memref_squeeze %dma_wait3A_254 : memref<1x1x1x16x1x128xf32, #tpu.memory_space<hbm>> -> memref<16x128xf32, #tpu.memory_space<hbm>>
      tpu.wait_dma2 semaphore(%arg24 : memref<!tpu.dma_semaphore, #tpu.memory_space<semaphore_mem>>) src(%dma_wait3A_255 : memref<16x128xf32, #tpu.memory_space<hbm>>) dst(%arg20 : memref<16x128xf32, #tpu.memory_space<vmem>>)
      %mul3A_256 = arith.constant 2048 : i32
      %mul3A_257 = arith.muli %add3A_237, %mul3A_256 : i32
      %add3A_258 = arith.constant 24576 : i32
      %add3A_259 = arith.addi %add3A_258, %mul3A_257 : i32
      %parallel_loop3A_260 = arith.constant 0 : i32
      %parallel_loop3A_261 = arith.constant 128 : i32
      %parallel_loop3A_262 = arith.constant 1 : i32
      scf.for %parallel_loop3A_270 = %parallel_loop3A_260 to %parallel_loop3A_261 step %parallel_loop3A_262  : i32 {
        %parallel_loop3A_271 = arith.constant 8 : i32
        %parallel_loop3A_272 = arith.divsi %parallel_loop3A_270, %parallel_loop3A_271 : i32
        %parallel_loop3A_273 = arith.constant 8 : i32
        %parallel_loop3A_274 = arith.muli %parallel_loop3A_272, %parallel_loop3A_273 : i32
        %parallel_loop3A_275 = arith.subi %parallel_loop3A_270, %parallel_loop3A_274 : i32
        %parallel_loop3A_276 = arith.constant 16 : i32
        %parallel_loop3A_277 = arith.muli %parallel_loop3A_275, %parallel_loop3A_276 : i32
        %parallel_loop3A_278 = arith.index_cast %parallel_loop3A_272 : i32 to index
        %parallel_loop3A_279 = arith.index_cast %parallel_loop3A_277 : i32 to index
        %parallel_loop3A_280 = tpu.vector_load %arg19[%parallel_loop3A_278, %parallel_loop3A_279] {strides = array<i32>} : memref<16x128xf32, #tpu.memory_space<vmem>>, vector<16xf32>,
        %parallel_loop3A_281 = arith.constant 2.880000e+02 : f32
        %parallel_loop3A_282 = vector.broadcast %parallel_loop3A_281 : f32 to vector<16xf32>
        %parallel_loop3A_283 = arith.mulf %parallel_loop3A_280, %parallel_loop3A_282 : vector<16xf32>
        %parallel_loop3A_284 = arith.fptosi %parallel_loop3A_283 : vector<16xf32> to vector<16xi32>
        %parallel_loop3A_285 = arith.constant 0 : i32
        %parallel_loop3A_286 = vector.broadcast %parallel_loop3A_285 : i32 to vector<16xi32>
        %parallel_loop3A_287 = arith.maxsi %parallel_loop3A_284, %parallel_loop3A_286 : vector<16xi32>
        %parallel_loop3A_288 = arith.constant 287 : i32
        %parallel_loop3A_289 = vector.broadcast %parallel_loop3A_288 : i32 to vector<16xi32>
        %parallel_loop3A_290 = arith.minsi %parallel_loop3A_287, %parallel_loop3A_289 : vector<16xi32>
        %parallel_loop3A_291 = arith.constant 16 : i32
        %parallel_loop3A_292 = arith.muli %parallel_loop3A_275, %parallel_loop3A_291 : i32
        %parallel_loop3A_293 = arith.index_cast %parallel_loop3A_272 : i32 to index
        %parallel_loop3A_294 = arith.index_cast %parallel_loop3A_292 : i32 to index
        %parallel_loop3A_295 = tpu.vector_load %arg20[%parallel_loop3A_293, %parallel_loop3A_294] {strides = array<i32>} : memref<16x128xf32, #tpu.memory_space<vmem>>, vector<16xf32>,
        %parallel_loop3A_296 = arith.fptosi %parallel_loop3A_295 : vector<16xf32> to vector<16xi32>
        %parallel_loop3A_297 = arith.constant 0 : i32
        %parallel_loop3A_298 = vector.broadcast %parallel_loop3A_297 : i32 to vector<16xi32>
        %parallel_loop3A_299 = arith.maxsi %parallel_loop3A_296, %parallel_loop3A_298 : vector<16xi32>
        %parallel_loop3A_300 = arith.constant 6 : i32
        %parallel_loop3A_301 = vector.broadcast %parallel_loop3A_300 : i32 to vector<16xi32>
        %parallel_loop3A_302 = arith.minsi %parallel_loop3A_299, %parallel_loop3A_301 : vector<16xi32>
        %parallel_loop3A_303 = arith.constant 7 : i32
        %parallel_loop3A_304 = vector.broadcast %parallel_loop3A_303 : i32 to vector<16xi32>
        %parallel_loop3A_305 = arith.muli %parallel_loop3A_290, %parallel_loop3A_304 : vector<16xi32>
        %parallel_loop3A_306 = arith.addi %parallel_loop3A_305, %parallel_loop3A_302 : vector<16xi32>
        %parallel_loop3A_307 = arith.constant 16 : i32
        %parallel_loop3A_308 = arith.muli %parallel_loop3A_270, %parallel_loop3A_307 : i32
        %parallel_loop3A_309 = arith.addi %add3A_259, %parallel_loop3A_308 : i32
        %parallel_loop3A_310 = arith.index_cast %parallel_loop3A_309 : i32 to index
        %parallel_loop3A_311 = tpu.vector_load %arg6[%parallel_loop3A_310] {strides = array<i32>} : memref<49152xi32, #tpu.memory_space<vmem>>, vector<16xi32>,
        tpu.vector_store %arg6[%parallel_loop3A_310], %parallel_loop3A_306 {strides = array<i32>} : memref<49152xi32, #tpu.memory_space<vmem>>, vector<16xi32>,
      } {sc.loop_unroll_factor = 2 : i64, sc.parallel_access}
      %add3A_263 = arith.constant 2 : i32
      %add3A_264 = arith.addi %add3A_237, %add3A_263 : i32
      %lt3A_265 = arith.constant 12 : i32
      %lt3A_266 = arith.cmpi slt, %add3A_264, %lt3A_265 : i32
      %convert_element_type3A_267 = arith.extui %lt3A_266 : i1 to i32
      %cond3A_268 = arith.constant 0 : i32
      %cond3A_269 = arith.cmpi ne, %convert_element_type3A_267, %cond3A_268 : i32
      scf.if %cond3A_269 {
        %add3A_270 = arith.constant 2 : i32
        %add3A_271 = arith.addi %add3A_237, %add3A_270 : i32
        %dma_start3A_272 = arith.constant 1 : i32
        %dma_start3A_273 = arith.constant 0 : i32
        %dma_start3A_274 = arith.constant 0 : i32
        %dma_start3A_275 = tpu.memref_slice %arg2[%add3A_271, %dma_start3A_272, %select_n3A_106, %dma_start3A_273, %select_n3A_122, %dma_start3A_274] : memref<12x3x8x16x8x128xf32, #tpu.memory_space<hbm>> -> memref<1x1x1x16x1x128xf32, #tpu.memory_space<hbm>>
        %dma_start3A_276 = tpu.memref_squeeze %dma_start3A_275 : memref<1x1x1x16x1x128xf32, #tpu.memory_space<hbm>> -> memref<16x128xf32, #tpu.memory_space<hbm>>
        %dma_start3A_277 = arith.constant 0 : i32
        %dma_start3A_278 = arith.constant 0 : i32
        %dma_start3A_279 = tpu.memref_slice %arg2[%add3A_271, %dma_start3A_272, %select_n3A_106, %dma_start3A_277, %select_n3A_122, %dma_start3A_278] : memref<12x3x8x16x8x128xf32, #tpu.memory_space<hbm>> -> memref<1x1x1x16x1x128xf32, #tpu.memory_space<hbm>>
        %dma_start3A_280 = tpu.memref_squeeze %dma_start3A_279 : memref<1x1x1x16x1x128xf32, #tpu.memory_space<hbm>> -> memref<16x128xf32, #tpu.memory_space<hbm>>
        tpu.enqueue_dma source(%dma_start3A_280 : memref<16x128xf32, #tpu.memory_space<hbm>>) target(%arg19 : memref<16x128xf32, #tpu.memory_space<vmem>>) target_semaphore(%arg24 : memref<!tpu.dma_semaphore, #tpu.memory_space<semaphore_mem>>)
        %add3A_281 = arith.constant 2 : i32
        %add3A_282 = arith.addi %add3A_237, %add3A_281 : i32
        %dma_start3A_283 = arith.constant 2 : i32
        %dma_start3A_284 = arith.constant 0 : i32
        %dma_start3A_285 = arith.constant 0 : i32
        %dma_start3A_286 = tpu.memref_slice %arg2[%add3A_282, %dma_start3A_283, %select_n3A_106, %dma_start3A_284, %select_n3A_122, %dma_start3A_285] : memref<12x3x8x16x8x128xf32, #tpu.memory_space<hbm>> -> memref<1x1x1x16x1x128xf32, #tpu.memory_space<hbm>>
        %dma_start3A_287 = tpu.memref_squeeze %dma_start3A_286 : memref<1x1x1x16x1x128xf32, #tpu.memory_space<hbm>> -> memref<16x128xf32, #tpu.memory_space<hbm>>
        %dma_start3A_288 = arith.constant 0 : i32
        %dma_start3A_289 = arith.constant 0 : i32
        %dma_start3A_290 = tpu.memref_slice %arg2[%add3A_282, %dma_start3A_283, %select_n3A_106, %dma_start3A_288, %select_n3A_122, %dma_start3A_289] : memref<12x3x8x16x8x128xf32, #tpu.memory_space<hbm>> -> memref<1x1x1x16x1x128xf32, #tpu.memory_space<hbm>>
        %dma_start3A_291 = tpu.memref_squeeze %dma_start3A_290 : memref<1x1x1x16x1x128xf32, #tpu.memory_space<hbm>> -> memref<16x128xf32, #tpu.memory_space<hbm>>
        tpu.enqueue_dma source(%dma_start3A_291 : memref<16x128xf32, #tpu.memory_space<hbm>>) target(%arg20 : memref<16x128xf32, #tpu.memory_space<vmem>>) target_semaphore(%arg24 : memref<!tpu.dma_semaphore, #tpu.memory_space<semaphore_mem>>)
      } else {
      }
    }
    %scan3A_168 = arith.constant 6 : i32
    %scan3A_169 = arith.constant 0 : i32
    %scan3A_170 = arith.constant 0 : i32
    %scan3A_171 = arith.constant 8 : i32
    %scan3A_172 = arith.addi %scan3A_170, %scan3A_171 : i32
    %scan3A_173 = arith.constant 1 : i32
    scf.for %scan3A_200 = %scan3A_170 to %scan3A_172 step %scan3A_173  : i32 {
      %parallel_loop3A = arith.constant 0 : i32
      %parallel_loop3A_201 = arith.constant 126 : i32
      %parallel_loop3A_202 = arith.constant 1 : i32
      scf.for %parallel_loop3A_209 = %parallel_loop3A to %parallel_loop3A_201 step %parallel_loop3A_202  : i32 {
        %parallel_loop3A_210 = arith.constant 16 : i32
        %parallel_loop3A_211 = arith.muli %parallel_loop3A_209, %parallel_loop3A_210 : i32
        %parallel_loop3A_212 = vector.broadcast %parallel_loop3A_211 : i32 to vector<16xi32>
        %parallel_loop3A_213 = arith.addi %iota3A, %parallel_loop3A_212 : vector<16xi32>
        %parallel_loop3A_214 = arith.constant 7 : i32
        %parallel_loop3A_215 = vector.broadcast %parallel_loop3A_214 : i32 to vector<16xi32>
        %parallel_loop3A_216 = arith.divsi %parallel_loop3A_213, %parallel_loop3A_215 : vector<16xi32>
        %parallel_loop3A_217 = arith.constant 7 : i32
        %parallel_loop3A_218 = vector.broadcast %parallel_loop3A_217 : i32 to vector<16xi32>
        %parallel_loop3A_219 = arith.muli %parallel_loop3A_216, %parallel_loop3A_218 : vector<16xi32>
        %parallel_loop3A_220 = arith.subi %parallel_loop3A_213, %parallel_loop3A_219 : vector<16xi32>
        %parallel_loop3A_221 = arith.constant 8 : i32
        %parallel_loop3A_222 = arith.muli %scan3A_200, %parallel_loop3A_221 : i32
        %parallel_loop3A_223 = arith.constant 0 : i32
        %parallel_loop3A_224 = arith.addi %parallel_loop3A_222, %parallel_loop3A_223 : i32
        %parallel_loop3A_225 = arith.constant 288 : i32
        %parallel_loop3A_226 = arith.muli %parallel_loop3A_224, %parallel_loop3A_225 : i32
        %parallel_loop3A_227 = vector.broadcast %parallel_loop3A_226 : i32 to vector<16xi32>
        %parallel_loop3A_228 = arith.addi %parallel_loop3A_227, %parallel_loop3A_216 : vector<16xi32>
        %parallel_loop3A_229 = tpu.vector_load_idx %arg7[%parallel_loop3A_228] : memref<18432xf32, #tpu.memory_space<vmem>>[vector<16xi32>], vector<16xf32>,
        %parallel_loop3A_230 = arith.constant 8 : i32
        %parallel_loop3A_231 = arith.muli %parallel_loop3A_224, %parallel_loop3A_230 : i32
        %parallel_loop3A_232 = vector.broadcast %parallel_loop3A_231 : i32 to vector<16xi32>
        %parallel_loop3A_233 = arith.addi %parallel_loop3A_232, %parallel_loop3A_220 : vector<16xi32>
        %parallel_loop3A_234 = tpu.vector_load_idx %arg8[%parallel_loop3A_233] : memref<512xf32, #tpu.memory_space<vmem>>[vector<16xi32>], vector<16xf32>,
        %parallel_loop3A_235 = arith.addf %parallel_loop3A_229, %parallel_loop3A_234 : vector<16xf32>
        %parallel_loop3A_236 = arith.constant 16 : i32
        %parallel_loop3A_237 = arith.muli %parallel_loop3A_209, %parallel_loop3A_236 : i32
        %parallel_loop3A_238 = arith.index_cast %parallel_loop3A_237 : i32 to index
        %parallel_loop3A_239 = tpu.vector_load %arg9[%parallel_loop3A_238] {strides = array<i32>} : memref<2016xf32, #tpu.memory_space<vmem>>, vector<16xf32>,
        tpu.vector_store %arg9[%parallel_loop3A_238], %parallel_loop3A_235 {strides = array<i32>} : memref<2016xf32, #tpu.memory_space<vmem>>, vector<16xf32>,
        %parallel_loop3A_240 = arith.constant 8 : i32
        %parallel_loop3A_241 = arith.muli %scan3A_200, %parallel_loop3A_240 : i32
        %parallel_loop3A_242 = arith.constant 1 : i32
        %parallel_loop3A_243 = arith.addi %parallel_loop3A_241, %parallel_loop3A_242 : i32
        %parallel_loop3A_244 = arith.constant 288 : i32
        %parallel_loop3A_245 = arith.muli %parallel_loop3A_243, %parallel_loop3A_244 : i32
        %parallel_loop3A_246 = vector.broadcast %parallel_loop3A_245 : i32 to vector<16xi32>
        %parallel_loop3A_247 = arith.addi %parallel_loop3A_246, %parallel_loop3A_216 : vector<16xi32>
        %parallel_loop3A_248 = tpu.vector_load_idx %arg7[%parallel_loop3A_247] : memref<18432xf32, #tpu.memory_space<vmem>>[vector<16xi32>], vector<16xf32>,
        %parallel_loop3A_249 = arith.constant 8 : i32
        %parallel_loop3A_250 = arith.muli %parallel_loop3A_243, %parallel_loop3A_249 : i32
        %parallel_loop3A_251 = vector.broadcast %parallel_loop3A_250 : i32 to vector<16xi32>
        %parallel_loop3A_252 = arith.addi %parallel_loop3A_251, %parallel_loop3A_220 : vector<16xi32>
        %parallel_loop3A_253 = tpu.vector_load_idx %arg8[%parallel_loop3A_252] : memref<512xf32, #tpu.memory_space<vmem>>[vector<16xi32>], vector<16xf32>,
        %parallel_loop3A_254 = arith.addf %parallel_loop3A_248, %parallel_loop3A_253 : vector<16xf32>
        %parallel_loop3A_255 = arith.constant 16 : i32
        %parallel_loop3A_256 = arith.muli %parallel_loop3A_209, %parallel_loop3A_255 : i32
        %parallel_loop3A_257 = arith.index_cast %parallel_loop3A_256 : i32 to index
        %parallel_loop3A_258 = tpu.vector_load %arg10[%parallel_loop3A_257] {strides = array<i32>} : memref<2016xf32, #tpu.memory_space<vmem>>, vector<16xf32>,
        tpu.vector_store %arg10[%parallel_loop3A_257], %parallel_loop3A_254 {strides = array<i32>} : memref<2016xf32, #tpu.memory_space<vmem>>, vector<16xf32>,
        %parallel_loop3A_259 = arith.constant 8 : i32
        %parallel_loop3A_260 = arith.muli %scan3A_200, %parallel_loop3A_259 : i32
        %parallel_loop3A_261 = arith.constant 2 : i32
        %parallel_loop3A_262 = arith.addi %parallel_loop3A_260, %parallel_loop3A_261 : i32
        %parallel_loop3A_263 = arith.constant 288 : i32
        %parallel_loop3A_264 = arith.muli %parallel_loop3A_262, %parallel_loop3A_263 : i32
        %parallel_loop3A_265 = vector.broadcast %parallel_loop3A_264 : i32 to vector<16xi32>
        %parallel_loop3A_266 = arith.addi %parallel_loop3A_265, %parallel_loop3A_216 : vector<16xi32>
        %parallel_loop3A_267 = tpu.vector_load_idx %arg7[%parallel_loop3A_266] : memref<18432xf32, #tpu.memory_space<vmem>>[vector<16xi32>], vector<16xf32>,
        %parallel_loop3A_268 = arith.constant 8 : i32
        %parallel_loop3A_269 = arith.muli %parallel_loop3A_262, %parallel_loop3A_268 : i32
        %parallel_loop3A_270 = vector.broadcast %parallel_loop3A_269 : i32 to vector<16xi32>
        %parallel_loop3A_271 = arith.addi %parallel_loop3A_270, %parallel_loop3A_220 : vector<16xi32>
        %parallel_loop3A_272 = tpu.vector_load_idx %arg8[%parallel_loop3A_271] : memref<512xf32, #tpu.memory_space<vmem>>[vector<16xi32>], vector<16xf32>,
        %parallel_loop3A_273 = arith.addf %parallel_loop3A_267, %parallel_loop3A_272 : vector<16xf32>
        %parallel_loop3A_274 = arith.constant 16 : i32
        %parallel_loop3A_275 = arith.muli %parallel_loop3A_209, %parallel_loop3A_274 : i32
        %parallel_loop3A_276 = arith.index_cast %parallel_loop3A_275 : i32 to index
        %parallel_loop3A_277 = tpu.vector_load %arg11[%parallel_loop3A_276] {strides = array<i32>} : memref<2016xf32, #tpu.memory_space<vmem>>, vector<16xf32>,
        tpu.vector_store %arg11[%parallel_loop3A_276], %parallel_loop3A_273 {strides = array<i32>} : memref<2016xf32, #tpu.memory_space<vmem>>, vector<16xf32>,
        %parallel_loop3A_278 = arith.constant 8 : i32
        %parallel_loop3A_279 = arith.muli %scan3A_200, %parallel_loop3A_278 : i32
        %parallel_loop3A_280 = arith.constant 3 : i32
        %parallel_loop3A_281 = arith.addi %parallel_loop3A_279, %parallel_loop3A_280 : i32
        %parallel_loop3A_282 = arith.constant 288 : i32
        %parallel_loop3A_283 = arith.muli %parallel_loop3A_281, %parallel_loop3A_282 : i32
        %parallel_loop3A_284 = vector.broadcast %parallel_loop3A_283 : i32 to vector<16xi32>
        %parallel_loop3A_285 = arith.addi %parallel_loop3A_284, %parallel_loop3A_216 : vector<16xi32>
        %parallel_loop3A_286 = tpu.vector_load_idx %arg7[%parallel_loop3A_285] : memref<18432xf32, #tpu.memory_space<vmem>>[vector<16xi32>], vector<16xf32>,
        %parallel_loop3A_287 = arith.constant 8 : i32
        %parallel_loop3A_288 = arith.muli %parallel_loop3A_281, %parallel_loop3A_287 : i32
        %parallel_loop3A_289 = vector.broadcast %parallel_loop3A_288 : i32 to vector<16xi32>
        %parallel_loop3A_290 = arith.addi %parallel_loop3A_289, %parallel_loop3A_220 : vector<16xi32>
        %parallel_loop3A_291 = tpu.vector_load_idx %arg8[%parallel_loop3A_290] : memref<512xf32, #tpu.memory_space<vmem>>[vector<16xi32>], vector<16xf32>,
        %parallel_loop3A_292 = arith.addf %parallel_loop3A_286, %parallel_loop3A_291 : vector<16xf32>
        %parallel_loop3A_293 = arith.constant 16 : i32
        %parallel_loop3A_294 = arith.muli %parallel_loop3A_209, %parallel_loop3A_293 : i32
        %parallel_loop3A_295 = arith.index_cast %parallel_loop3A_294 : i32 to index
        %parallel_loop3A_296 = tpu.vector_load %arg12[%parallel_loop3A_295] {strides = array<i32>} : memref<2016xf32, #tpu.memory_space<vmem>>, vector<16xf32>,
        tpu.vector_store %arg12[%parallel_loop3A_295], %parallel_loop3A_292 {strides = array<i32>} : memref<2016xf32, #tpu.memory_space<vmem>>, vector<16xf32>,
        %parallel_loop3A_297 = arith.constant 8 : i32
        %parallel_loop3A_298 = arith.muli %scan3A_200, %parallel_loop3A_297 : i32
        %parallel_loop3A_299 = arith.constant 4 : i32
        %parallel_loop3A_300 = arith.addi %parallel_loop3A_298, %parallel_loop3A_299 : i32
        %parallel_loop3A_301 = arith.constant 288 : i32
        %parallel_loop3A_302 = arith.muli %parallel_loop3A_300, %parallel_loop3A_301 : i32
        %parallel_loop3A_303 = vector.broadcast %parallel_loop3A_302 : i32 to vector<16xi32>
        %parallel_loop3A_304 = arith.addi %parallel_loop3A_303, %parallel_loop3A_216 : vector<16xi32>
        %parallel_loop3A_305 = tpu.vector_load_idx %arg7[%parallel_loop3A_304] : memref<18432xf32, #tpu.memory_space<vmem>>[vector<16xi32>], vector<16xf32>,
        %parallel_loop3A_306 = arith.constant 8 : i32
        %parallel_loop3A_307 = arith.muli %parallel_loop3A_300, %parallel_loop3A_306 : i32
        %parallel_loop3A_308 = vector.broadcast %parallel_loop3A_307 : i32 to vector<16xi32>
        %parallel_loop3A_309 = arith.addi %parallel_loop3A_308, %parallel_loop3A_220 : vector<16xi32>
        %parallel_loop3A_310 = tpu.vector_load_idx %arg8[%parallel_loop3A_309] : memref<512xf32, #tpu.memory_space<vmem>>[vector<16xi32>], vector<16xf32>,
        %parallel_loop3A_311 = arith.addf %parallel_loop3A_305, %parallel_loop3A_310 : vector<16xf32>
        %parallel_loop3A_312 = arith.constant 16 : i32
        %parallel_loop3A_313 = arith.muli %parallel_loop3A_209, %parallel_loop3A_312 : i32
        %parallel_loop3A_314 = arith.index_cast %parallel_loop3A_313 : i32 to index
        %parallel_loop3A_315 = tpu.vector_load %arg13[%parallel_loop3A_314] {strides = array<i32>} : memref<2016xf32, #tpu.memory_space<vmem>>, vector<16xf32>,
        tpu.vector_store %arg13[%parallel_loop3A_314], %parallel_loop3A_311 {strides = array<i32>} : memref<2016xf32, #tpu.memory_space<vmem>>, vector<16xf32>,
        %parallel_loop3A_316 = arith.constant 8 : i32
        %parallel_loop3A_317 = arith.muli %scan3A_200, %parallel_loop3A_316 : i32
        %parallel_loop3A_318 = arith.constant 5 : i32
        %parallel_loop3A_319 = arith.addi %parallel_loop3A_317, %parallel_loop3A_318 : i32
        %parallel_loop3A_320 = arith.constant 288 : i32
        %parallel_loop3A_321 = arith.muli %parallel_loop3A_319, %parallel_loop3A_320 : i32
        %parallel_loop3A_322 = vector.broadcast %parallel_loop3A_321 : i32 to vector<16xi32>
        %parallel_loop3A_323 = arith.addi %parallel_loop3A_322, %parallel_loop3A_216 : vector<16xi32>
        %parallel_loop3A_324 = tpu.vector_load_idx %arg7[%parallel_loop3A_323] : memref<18432xf32, #tpu.memory_space<vmem>>[vector<16xi32>], vector<16xf32>,
        %parallel_loop3A_325 = arith.constant 8 : i32
        %parallel_loop3A_326 = arith.muli %parallel_loop3A_319, %parallel_loop3A_325 : i32
        %parallel_loop3A_327 = vector.broadcast %parallel_loop3A_326 : i32 to vector<16xi32>
        %parallel_loop3A_328 = arith.addi %parallel_loop3A_327, %parallel_loop3A_220 : vector<16xi32>
        %parallel_loop3A_329 = tpu.vector_load_idx %arg8[%parallel_loop3A_328] : memref<512xf32, #tpu.memory_space<vmem>>[vector<16xi32>], vector<16xf32>,
        %parallel_loop3A_330 = arith.addf %parallel_loop3A_324, %parallel_loop3A_329 : vector<16xf32>
        %parallel_loop3A_331 = arith.constant 16 : i32
        %parallel_loop3A_332 = arith.muli %parallel_loop3A_209, %parallel_loop3A_331 : i32
        %parallel_loop3A_333 = arith.index_cast %parallel_loop3A_332 : i32 to index
        %parallel_loop3A_334 = tpu.vector_load %arg14[%parallel_loop3A_333] {strides = array<i32>} : memref<2016xf32, #tpu.memory_space<vmem>>, vector<16xf32>,
        tpu.vector_store %arg14[%parallel_loop3A_333], %parallel_loop3A_330 {strides = array<i32>} : memref<2016xf32, #tpu.memory_space<vmem>>, vector<16xf32>,
        %parallel_loop3A_335 = arith.constant 8 : i32
        %parallel_loop3A_336 = arith.muli %scan3A_200, %parallel_loop3A_335 : i32
        %parallel_loop3A_337 = arith.constant 6 : i32
        %parallel_loop3A_338 = arith.addi %parallel_loop3A_336, %parallel_loop3A_337 : i32
        %parallel_loop3A_339 = arith.constant 288 : i32
        %parallel_loop3A_340 = arith.muli %parallel_loop3A_338, %parallel_loop3A_339 : i32
        %parallel_loop3A_341 = vector.broadcast %parallel_loop3A_340 : i32 to vector<16xi32>
        %parallel_loop3A_342 = arith.addi %parallel_loop3A_341, %parallel_loop3A_216 : vector<16xi32>
        %parallel_loop3A_343 = tpu.vector_load_idx %arg7[%parallel_loop3A_342] : memref<18432xf32, #tpu.memory_space<vmem>>[vector<16xi32>], vector<16xf32>,
        %parallel_loop3A_344 = arith.constant 8 : i32
        %parallel_loop3A_345 = arith.muli %parallel_loop3A_338, %parallel_loop3A_344 : i32
        %parallel_loop3A_346 = vector.broadcast %parallel_loop3A_345 : i32 to vector<16xi32>
        %parallel_loop3A_347 = arith.addi %parallel_loop3A_346, %parallel_loop3A_220 : vector<16xi32>
        %parallel_loop3A_348 = tpu.vector_load_idx %arg8[%parallel_loop3A_347] : memref<512xf32, #tpu.memory_space<vmem>>[vector<16xi32>], vector<16xf32>,
        %parallel_loop3A_349 = arith.addf %parallel_loop3A_343, %parallel_loop3A_348 : vector<16xf32>
        %parallel_loop3A_350 = arith.constant 16 : i32
        %parallel_loop3A_351 = arith.muli %parallel_loop3A_209, %parallel_loop3A_350 : i32
        %parallel_loop3A_352 = arith.index_cast %parallel_loop3A_351 : i32 to index
        %parallel_loop3A_353 = tpu.vector_load %arg15[%parallel_loop3A_352] {strides = array<i32>} : memref<2016xf32, #tpu.memory_space<vmem>>, vector<16xf32>,
        tpu.vector_store %arg15[%parallel_loop3A_352], %parallel_loop3A_349 {strides = array<i32>} : memref<2016xf32, #tpu.memory_space<vmem>>, vector<16xf32>,
        %parallel_loop3A_354 = arith.constant 8 : i32
        %parallel_loop3A_355 = arith.muli %scan3A_200, %parallel_loop3A_354 : i32
        %parallel_loop3A_356 = arith.constant 7 : i32
        %parallel_loop3A_357 = arith.addi %parallel_loop3A_355, %parallel_loop3A_356 : i32
        %parallel_loop3A_358 = arith.constant 288 : i32
        %parallel_loop3A_359 = arith.muli %parallel_loop3A_357, %parallel_loop3A_358 : i32
        %parallel_loop3A_360 = vector.broadcast %parallel_loop3A_359 : i32 to vector<16xi32>
        %parallel_loop3A_361 = arith.addi %parallel_loop3A_360, %parallel_loop3A_216 : vector<16xi32>
        %parallel_loop3A_362 = tpu.vector_load_idx %arg7[%parallel_loop3A_361] : memref<18432xf32, #tpu.memory_space<vmem>>[vector<16xi32>], vector<16xf32>,
        %parallel_loop3A_363 = arith.constant 8 : i32
        %parallel_loop3A_364 = arith.muli %parallel_loop3A_357, %parallel_loop3A_363 : i32
        %parallel_loop3A_365 = vector.broadcast %parallel_loop3A_364 : i32 to vector<16xi32>
        %parallel_loop3A_366 = arith.addi %parallel_loop3A_365, %parallel_loop3A_220 : vector<16xi32>
        %parallel_loop3A_367 = tpu.vector_load_idx %arg8[%parallel_loop3A_366] : memref<512xf32, #tpu.memory_space<vmem>>[vector<16xi32>], vector<16xf32>,
        %parallel_loop3A_368 = arith.addf %parallel_loop3A_362, %parallel_loop3A_367 : vector<16xf32>
        %parallel_loop3A_369 = arith.constant 16 : i32
        %parallel_loop3A_370 = arith.muli %parallel_loop3A_209, %parallel_loop3A_369 : i32
        %parallel_loop3A_371 = arith.index_cast %parallel_loop3A_370 : i32 to index
        %parallel_loop3A_372 = tpu.vector_load %arg16[%parallel_loop3A_371] {strides = array<i32>} : memref<2016xf32, #tpu.memory_space<vmem>>, vector<16xf32>,
        tpu.vector_store %arg16[%parallel_loop3A_371], %parallel_loop3A_368 {strides = array<i32>} : memref<2016xf32, #tpu.memory_space<vmem>>, vector<16xf32>,
      } {sc.loop_unroll_factor = 2 : i64, sc.parallel_access}
      %scan3A_203 = arith.constant 0 : i32
      %scan3A_204 = arith.constant 0 : i32
      %scan3A_205 = arith.constant 12 : i32
      %scan3A_206 = arith.addi %scan3A_204, %scan3A_205 : i32
      %scan3A_207 = arith.constant 1 : i32
      scf.for %scan3A_209 = %scan3A_204 to %scan3A_206 step %scan3A_207  : i32 {
        %mul3A_210 = arith.constant 12 : i32
        %mul3A_211 = arith.muli %scan3A_200, %mul3A_210 : i32
        %add3A_212 = arith.addi %mul3A_211, %scan3A_209 : i32
        %mul3A_213 = arith.constant 2 : i32
        %mul3A_214 = arith.muli %scan3A_209, %mul3A_213 : i32
        %add3A_215 = arith.constant 0 : i32
        %add3A_216 = arith.addi %mul3A_214, %add3A_215 : i32
        %div3A_217 = arith.constant 12 : i32
        %div3A_218 = arith.divsi %add3A_216, %div3A_217 : i32
        %mul3A_219 = arith.constant 12 : i32
        %mul3A_220 = arith.muli %div3A_218, %mul3A_219 : i32
        %sub3A_221 = arith.subi %add3A_216, %mul3A_220 : i32
        %mul3A_222 = arith.constant 2 : i32
        %mul3A_223 = arith.muli %add3A, %mul3A_222 : i32
        %add3A_224 = arith.addi %mul3A_223, %div3A_218 : i32
        %ge3A = arith.constant 1 : i32
        %ge3A_225 = arith.cmpi sge, %add3A_212, %ge3A : i32
        %convert_element_type3A = arith.extui %ge3A_225 : i1 to i32
        %cond3A = arith.constant 0 : i32
        %cond3A_226 = arith.cmpi ne, %convert_element_type3A, %cond3A : i32
        scf.if %cond3A_226 {
          %dma_wait3A_280 = arith.constant 0 : i32
          %dma_wait3A_281 = arith.constant 0 : i32
          %dma_wait3A_282 = arith.constant 0 : i32
          %dma_wait3A_283 = tpu.memref_slice %arg5[%add3A_224, %sub3A_221, %scan3A_200, %dma_wait3A_280, %dma_wait3A_281, %dma_wait3A_282] : memref<64x12x8x16x8x128xf32, #tpu.memory_space<hbm>> -> memref<1x1x1x16x8x128xf32, #tpu.memory_space<hbm>>
          %dma_wait3A_284 = tpu.memref_squeeze %dma_wait3A_283 : memref<1x1x1x16x8x128xf32, #tpu.memory_space<hbm>> -> memref<16x8x128xf32, #tpu.memory_space<hbm>>
          %dma_wait3A_285 = arith.constant 0 : i32
          %dma_wait3A_286 = arith.constant 0 : i32
          %dma_wait3A_287 = arith.constant 0 : i32
          %dma_wait3A_288 = tpu.memref_slice %arg5[%add3A_224, %sub3A_221, %scan3A_200, %dma_wait3A_285, %dma_wait3A_286, %dma_wait3A_287] : memref<64x12x8x16x8x128xf32, #tpu.memory_space<hbm>> -> memref<1x1x1x16x8x128xf32, #tpu.memory_space<hbm>>
          %dma_wait3A_289 = tpu.memref_squeeze %dma_wait3A_288 : memref<1x1x1x16x8x128xf32, #tpu.memory_space<hbm>> -> memref<16x8x128xf32, #tpu.memory_space<hbm>>
          tpu.wait_dma2 semaphore(%arg25 : memref<!tpu.dma_semaphore, #tpu.memory_space<semaphore_mem>>) src(%arg21 : memref<16x8x128xf32, #tpu.memory_space<vmem>>) dst(%dma_wait3A_289 : memref<16x8x128xf32, #tpu.memory_space<hbm>>)
        } else {
        }
        %mul3A_227 = arith.constant 24576 : i32
        %mul3A_228 = arith.muli %div3A_218, %mul3A_227 : i32
        %mul3A_229 = arith.constant 2048 : i32
        %mul3A_230 = arith.muli %sub3A_221, %mul3A_229 : i32
        %add3A_231 = arith.addi %mul3A_228, %mul3A_230 : i32
        %parallel_loop3A_232 = arith.constant 0 : i32
        %parallel_loop3A_233 = arith.constant 128 : i32
        %parallel_loop3A_234 = arith.constant 1 : i32
        scf.for %parallel_loop3A_280 = %parallel_loop3A_232 to %parallel_loop3A_233 step %parallel_loop3A_234  : i32 {
          %parallel_loop3A_281 = arith.constant 8 : i32
          %parallel_loop3A_282 = arith.divsi %parallel_loop3A_280, %parallel_loop3A_281 : i32
          %parallel_loop3A_283 = arith.constant 8 : i32
          %parallel_loop3A_284 = arith.muli %parallel_loop3A_282, %parallel_loop3A_283 : i32
          %parallel_loop3A_285 = arith.subi %parallel_loop3A_280, %parallel_loop3A_284 : i32
          %parallel_loop3A_286 = arith.constant 16 : i32
          %parallel_loop3A_287 = arith.muli %parallel_loop3A_280, %parallel_loop3A_286 : i32
          %parallel_loop3A_288 = arith.addi %add3A_231, %parallel_loop3A_287 : i32
          %parallel_loop3A_289 = arith.index_cast %parallel_loop3A_288 : i32 to index
          %parallel_loop3A_290 = tpu.vector_load %arg6[%parallel_loop3A_289] {strides = array<i32>} : memref<49152xi32, #tpu.memory_space<vmem>>, vector<16xi32>,
          %parallel_loop3A_291 = tpu.vector_load_idx %arg9[%parallel_loop3A_290] : memref<2016xf32, #tpu.memory_space<vmem>>[vector<16xi32>], vector<16xf32>,
          %parallel_loop3A_292 = arith.constant 16 : i32
          %parallel_loop3A_293 = arith.muli %parallel_loop3A_285, %parallel_loop3A_292 : i32
          %parallel_loop3A_294 = arith.constant 0 : i32
          %parallel_loop3A_295 = arith.index_cast %parallel_loop3A_282 : i32 to index
          %parallel_loop3A_296 = arith.index_cast %parallel_loop3A_294 : i32 to index
          %parallel_loop3A_297 = arith.index_cast %parallel_loop3A_293 : i32 to index
          %parallel_loop3A_298 = tpu.vector_load %arg21[%parallel_loop3A_295, %parallel_loop3A_296, %parallel_loop3A_297] {strides = array<i32>} : memref<16x8x128xf32, #tpu.memory_space<vmem>>, vector<16xf32>,
          tpu.vector_store %arg21[%parallel_loop3A_295, %parallel_loop3A_296, %parallel_loop3A_297], %parallel_loop3A_291 {strides = array<i32>} : memref<16x8x128xf32, #tpu.memory_space<vmem>>, vector<16xf32>,
          %parallel_loop3A_299 = tpu.vector_load_idx %arg10[%parallel_loop3A_290] : memref<2016xf32, #tpu.memory_space<vmem>>[vector<16xi32>], vector<16xf32>,
          %parallel_loop3A_300 = arith.constant 16 : i32
          %parallel_loop3A_301 = arith.muli %parallel_loop3A_285, %parallel_loop3A_300 : i32
          %parallel_loop3A_302 = arith.constant 1 : i32
          %parallel_loop3A_303 = arith.index_cast %parallel_loop3A_282 : i32 to index
          %parallel_loop3A_304 = arith.index_cast %parallel_loop3A_302 : i32 to index
          %parallel_loop3A_305 = arith.index_cast %parallel_loop3A_301 : i32 to index
          %parallel_loop3A_306 = tpu.vector_load %arg21[%parallel_loop3A_303, %parallel_loop3A_304, %parallel_loop3A_305] {strides = array<i32>} : memref<16x8x128xf32, #tpu.memory_space<vmem>>, vector<16xf32>,
          tpu.vector_store %arg21[%parallel_loop3A_303, %parallel_loop3A_304, %parallel_loop3A_305], %parallel_loop3A_299 {strides = array<i32>} : memref<16x8x128xf32, #tpu.memory_space<vmem>>, vector<16xf32>,
          %parallel_loop3A_307 = tpu.vector_load_idx %arg11[%parallel_loop3A_290] : memref<2016xf32, #tpu.memory_space<vmem>>[vector<16xi32>], vector<16xf32>,
          %parallel_loop3A_308 = arith.constant 16 : i32
          %parallel_loop3A_309 = arith.muli %parallel_loop3A_285, %parallel_loop3A_308 : i32
          %parallel_loop3A_310 = arith.constant 2 : i32
          %parallel_loop3A_311 = arith.index_cast %parallel_loop3A_282 : i32 to index
          %parallel_loop3A_312 = arith.index_cast %parallel_loop3A_310 : i32 to index
          %parallel_loop3A_313 = arith.index_cast %parallel_loop3A_309 : i32 to index
          %parallel_loop3A_314 = tpu.vector_load %arg21[%parallel_loop3A_311, %parallel_loop3A_312, %parallel_loop3A_313] {strides = array<i32>} : memref<16x8x128xf32, #tpu.memory_space<vmem>>, vector<16xf32>,
          tpu.vector_store %arg21[%parallel_loop3A_311, %parallel_loop3A_312, %parallel_loop3A_313], %parallel_loop3A_307 {strides = array<i32>} : memref<16x8x128xf32, #tpu.memory_space<vmem>>, vector<16xf32>,
          %parallel_loop3A_315 = tpu.vector_load_idx %arg12[%parallel_loop3A_290] : memref<2016xf32, #tpu.memory_space<vmem>>[vector<16xi32>], vector<16xf32>,
          %parallel_loop3A_316 = arith.constant 16 : i32
          %parallel_loop3A_317 = arith.muli %parallel_loop3A_285, %parallel_loop3A_316 : i32
          %parallel_loop3A_318 = arith.constant 3 : i32
          %parallel_loop3A_319 = arith.index_cast %parallel_loop3A_282 : i32 to index
          %parallel_loop3A_320 = arith.index_cast %parallel_loop3A_318 : i32 to index
          %parallel_loop3A_321 = arith.index_cast %parallel_loop3A_317 : i32 to index
          %parallel_loop3A_322 = tpu.vector_load %arg21[%parallel_loop3A_319, %parallel_loop3A_320, %parallel_loop3A_321] {strides = array<i32>} : memref<16x8x128xf32, #tpu.memory_space<vmem>>, vector<16xf32>,
          tpu.vector_store %arg21[%parallel_loop3A_319, %parallel_loop3A_320, %parallel_loop3A_321], %parallel_loop3A_315 {strides = array<i32>} : memref<16x8x128xf32, #tpu.memory_space<vmem>>, vector<16xf32>,
          %parallel_loop3A_323 = tpu.vector_load_idx %arg13[%parallel_loop3A_290] : memref<2016xf32, #tpu.memory_space<vmem>>[vector<16xi32>], vector<16xf32>,
          %parallel_loop3A_324 = arith.constant 16 : i32
          %parallel_loop3A_325 = arith.muli %parallel_loop3A_285, %parallel_loop3A_324 : i32
          %parallel_loop3A_326 = arith.constant 4 : i32
          %parallel_loop3A_327 = arith.index_cast %parallel_loop3A_282 : i32 to index
          %parallel_loop3A_328 = arith.index_cast %parallel_loop3A_326 : i32 to index
          %parallel_loop3A_329 = arith.index_cast %parallel_loop3A_325 : i32 to index
          %parallel_loop3A_330 = tpu.vector_load %arg21[%parallel_loop3A_327, %parallel_loop3A_328, %parallel_loop3A_329] {strides = array<i32>} : memref<16x8x128xf32, #tpu.memory_space<vmem>>, vector<16xf32>,
          tpu.vector_store %arg21[%parallel_loop3A_327, %parallel_loop3A_328, %parallel_loop3A_329], %parallel_loop3A_323 {strides = array<i32>} : memref<16x8x128xf32, #tpu.memory_space<vmem>>, vector<16xf32>,
          %parallel_loop3A_331 = tpu.vector_load_idx %arg14[%parallel_loop3A_290] : memref<2016xf32, #tpu.memory_space<vmem>>[vector<16xi32>], vector<16xf32>,
          %parallel_loop3A_332 = arith.constant 16 : i32
          %parallel_loop3A_333 = arith.muli %parallel_loop3A_285, %parallel_loop3A_332 : i32
          %parallel_loop3A_334 = arith.constant 5 : i32
          %parallel_loop3A_335 = arith.index_cast %parallel_loop3A_282 : i32 to index
          %parallel_loop3A_336 = arith.index_cast %parallel_loop3A_334 : i32 to index
          %parallel_loop3A_337 = arith.index_cast %parallel_loop3A_333 : i32 to index
          %parallel_loop3A_338 = tpu.vector_load %arg21[%parallel_loop3A_335, %parallel_loop3A_336, %parallel_loop3A_337] {strides = array<i32>} : memref<16x8x128xf32, #tpu.memory_space<vmem>>, vector<16xf32>,
          tpu.vector_store %arg21[%parallel_loop3A_335, %parallel_loop3A_336, %parallel_loop3A_337], %parallel_loop3A_331 {strides = array<i32>} : memref<16x8x128xf32, #tpu.memory_space<vmem>>, vector<16xf32>,
          %parallel_loop3A_339 = tpu.vector_load_idx %arg15[%parallel_loop3A_290] : memref<2016xf32, #tpu.memory_space<vmem>>[vector<16xi32>], vector<16xf32>,
          %parallel_loop3A_340 = arith.constant 16 : i32
          %parallel_loop3A_341 = arith.muli %parallel_loop3A_285, %parallel_loop3A_340 : i32
          %parallel_loop3A_342 = arith.constant 6 : i32
          %parallel_loop3A_343 = arith.index_cast %parallel_loop3A_282 : i32 to index
          %parallel_loop3A_344 = arith.index_cast %parallel_loop3A_342 : i32 to index
          %parallel_loop3A_345 = arith.index_cast %parallel_loop3A_341 : i32 to index
          %parallel_loop3A_346 = tpu.vector_load %arg21[%parallel_loop3A_343, %parallel_loop3A_344, %parallel_loop3A_345] {strides = array<i32>} : memref<16x8x128xf32, #tpu.memory_space<vmem>>, vector<16xf32>,
          tpu.vector_store %arg21[%parallel_loop3A_343, %parallel_loop3A_344, %parallel_loop3A_345], %parallel_loop3A_339 {strides = array<i32>} : memref<16x8x128xf32, #tpu.memory_space<vmem>>, vector<16xf32>,
          %parallel_loop3A_347 = tpu.vector_load_idx %arg16[%parallel_loop3A_290] : memref<2016xf32, #tpu.memory_space<vmem>>[vector<16xi32>], vector<16xf32>,
          %parallel_loop3A_348 = arith.constant 16 : i32
          %parallel_loop3A_349 = arith.muli %parallel_loop3A_285, %parallel_loop3A_348 : i32
          %parallel_loop3A_350 = arith.constant 7 : i32
          %parallel_loop3A_351 = arith.index_cast %parallel_loop3A_282 : i32 to index
          %parallel_loop3A_352 = arith.index_cast %parallel_loop3A_350 : i32 to index
          %parallel_loop3A_353 = arith.index_cast %parallel_loop3A_349 : i32 to index
          %parallel_loop3A_354 = tpu.vector_load %arg21[%parallel_loop3A_351, %parallel_loop3A_352, %parallel_loop3A_353] {strides = array<i32>} : memref<16x8x128xf32, #tpu.memory_space<vmem>>, vector<16xf32>,
          tpu.vector_store %arg21[%parallel_loop3A_351, %parallel_loop3A_352, %parallel_loop3A_353], %parallel_loop3A_347 {strides = array<i32>} : memref<16x8x128xf32, #tpu.memory_space<vmem>>, vector<16xf32>,
        } {sc.loop_unroll_factor = 16 : i64, sc.parallel_access}
        %dma_start3A_235 = arith.constant 0 : i32
        %dma_start3A_236 = arith.constant 0 : i32
        %dma_start3A_237 = arith.constant 0 : i32
        %dma_start3A_238 = tpu.memref_slice %arg5[%add3A_224, %sub3A_221, %scan3A_200, %dma_start3A_235, %dma_start3A_236, %dma_start3A_237] : memref<64x12x8x16x8x128xf32, #tpu.memory_space<hbm>> -> memref<1x1x1x16x8x128xf32, #tpu.memory_space<hbm>>
        %dma_start3A_239 = tpu.memref_squeeze %dma_start3A_238 : memref<1x1x1x16x8x128xf32, #tpu.memory_space<hbm>> -> memref<16x8x128xf32, #tpu.memory_space<hbm>>
        %dma_start3A_240 = arith.constant 0 : i32
        %dma_start3A_241 = arith.constant 0 : i32
        %dma_start3A_242 = arith.constant 0 : i32
        %dma_start3A_243 = tpu.memref_slice %arg5[%add3A_224, %sub3A_221, %scan3A_200, %dma_start3A_240, %dma_start3A_241, %dma_start3A_242] : memref<64x12x8x16x8x128xf32, #tpu.memory_space<hbm>> -> memref<1x1x1x16x8x128xf32, #tpu.memory_space<hbm>>
        %dma_start3A_244 = tpu.memref_squeeze %dma_start3A_243 : memref<1x1x1x16x8x128xf32, #tpu.memory_space<hbm>> -> memref<16x8x128xf32, #tpu.memory_space<hbm>>
        tpu.enqueue_dma source(%arg21 : memref<16x8x128xf32, #tpu.memory_space<vmem>>) target(%dma_start3A_244 : memref<16x8x128xf32, #tpu.memory_space<hbm>>) target_semaphore(%arg25 : memref<!tpu.dma_semaphore, #tpu.memory_space<semaphore_mem>>)
        %mul3A_245 = arith.constant 2 : i32
        %mul3A_246 = arith.muli %scan3A_209, %mul3A_245 : i32
        %add3A_247 = arith.constant 1 : i32
        %add3A_248 = arith.addi %mul3A_246, %add3A_247 : i32
        %div3A_249 = arith.constant 12 : i32
        %div3A_250 = arith.divsi %add3A_248, %div3A_249 : i32
        %mul3A_251 = arith.constant 12 : i32
        %mul3A_252 = arith.muli %div3A_250, %mul3A_251 : i32
        %sub3A_253 = arith.subi %add3A_248, %mul3A_252 : i32
        %mul3A_254 = arith.constant 2 : i32
        %mul3A_255 = arith.muli %add3A, %mul3A_254 : i32
        %add3A_256 = arith.addi %mul3A_255, %div3A_250 : i32
        %ge3A_257 = arith.constant 1 : i32
        %ge3A_258 = arith.cmpi sge, %add3A_212, %ge3A_257 : i32
        %convert_element_type3A_259 = arith.extui %ge3A_258 : i1 to i32
        %cond3A_260 = arith.constant 0 : i32
        %cond3A_261 = arith.cmpi ne, %convert_element_type3A_259, %cond3A_260 : i32
        scf.if %cond3A_261 {
          %dma_wait3A_280 = arith.constant 0 : i32
          %dma_wait3A_281 = arith.constant 0 : i32
          %dma_wait3A_282 = arith.constant 0 : i32
          %dma_wait3A_283 = tpu.memref_slice %arg5[%add3A_256, %sub3A_253, %scan3A_200, %dma_wait3A_280, %dma_wait3A_281, %dma_wait3A_282] : memref<64x12x8x16x8x128xf32, #tpu.memory_space<hbm>> -> memref<1x1x1x16x8x128xf32, #tpu.memory_space<hbm>>
          %dma_wait3A_284 = tpu.memref_squeeze %dma_wait3A_283 : memref<1x1x1x16x8x128xf32, #tpu.memory_space<hbm>> -> memref<16x8x128xf32, #tpu.memory_space<hbm>>
          %dma_wait3A_285 = arith.constant 0 : i32
          %dma_wait3A_286 = arith.constant 0 : i32
          %dma_wait3A_287 = arith.constant 0 : i32
          %dma_wait3A_288 = tpu.memref_slice %arg5[%add3A_256, %sub3A_253, %scan3A_200, %dma_wait3A_285, %dma_wait3A_286, %dma_wait3A_287] : memref<64x12x8x16x8x128xf32, #tpu.memory_space<hbm>> -> memref<1x1x1x16x8x128xf32, #tpu.memory_space<hbm>>
          %dma_wait3A_289 = tpu.memref_squeeze %dma_wait3A_288 : memref<1x1x1x16x8x128xf32, #tpu.memory_space<hbm>> -> memref<16x8x128xf32, #tpu.memory_space<hbm>>
          tpu.wait_dma2 semaphore(%arg26 : memref<!tpu.dma_semaphore, #tpu.memory_space<semaphore_mem>>) src(%arg22 : memref<16x8x128xf32, #tpu.memory_space<vmem>>) dst(%dma_wait3A_289 : memref<16x8x128xf32, #tpu.memory_space<hbm>>)
        } else {
        }
        %mul3A_262 = arith.constant 24576 : i32
        %mul3A_263 = arith.muli %div3A_250, %mul3A_262 : i32
        %mul3A_264 = arith.constant 2048 : i32
        %mul3A_265 = arith.muli %sub3A_253, %mul3A_264 : i32
        %add3A_266 = arith.addi %mul3A_263, %mul3A_265 : i32
        %parallel_loop3A_267 = arith.constant 0 : i32
        %parallel_loop3A_268 = arith.constant 128 : i32
        %parallel_loop3A_269 = arith.constant 1 : i32
        scf.for %parallel_loop3A_280 = %parallel_loop3A_267 to %parallel_loop3A_268 step %parallel_loop3A_269  : i32 {
          %parallel_loop3A_281 = arith.constant 8 : i32
          %parallel_loop3A_282 = arith.divsi %parallel_loop3A_280, %parallel_loop3A_281 : i32
          %parallel_loop3A_283 = arith.constant 8 : i32
          %parallel_loop3A_284 = arith.muli %parallel_loop3A_282, %parallel_loop3A_283 : i32
          %parallel_loop3A_285 = arith.subi %parallel_loop3A_280, %parallel_loop3A_284 : i32
          %parallel_loop3A_286 = arith.constant 16 : i32
          %parallel_loop3A_287 = arith.muli %parallel_loop3A_280, %parallel_loop3A_286 : i32
          %parallel_loop3A_288 = arith.addi %add3A_266, %parallel_loop3A_287 : i32
          %parallel_loop3A_289 = arith.index_cast %parallel_loop3A_288 : i32 to index
          %parallel_loop3A_290 = tpu.vector_load %arg6[%parallel_loop3A_289] {strides = array<i32>} : memref<49152xi32, #tpu.memory_space<vmem>>, vector<16xi32>,
          %parallel_loop3A_291 = tpu.vector_load_idx %arg9[%parallel_loop3A_290] : memref<2016xf32, #tpu.memory_space<vmem>>[vector<16xi32>], vector<16xf32>,
          %parallel_loop3A_292 = arith.constant 16 : i32
          %parallel_loop3A_293 = arith.muli %parallel_loop3A_285, %parallel_loop3A_292 : i32
          %parallel_loop3A_294 = arith.constant 0 : i32
          %parallel_loop3A_295 = arith.index_cast %parallel_loop3A_282 : i32 to index
          %parallel_loop3A_296 = arith.index_cast %parallel_loop3A_294 : i32 to index
          %parallel_loop3A_297 = arith.index_cast %parallel_loop3A_293 : i32 to index
          %parallel_loop3A_298 = tpu.vector_load %arg22[%parallel_loop3A_295, %parallel_loop3A_296, %parallel_loop3A_297] {strides = array<i32>} : memref<16x8x128xf32, #tpu.memory_space<vmem>>, vector<16xf32>,
          tpu.vector_store %arg22[%parallel_loop3A_295, %parallel_loop3A_296, %parallel_loop3A_297], %parallel_loop3A_291 {strides = array<i32>} : memref<16x8x128xf32, #tpu.memory_space<vmem>>, vector<16xf32>,
          %parallel_loop3A_299 = tpu.vector_load_idx %arg10[%parallel_loop3A_290] : memref<2016xf32, #tpu.memory_space<vmem>>[vector<16xi32>], vector<16xf32>,
          %parallel_loop3A_300 = arith.constant 16 : i32
          %parallel_loop3A_301 = arith.muli %parallel_loop3A_285, %parallel_loop3A_300 : i32
          %parallel_loop3A_302 = arith.constant 1 : i32
          %parallel_loop3A_303 = arith.index_cast %parallel_loop3A_282 : i32 to index
          %parallel_loop3A_304 = arith.index_cast %parallel_loop3A_302 : i32 to index
          %parallel_loop3A_305 = arith.index_cast %parallel_loop3A_301 : i32 to index
          %parallel_loop3A_306 = tpu.vector_load %arg22[%parallel_loop3A_303, %parallel_loop3A_304, %parallel_loop3A_305] {strides = array<i32>} : memref<16x8x128xf32, #tpu.memory_space<vmem>>, vector<16xf32>,
          tpu.vector_store %arg22[%parallel_loop3A_303, %parallel_loop3A_304, %parallel_loop3A_305], %parallel_loop3A_299 {strides = array<i32>} : memref<16x8x128xf32, #tpu.memory_space<vmem>>, vector<16xf32>,
          %parallel_loop3A_307 = tpu.vector_load_idx %arg11[%parallel_loop3A_290] : memref<2016xf32, #tpu.memory_space<vmem>>[vector<16xi32>], vector<16xf32>,
          %parallel_loop3A_308 = arith.constant 16 : i32
          %parallel_loop3A_309 = arith.muli %parallel_loop3A_285, %parallel_loop3A_308 : i32
          %parallel_loop3A_310 = arith.constant 2 : i32
          %parallel_loop3A_311 = arith.index_cast %parallel_loop3A_282 : i32 to index
          %parallel_loop3A_312 = arith.index_cast %parallel_loop3A_310 : i32 to index
          %parallel_loop3A_313 = arith.index_cast %parallel_loop3A_309 : i32 to index
          %parallel_loop3A_314 = tpu.vector_load %arg22[%parallel_loop3A_311, %parallel_loop3A_312, %parallel_loop3A_313] {strides = array<i32>} : memref<16x8x128xf32, #tpu.memory_space<vmem>>, vector<16xf32>,
          tpu.vector_store %arg22[%parallel_loop3A_311, %parallel_loop3A_312, %parallel_loop3A_313], %parallel_loop3A_307 {strides = array<i32>} : memref<16x8x128xf32, #tpu.memory_space<vmem>>, vector<16xf32>,
          %parallel_loop3A_315 = tpu.vector_load_idx %arg12[%parallel_loop3A_290] : memref<2016xf32, #tpu.memory_space<vmem>>[vector<16xi32>], vector<16xf32>,
          %parallel_loop3A_316 = arith.constant 16 : i32
          %parallel_loop3A_317 = arith.muli %parallel_loop3A_285, %parallel_loop3A_316 : i32
          %parallel_loop3A_318 = arith.constant 3 : i32
          %parallel_loop3A_319 = arith.index_cast %parallel_loop3A_282 : i32 to index
          %parallel_loop3A_320 = arith.index_cast %parallel_loop3A_318 : i32 to index
          %parallel_loop3A_321 = arith.index_cast %parallel_loop3A_317 : i32 to index
          %parallel_loop3A_322 = tpu.vector_load %arg22[%parallel_loop3A_319, %parallel_loop3A_320, %parallel_loop3A_321] {strides = array<i32>} : memref<16x8x128xf32, #tpu.memory_space<vmem>>, vector<16xf32>,
          tpu.vector_store %arg22[%parallel_loop3A_319, %parallel_loop3A_320, %parallel_loop3A_321], %parallel_loop3A_315 {strides = array<i32>} : memref<16x8x128xf32, #tpu.memory_space<vmem>>, vector<16xf32>,
          %parallel_loop3A_323 = tpu.vector_load_idx %arg13[%parallel_loop3A_290] : memref<2016xf32, #tpu.memory_space<vmem>>[vector<16xi32>], vector<16xf32>,
          %parallel_loop3A_324 = arith.constant 16 : i32
          %parallel_loop3A_325 = arith.muli %parallel_loop3A_285, %parallel_loop3A_324 : i32
          %parallel_loop3A_326 = arith.constant 4 : i32
          %parallel_loop3A_327 = arith.index_cast %parallel_loop3A_282 : i32 to index
          %parallel_loop3A_328 = arith.index_cast %parallel_loop3A_326 : i32 to index
          %parallel_loop3A_329 = arith.index_cast %parallel_loop3A_325 : i32 to index
          %parallel_loop3A_330 = tpu.vector_load %arg22[%parallel_loop3A_327, %parallel_loop3A_328, %parallel_loop3A_329] {strides = array<i32>} : memref<16x8x128xf32, #tpu.memory_space<vmem>>, vector<16xf32>,
          tpu.vector_store %arg22[%parallel_loop3A_327, %parallel_loop3A_328, %parallel_loop3A_329], %parallel_loop3A_323 {strides = array<i32>} : memref<16x8x128xf32, #tpu.memory_space<vmem>>, vector<16xf32>,
          %parallel_loop3A_331 = tpu.vector_load_idx %arg14[%parallel_loop3A_290] : memref<2016xf32, #tpu.memory_space<vmem>>[vector<16xi32>], vector<16xf32>,
          %parallel_loop3A_332 = arith.constant 16 : i32
          %parallel_loop3A_333 = arith.muli %parallel_loop3A_285, %parallel_loop3A_332 : i32
          %parallel_loop3A_334 = arith.constant 5 : i32
          %parallel_loop3A_335 = arith.index_cast %parallel_loop3A_282 : i32 to index
          %parallel_loop3A_336 = arith.index_cast %parallel_loop3A_334 : i32 to index
          %parallel_loop3A_337 = arith.index_cast %parallel_loop3A_333 : i32 to index
          %parallel_loop3A_338 = tpu.vector_load %arg22[%parallel_loop3A_335, %parallel_loop3A_336, %parallel_loop3A_337] {strides = array<i32>} : memref<16x8x128xf32, #tpu.memory_space<vmem>>, vector<16xf32>,
          tpu.vector_store %arg22[%parallel_loop3A_335, %parallel_loop3A_336, %parallel_loop3A_337], %parallel_loop3A_331 {strides = array<i32>} : memref<16x8x128xf32, #tpu.memory_space<vmem>>, vector<16xf32>,
          %parallel_loop3A_339 = tpu.vector_load_idx %arg15[%parallel_loop3A_290] : memref<2016xf32, #tpu.memory_space<vmem>>[vector<16xi32>], vector<16xf32>,
          %parallel_loop3A_340 = arith.constant 16 : i32
          %parallel_loop3A_341 = arith.muli %parallel_loop3A_285, %parallel_loop3A_340 : i32
          %parallel_loop3A_342 = arith.constant 6 : i32
          %parallel_loop3A_343 = arith.index_cast %parallel_loop3A_282 : i32 to index
          %parallel_loop3A_344 = arith.index_cast %parallel_loop3A_342 : i32 to index
          %parallel_loop3A_345 = arith.index_cast %parallel_loop3A_341 : i32 to index
          %parallel_loop3A_346 = tpu.vector_load %arg22[%parallel_loop3A_343, %parallel_loop3A_344, %parallel_loop3A_345] {strides = array<i32>} : memref<16x8x128xf32, #tpu.memory_space<vmem>>, vector<16xf32>,
          tpu.vector_store %arg22[%parallel_loop3A_343, %parallel_loop3A_344, %parallel_loop3A_345], %parallel_loop3A_339 {strides = array<i32>} : memref<16x8x128xf32, #tpu.memory_space<vmem>>, vector<16xf32>,
          %parallel_loop3A_347 = tpu.vector_load_idx %arg16[%parallel_loop3A_290] : memref<2016xf32, #tpu.memory_space<vmem>>[vector<16xi32>], vector<16xf32>,
          %parallel_loop3A_348 = arith.constant 16 : i32
          %parallel_loop3A_349 = arith.muli %parallel_loop3A_285, %parallel_loop3A_348 : i32
          %parallel_loop3A_350 = arith.constant 7 : i32
          %parallel_loop3A_351 = arith.index_cast %parallel_loop3A_282 : i32 to index
          %parallel_loop3A_352 = arith.index_cast %parallel_loop3A_350 : i32 to index
          %parallel_loop3A_353 = arith.index_cast %parallel_loop3A_349 : i32 to index
          %parallel_loop3A_354 = tpu.vector_load %arg22[%parallel_loop3A_351, %parallel_loop3A_352, %parallel_loop3A_353] {strides = array<i32>} : memref<16x8x128xf32, #tpu.memory_space<vmem>>, vector<16xf32>,
          tpu.vector_store %arg22[%parallel_loop3A_351, %parallel_loop3A_352, %parallel_loop3A_353], %parallel_loop3A_347 {strides = array<i32>} : memref<16x8x128xf32, #tpu.memory_space<vmem>>, vector<16xf32>,
        } {sc.loop_unroll_factor = 16 : i64, sc.parallel_access}
        %dma_start3A_270 = arith.constant 0 : i32
        %dma_start3A_271 = arith.constant 0 : i32
        %dma_start3A_272 = arith.constant 0 : i32
        %dma_start3A_273 = tpu.memref_slice %arg5[%add3A_256, %sub3A_253, %scan3A_200, %dma_start3A_270, %dma_start3A_271, %dma_start3A_272] : memref<64x12x8x16x8x128xf32, #tpu.memory_space<hbm>> -> memref<1x1x1x16x8x128xf32, #tpu.memory_space<hbm>>
        %dma_start3A_274 = tpu.memref_squeeze %dma_start3A_273 : memref<1x1x1x16x8x128xf32, #tpu.memory_space<hbm>> -> memref<16x8x128xf32, #tpu.memory_space<hbm>>
        %dma_start3A_275 = arith.constant 0 : i32
        %dma_start3A_276 = arith.constant 0 : i32
        %dma_start3A_277 = arith.constant 0 : i32
        %dma_start3A_278 = tpu.memref_slice %arg5[%add3A_256, %sub3A_253, %scan3A_200, %dma_start3A_275, %dma_start3A_276, %dma_start3A_277] : memref<64x12x8x16x8x128xf32, #tpu.memory_space<hbm>> -> memref<1x1x1x16x8x128xf32, #tpu.memory_space<hbm>>
        %dma_start3A_279 = tpu.memref_squeeze %dma_start3A_278 : memref<1x1x1x16x8x128xf32, #tpu.memory_space<hbm>> -> memref<16x8x128xf32, #tpu.memory_space<hbm>>
        tpu.enqueue_dma source(%arg22 : memref<16x8x128xf32, #tpu.memory_space<vmem>>) target(%dma_start3A_279 : memref<16x8x128xf32, #tpu.memory_space<hbm>>) target_semaphore(%arg26 : memref<!tpu.dma_semaphore, #tpu.memory_space<semaphore_mem>>)
      }
      %scan3A_208 = arith.constant 12 : i32
    }
    %scan3A_174 = arith.constant 8 : i32
    %dma_wait3A = arith.constant 0 : i32
    %dma_wait3A_175 = arith.constant 0 : i32
    %dma_wait3A_176 = arith.constant 0 : i32
    %dma_wait3A_177 = arith.constant 0 : i32
    %dma_wait3A_178 = arith.constant 0 : i32
    %dma_wait3A_179 = arith.constant 0 : i32
    %dma_wait3A_180 = tpu.memref_slice %arg5[%dma_wait3A, %dma_wait3A_175, %dma_wait3A_176, %dma_wait3A_177, %dma_wait3A_178, %dma_wait3A_179] : memref<64x12x8x16x8x128xf32, #tpu.memory_space<hbm>> -> memref<1x1x1x16x8x128xf32, #tpu.memory_space<hbm>>
    %dma_wait3A_181 = tpu.memref_squeeze %dma_wait3A_180 : memref<1x1x1x16x8x128xf32, #tpu.memory_space<hbm>> -> memref<16x8x128xf32, #tpu.memory_space<hbm>>
    %dma_wait3A_182 = arith.constant 0 : i32
    %dma_wait3A_183 = arith.constant 0 : i32
    %dma_wait3A_184 = arith.constant 0 : i32
    %dma_wait3A_185 = tpu.memref_slice %arg5[%dma_wait3A, %dma_wait3A_175, %dma_wait3A_176, %dma_wait3A_182, %dma_wait3A_183, %dma_wait3A_184] : memref<64x12x8x16x8x128xf32, #tpu.memory_space<hbm>> -> memref<1x1x1x16x8x128xf32, #tpu.memory_space<hbm>>
    %dma_wait3A_186 = tpu.memref_squeeze %dma_wait3A_185 : memref<1x1x1x16x8x128xf32, #tpu.memory_space<hbm>> -> memref<16x8x128xf32, #tpu.memory_space<hbm>>
    tpu.wait_dma2 semaphore(%arg25 : memref<!tpu.dma_semaphore, #tpu.memory_space<semaphore_mem>>) src(%arg21 : memref<16x8x128xf32, #tpu.memory_space<vmem>>) dst(%dma_wait3A_186 : memref<16x8x128xf32, #tpu.memory_space<hbm>>)
    %dma_wait3A_187 = arith.constant 0 : i32
    %dma_wait3A_188 = arith.constant 0 : i32
    %dma_wait3A_189 = arith.constant 0 : i32
    %dma_wait3A_190 = arith.constant 0 : i32
    %dma_wait3A_191 = arith.constant 0 : i32
    %dma_wait3A_192 = arith.constant 0 : i32
    %dma_wait3A_193 = tpu.memref_slice %arg5[%dma_wait3A_187, %dma_wait3A_188, %dma_wait3A_189, %dma_wait3A_190, %dma_wait3A_191, %dma_wait3A_192] : memref<64x12x8x16x8x128xf32, #tpu.memory_space<hbm>> -> memref<1x1x1x16x8x128xf32, #tpu.memory_space<hbm>>
    %dma_wait3A_194 = tpu.memref_squeeze %dma_wait3A_193 : memref<1x1x1x16x8x128xf32, #tpu.memory_space<hbm>> -> memref<16x8x128xf32, #tpu.memory_space<hbm>>
    %dma_wait3A_195 = arith.constant 0 : i32
    %dma_wait3A_196 = arith.constant 0 : i32
    %dma_wait3A_197 = arith.constant 0 : i32
    %dma_wait3A_198 = tpu.memref_slice %arg5[%dma_wait3A_187, %dma_wait3A_188, %dma_wait3A_189, %dma_wait3A_195, %dma_wait3A_196, %dma_wait3A_197] : memref<64x12x8x16x8x128xf32, #tpu.memory_space<hbm>> -> memref<1x1x1x16x8x128xf32, #tpu.memory_space<hbm>>
    %dma_wait3A_199 = tpu.memref_squeeze %dma_wait3A_198 : memref<1x1x1x16x8x128xf32, #tpu.memory_space<hbm>> -> memref<16x8x128xf32, #tpu.memory_space<hbm>>
    tpu.wait_dma2 semaphore(%arg26 : memref<!tpu.dma_semaphore, #tpu.memory_space<semaphore_mem>>) src(%arg22 : memref<16x8x128xf32, #tpu.memory_space<vmem>>) dst(%dma_wait3A_199 : memref<16x8x128xf32, #tpu.memory_space<hbm>>)
    return
  }
}

</mosaic_0001>

<sc_bundles>
// kernel: kernel.3.cloned.1.call-start
scs
__scs_entry_jumppad:
0x0: {  	(pc) =	sbr.rel $0x88, $3  }
0x1: {  	(tag) =	ssettag $0x0;
	lr =	simm.s32 $0x1  }
0x2: {  	[smem:$0x3F9E] =	sst lr;
	_ =	strace $0xD0000000  }
0x3: {  	_ = 	snop  }
0x4: {  	_ = 	snop  }
0x5: {  	_ = 	snop  }
0x6: {  	_ = 	snop  }
0x7: {  	_ = 	snop  }
__scs_overlays_trampoline_lowered:
0x8: {  	[smem:$0x3FAD] =	sst s0  }
0x9: {  	[smem:$0x3FAE] =	sst s1  }
0xa: {  	[smem:$0x3FAF] =	sst s2  }
0xb: {  	[smem:$0x3FB0] =	sst s3  }
0xc: {  	[smem:$0x3FB1] =	sst s4  }
0xd: {  	[smem:$0x3FB2] =	sst s5  }
0xe: {  	[smem:$0x3FB3] =	sst s6  }
0xf: {  	[smem:$0x3FB4] =	sst s7  }
0x10: {  	[smem:$0x3FB5] =	sst s8  }
0x11: {  	[smem:$0x3FB6] =	sst s9;
	s0 =	simm.s32 @!p0 $0x0  }
0x12: {  	s1 =	sld [smem:$0x3F9C];
	s0 =	simm.s32 @p0 $0x1  }
0x13: {  	[smem:$0x3FB7] =	sst s0;
	s0 =	simm.s32 @!p1 $0x0  }
0x14: {  	s2 =	sld [smem:$0x3F9B];
	s0 =	simm.s32 @p1 $0x1  }
0x15: {  	[smem:$0x3FB8] =	sst s0;
	s0 =	simm.s32 @!p2 $0x0  }
0x16: {  	s3 =	sld [smem:$0x3FDB];
	s0 =	simm.s32 @p2 $0x1  }
0x17: {  	s4 =	simm.s32 $0x1BF5;
	[smem:$0x3FBA] =	sst s0  }
0x18: {  	s0 =	sld [smem:$0x3F9D];
	_ =	swait.ge [sflag:s4], $0x0  }
0x19: {  	s7 =	sld [smem:$0x3F9E]  }
0x1a: {  	s8 =	sadd.s32 $0xFFFFE003, lr  }
0x1b: {  	s9 =	sadd.s32 $0xFFFFFEF7, lr;
	s5 =	simm.s32 $0xFFFFFFFF;
	p2 =	slt.u32 s8, $0xFFFFF086  }
0x1c: {  	p1 =	slt.u32 s9, $0xF7A;
	s5 =	simm.s32 @!p2 $0x0  }
0x1d: {  	s5 =	simm.s32 @p1 $0x1;
	p0 =	seq.s32 s7, s2  }
0x1e: {  	s7 =	smul.u32 @!p0 $0xF7A, s2;
	p2 =	seq.s32 @!p0 s5, $0x0  }
0x1f: {  	s9 =	smul.u32 $0xF7A, s1;
	s8 =	simm.s32 @!p0 $0x1BF5;
	p2 =	por !p2, p0  }
0x20: {  	[sflag:s8] =	ssyncset.s32 @!p0 $0xFFFFF086;
	s6 =	sadd.s32 @!p0 s3, s7;
	s7 =	simm.s32 @!p0 $0x108  }
0x21: {  	s3 =	sadd.s32 s3, s9;
	s6 =	sadd.s32 @!p0 $0x88, s6;
	s7 =	simm.s32 @p2 $0x1082  }
0x22: {  	[simem:s7], [sflag:s8] =	dma.local @!p0 [hbm:s6], $0xF7A  }
0x23: {  	s9 =	sor.u32 $0xD0000000, s2;
	s6 =	simm.s32 $0x108;
	_ =	swait.ge @!p0 [sflag:s8], $0x0  }
0x24: {  	s3 =	sadd.s32 $0x88, s3;
	s6 =	simm.s32 @!p1 $0x1082;
	[sflag:s4] =	ssyncset.s32 $0xFFFFF086  }
0x25: {  	[simem:s6], [sflag:s4] =	dma.local [hbm:s3], $0xF7A  }
0x26: {  	[smem:$0x3F9E] =	sst s1;
	(tag) =	ssettag s2;
	_ =	strace s9  }
0x27: {  	s1 =	sld [smem:$0x3FAE]  }
0x28: {  	s2 =	sld [smem:$0x3FAF]  }
0x29: {  	s4 =	sld [smem:$0x3FB1]  }
0x2a: {  	p0 =	seq.s32 s5, $0x0;
	s5 =	sld [smem:$0x3FB2]  }
0x2b: {  	s6 =	sld [smem:$0x3FB3]  }
0x2c: {  	s7 =	sld [smem:$0x3FB4]  }
0x2d: {  	s3 =	simm.s32 $0x108;
	s8 =	sld [smem:$0x3FB5]  }
0x2e: {  	s3 =	simm.s32 @!p0 $0x1082;
	s9 =	sld [smem:$0x3FB6]  }
0x2f: {  	lr =	sadd.s32 s0, s3;
	s0 =	sld [smem:$0x3FAD]  }
0x30: {  	s3 =	sld [smem:$0x3FB0]  }
0x31: {  	[smem:$0x3FB9] =	sst s10  }
0x32: {  	s10 =	sld [smem:$0x3FB7];
	_ =	sdelay $0x3  }
0x33: {  	p0 =	seq.s32 s10, $0x1;
	s10 =	sld [smem:$0x3FB9];
	_ =	sdelay $0x3  }
0x34: {  	[smem:$0x3FB9] =	sst s10  }
0x35: {  	s10 =	sld [smem:$0x3FB8];
	_ =	sdelay $0x3  }
0x36: {  	p1 =	seq.s32 s10, $0x1;
	s10 =	sld [smem:$0x3FB9];
	_ =	sdelay $0x3  }
0x37: {  	[smem:$0x3FB9] =	sst s10  }
0x38: {  	s10 =	sld [smem:$0x3FBA]  }
0x39: {  	_ = 	snop;
	(pc) =	sbr.ind lr, $3  }
0x3a: {  	_ = 	snop  }
0x3b: {  	_ = 	snop  }
0x3c: {  	p2 =	seq.s32 s10, $0x1;
	s10 =	sld [smem:$0x3FB9]  }
0x3d: {  	_ =	shalt  }
0x3e: {  	_ =	shalt  }
0x3f: {  	_ =	shalt  }
0x40: {  	_ =	shalt  }
0x41: {  	_ =	shalt  }
0x42: {  	_ =	shalt  }
0x43: {  	_ =	shalt  }
0x44: {  	_ =	shalt  }
0x45: {  	_ =	shalt  }
0x46: {  	_ =	shalt  }
0x47: {  	_ =	shalt  }
0x48: {  	_ =	shalt  }
0x49: {  	_ =	shalt  }
0x4a: {  	_ =	shalt  }
0x4b: {  	_ =	shalt  }
0x4c: {  	_ =	shalt  }
0x4d: {  	_ =	shalt  }
0x4e: {  	_ =	shalt  }
0x4f: {  	_ =	shalt  }
0x50: {  	_ =	shalt  }
0x51: {  	_ =	shalt  }
0x52: {  	_ =	shalt  }
0x53: {  	_ =	shalt  }
0x54: {  	_ =	shalt  }
0x55: {  	_ =	shalt  }
0x56: {  	_ =	shalt  }
0x57: {  	_ =	shalt  }
0x58: {  	_ =	shalt  }
0x59: {  	_ =	shalt  }
0x5a: {  	_ =	shalt  }
0x5b: {  	_ =	shalt  }
0x5c: {  	_ =	shalt  }
0x5d: {  	_ =	shalt  }
0x5e: {  	_ =	shalt  }
0x5f: {  	_ =	shalt  }
0x60: {  	_ =	shalt  }
0x61: {  	_ =	shalt  }
0x62: {  	_ =	shalt  }
0x63: {  	_ =	shalt  }
0x64: {  	_ =	shalt  }
0x65: {  	_ =	shalt  }
0x66: {  	_ =	shalt  }
0x67: {  	_ =	shalt  }
0x68: {  	_ =	shalt  }
0x69: {  	_ =	shalt  }
0x6a: {  	_ =	shalt  }
0x6b: {  	_ =	shalt  }
0x6c: {  	_ =	shalt  }
0x6d: {  	_ =	shalt  }
0x6e: {  	_ =	shalt  }
0x6f: {  	_ =	shalt  }
0x70: {  	_ =	shalt  }
0x71: {  	_ =	shalt  }
0x72: {  	_ =	shalt  }
0x73: {  	_ =	shalt  }
0x74: {  	_ =	shalt  }
0x75: {  	_ =	shalt  }
0x76: {  	_ =	shalt  }
0x77: {  	_ =	shalt  }
0x78: {  	_ =	shalt  }
0x79: {  	_ =	shalt  }
0x7a: {  	_ =	shalt  }
0x7b: {  	_ =	shalt  }
0x7c: {  	_ =	shalt  }
0x7d: {  	_ =	shalt  }
0x7e: {  	_ =	shalt  }
0x7f: {  	_ =	shalt  }
0x80: {  	_ =	shalt  }
0x81: {  	_ =	shalt  }
0x82: {  	_ =	shalt  }
0x83: {  	_ =	shalt  }
0x84: {  	_ =	shalt  }
0x85: {  	_ =	shalt  }
0x86: {  	_ =	shalt  }
0x87: {  	_ =	shalt  }
.Lfunc_end0:
.L_simem_size_0:
called_computation_lowered:
.L_overlay_start_0:
0x88: {  	s2 =	sld [smem:$0x3FD9]  }
0x89: {  	s3 =	sld [smem:$0x3FFE];
	_ =	sdelay $0x1  }
0x8a: {  	s1 =	srdreg.scid  }
0x8b: {  	s0 =	sand.u32 $0x1, s1  }
0x8c: {  	s17 =	sshll.u32 s0, $0xA;
	s2 =	sadd.s32 s3, s2  }
0x8d: {  	s2 =	sadd.s32 s2, s17  }
0x8e: {  	[smem:$0x3FC5] =	sst s2  }
0x8f: {  	_ = 	snop  }
0x90: {  	s2 =	sld [smem:$0x3FC9]  }
0x91: {  	s18 =	sld [smem:$0x3FD0];
	(tm) =	ssettm $0x1  }
0x92: {  	s4 =	sld [smem:$0x3FFB];
	_ =	sdelay $0x3  }
0x93: {  	_ =	strace s4  }
0x94: {  	s4 =	sld [smem:$0x3FFC];
	_ =	sdelay $0x3  }
0x95: {  	_ =	strace s4  }
0x96: {  	s4 =	sld [smem:$0x3FFD];
	_ =	sdelay $0x3  }
0x97: {  	_ =	strace s4  }
0x98: {  	_ =	strace $0x8FFFFFFF  }
0x99: {  	s19 =	sld [smem:$0x3FDB];
	_ =	sdelay $0x1  }
0x9a: {  	s5 =	simm.s32 $_scs_section_size  }
0x9b: {  	s6 =	simm.s32 $_size__tile_overlayer_lowered;
	s7 =	simm.s32 $_tile_overlayer_lowered  }
0x9c: {  	s22 =	simm.s32 $0x1BFF;
	s21 =	sshll.u32 s7, $0x1;
	s4 =	sadd.s32 s5, s19  }
0x9d: {  	s8 =	simm.s32 $0x0;
	s20 =	sshll.u32 s6, $0x1;
	s6 =	sadd.s32 s21, s4  }
0x9e: {  	[timem:s8], [sflag:s22] =	dma.local [hbm:s6], s20  }
0x9f: {  	_ =	swait.ge [sflag:s22], s20  }
0xa0: {  	s5 =	ssub.s32 $0x0, s20;
	[sflag:s22] =	ssyncset.done $0x0  }
0xa1: {  	[sflag:s22] =	ssyncadd.s32 s5;
	_ =	sdelay $0x1  }
0xa2: {  	s23 =	simm.s32 $0x1B8B  }
0xa3: {  	_ =	swait.ge [sflag:s23], $0x1  }
0xa4: {  	[sflag:s23] =	ssyncset.done $0x0  }
0xa5: {  	s25 =	simm.s32 $0x1B8E;
	s24 =	sld [smem:$0x3FFE];
	[sflag:s23] =	ssyncadd.s32 $0xFFFFFFFF  }
0xa6: {  	s26 =	simm.s32 $execute0_lowered;
	[smem:$0x3FD2] =	sst s25  }
0xa7: {  	s6 =	sshll.u32 s26, $0x1;
	_ =	strace $0x80000046;
	[dreg:$0x1] =	wrdreg $0xFFFFFFFF  }
0xa8: {  	s28 =	simm.s32 $_size_execute0_lowered;
	s4 =	sadd.s32 s4, s6;
	[dreg:$0x0] =	wrdreg $0x0  }
0xa9: {  	s6 =	sshll.u32 s28, $0x1;
	[dreg:$0x2] =	wrdreg s4  }
0xaa: {  	[dreg:$0x3] =	wrdreg s6  }
0xab: {  	[dreg:$0x4] =	wrdreg $0xC0  }
0xac: {  	_ =	task [dreg:s8], $0x5FFFF  }
0xad: {  	[dreg:$0x1] =	wrdreg $0xFFFFFFFF  }
0xae: {  	[dreg:$0x0] =	wrdreg $0x60  }
0xaf: {  	[dreg:$0x2] =	wrdreg s2  }
0xb0: {  	[dreg:$0x3] =	wrdreg s24  }
0xb1: {  	[dreg:$0x4] =	wrdreg s18  }
0xb2: {  	[dreg:$0x5] =	wrdreg $0x9  }
0xb3: {  	_ =	task.clear_ibuf [dreg:s8], $0x6FFFF;
	_ =	strace $0x90000046  }
0xb4: {  	s29 =	simm.s32 $0x9;
	_ =	strace $0x80000048  }
0xb5: {  	_ =	swait.ge [sflag:s29], $0x1  }
0xb6: {  	[sflag:s29] =	ssyncadd.s32 $0xFFFFFFFF  }
0xb7: {  	_ =	strace $0x90000048  }
0xb8: {  	_ =	sfence  }
0xb9: {  	s30 =	sld [smem:$0x0];
	_ =	sdelay $0x2  }
0xba: {  	s31 =	sshll.u32 s1, $0xD;
	s1 =	sshrl.u32 s1, $0x2  }
0xbb: {  	s3 =	sand.u32 $0x4000, s31;
	s1 =	sadd.s32 s1, s30  }
0xbc: {  	s0 =	sor.u32 s3, s0;
	s1 =	sshll.u32 s1, $0x11  }
0xbd: {  	s0 =	sor.u32 s1, s0  }
0xbe: {  	s0 =	sadd.s32 $0x8F2B, s0  }
0xbf: {  	[sflag:s0] =	ssyncadd.remote.s32 $0x1  }
0xc0: {  	_ =	sfence.sel $0xFFFF  }
0xc1: {  	[dreg:$0x0] =	wrdreg $0xFFFFFFFF;
	(pc) =	sbr.abs _section_cstart, $3  }
0xc2: {  	[dreg:$0x1] =	wrdreg $0xFFFFFFFF  }
0xc3: {  	_ =	task.clear_ibuf [dreg:s8], $0x2FFFF;
	_ =	strace $0x9FFFFFFF  }
0xc4: {  	(tm) =	ssettm $0x7FFFFFFF  }
0xc5: {  	_ =	shalt  }
tec
execute0_lowered:
.L_overlay_start_1:
0x0: {  	(tag) =	ssettag $0x1  }
0x1: {  	s8 =	rddreg [dreg:$0x0]  }
0x2: {  	s0 =	rddreg [dreg:$0x1]  }
0x3: {  	s3 =	rddreg [dreg:$0x2]  }
0x4: {  	s1 =	srdreg.scid;
	s6 =	stileid.u32  }
0x5: {  	s4 =	simm.s32 $0x0;
	s1 =	sand.u32 $0x1, s1;
	s2 =	sshll.u32 s6, $0x2  }
0x6: {  	[smem:$0x7FF] =	sst s4;
	s11 =	sshll.u32 s6, $0xD;
	s7 =	sadd.s32 $0x600, s0  }
0x7: {  	s0 =	sadd.s32 $0x400, s0;
	s9 =	sadd.s32 $0x4000, s8;
	s5 =	sshll.u32 s1, $0x1  }
0x8: {  	_ =	strace $0x80000047;
	s1 =	ssub.s32 $0x2, s1;
	s5 =	sor.u32 s5, s2  }
0x9: {  	[dreg:$0x4] =	wrdreg s7;
	s13 =	sshrl.u32 s1, $0x1;
	s12 =	sshll.u32 s5, $0x7  }
0xa: {  	[dreg:$0x5] =	wrdreg s0;
	s0 =	ssub.s32 s1, s13;
	s2 =	sor.u32 s11, s12  }
0xb: {  	[dreg:$0x6] =	wrdreg s9;
	s0 =	smax.u32 s0, $0x1;
	s2 =	sand.u32 $0x1C300, s2  }
0xc: {  	s29 =	simm.s32 $0x10800;
	[dreg:$0x17] =	wrdreg s0;
	s20 =	sor.u32 $0xC0000, s2  }
0xd: {  	s28 =	simm.s32 $0x1AA00;
	s21 =	sor.u32 $0x100000, s2;
	[dreg:$0xb] =	wrdreg s20  }
0xe: {  	s16 =	sadd.s32 $0x8000, s8;
	s22 =	sor.u32 $0x140000, s2;
	[dreg:$0xc] =	wrdreg s21  }
0xf: {  	s17 =	sadd.s32 $0x10000, s8;
	s23 =	sor.u32 $0x160000, s2;
	[dreg:$0xd] =	wrdreg s22  }
0x10: {  	s8 =	sadd.s32 $0x14000, s8;
	s25 =	sor.u32 $0xC0080, s2;
	[dreg:$0xe] =	wrdreg s23  }
0x11: {  	s11 =	simm.s32 $0x11A00;
	s26 =	sor.u32 $0x100080, s2;
	[dreg:$0x13] =	wrdreg s25  }
0x12: {  	s12 =	simm.s32 $0x12200;
	s30 =	sor.u32 $0x140080, s2;
	[dreg:$0x14] =	wrdreg s26  }
0x13: {  	s14 =	sshrl.u32 s2, $0x3;
	s31 =	sor.u32 $0x160080, s2;
	[dreg:$0x15] =	wrdreg s30  }
0x14: {  	s2 =	simm.s32 $0x0;
	s15 =	sadd.s32 s14, s9;
	[dreg:$0x16] =	wrdreg s31  }
0x15: {  	s10 =	sadd.s32 s14, s16;
	s18 =	sadd.s32 s14, s17;
	[dreg:$0x7] =	wrdreg s15  }
0x16: {  	s19 =	sadd.s32 s14, s8;
	s1 =	sor.u32 $0x10, s14;
	[dreg:$0x8] =	wrdreg s10  }
0x17: {  	s26 =	simm.s32 $0xC000;
	s20 =	simm.s32 $0x14200;
	[dreg:$0x9] =	wrdreg s18  }
0x18: {  	s25 =	simm.s32 $0x16A00;
	[dreg:$0xa] =	wrdreg s19;
	s9 =	sadd.s32 s1, s9  }
0x19: {  	s6 =	sadd.s32 s1, s16;
	s24 =	sadd.s32 s1, s17;
	[dreg:$0xf] =	wrdreg s9  }
0x1a: {  	s1 =	sadd.s32 s1, s8;
	s10 =	simm.s32 $0x11200;
	[dreg:$0x10] =	wrdreg s6  }
0x1b: {  	s17 =	simm.s32 $0x12A00;
	s18 =	simm.s32 $0x13200;
	[dreg:$0x11] =	wrdreg s24  }
0x1c: {  	v0 =	vlaneseq.u32;
	s19 =	simm.s32 $0x13A00;
	[dreg:$0x12] =	wrdreg s1;
	s9 =	simm.s32 $0x10A00  }
.LBB2_1:
0x1d: {  	[dreg:$0x18] =	wrdreg s2  }
0x1e: {  	s0 =	rddreg [dreg:$0x4];
	s1 =	simm.s32 $0x5  }
0x1f: {  	[tilespmem:s26], [sflag:$0x5] =	stream.linear.gather [hbm4b:s0+s4], $0x4800, $0x38;
	[tilespmem:$0x1EA00] =	vst v63  }
0x20: {  	_ =	swait.ge [sflag:s1], $0x4800  }
0x21: {  	[sflag:s1] =	ssyncset.done $0x0  }
0x22: {  	s13 =	rddreg [dreg:$0x5];
	[sflag:s1] =	ssyncadd.s32 $0xFFFFB800  }
0x23: {  	[tilespmem:s29], [sflag:$0x5] =	stream.linear.gather [hbm4b:s13+s4], $0x200, $0x38;
	[tilespmem:$0x1EA00] =	vst v63  }
0x24: {  	_ =	swait.ge [sflag:s1], $0x200  }
0x25: {  	s15 =	simm.s32 $0x80;
	s16 =	simm.s32 $0x400;
	[sflag:s1] =	ssyncset.done $0x0  }
0x26: {  	s6 =	simm.s32 $0x14A00;
	s14 =	rddreg [dreg:$0x7];
	[sflag:s1] =	ssyncadd.s32 $0xFFFFFE00  }
0x27: {  	[tilespmem:s6], [sflag:$0x1] =	stream.strided.gather [hbm4b:s14+s15], $0x800, s16, s15, $0x38;
	[tilespmem:$0x1EA00] =	vst v63  }
0x28: {  	s22 =	simm.s32 $0x15200;
	s21 =	rddreg [dreg:$0x8]  }
0x29: {  	[tilespmem:s22], [sflag:$0x1] =	stream.strided.gather [hbm4b:s21+s15], $0x800, s16, s15, $0x38;
	[tilespmem:$0x1EA00] =	vst v63  }
0x2a: {  	s24 =	simm.s32 $0x15A00;
	s23 =	rddreg [dreg:$0x9]  }
0x2b: {  	[tilespmem:s24], [sflag:$0x2] =	stream.strided.gather [hbm4b:s23+s15], $0x800, s16, s15, $0x38;
	[tilespmem:$0x1EA00] =	vst v63  }
0x2c: {  	s31 =	simm.s32 $0x16200;
	s0 =	simm.s32 $0x0;
	s30 =	rddreg [dreg:$0xa]  }
0x2d: {  	[tilespmem:s31], [sflag:$0x2] =	stream.strided.gather [hbm4b:s30+s15], $0x800, s16, s15, $0x38;
	[tilespmem:$0x1EA00] =	vst v63  }
.LBB2_2:
0x2e: {  	s6 =	simm.s32 $0x1  }
0x2f: {  	_ =	swait.ge [sflag:s6], $0x800  }
0x30: {  	[sflag:s6] =	ssyncset.done $0x0  }
0x31: {  	s21 =	simm.s32 $0x0;
	[sflag:s6] =	ssyncadd.s32 $0xFFFFF800  }
0x32: {  	s2 =	sand.u32 $0x60, s21;
	_ =	swait.ge [sflag:s6], $0x800  }
0x33: {  	s1 =	sand.u32 $0x7FFFFF80, s21;
	s14 =	sor.u32 $0x10, s2;
	[sflag:s6] =	ssyncset.done $0x0  }
0x34: {  	s1 =	sor.u32 s14, s1;
	[sflag:s6] =	ssyncadd.s32 $0xFFFFF800  }
0x35: {  	v1 =	vld [tilespmem:s1+$0x14A00]  }
0x36: {  	s23 =	simm.s32 $0x15200  }
0x37: {  	s8 =	simm.s32 $0x14A00;
	v2 =	vld [tilespmem:s23+$0x0]  }
0x38: {  	v3 =	vld [tilespmem:s8+$0x0];
	_ =	sdelay $0x1  }
0x39: {  	v4 =	vld [tilespmem:s1+$0x15200];
	v1 =	vmul.f32 $2.880000000e+02, v1  }
0x3a: {  	s24 =	simm.s32 $0x15220;
	s13 =	simm.s32 $0x20  }
0x3b: {  	s6 =	sand.u32 $0x60, s13;
	v5 =	vld [tilespmem:s24+$0x0];
	v2 =	vtrunc.f32 v2;
	v6 =	vtrunc.f32 v1  }
0x3c: {  	s30 =	sand.u32 $0x7FFFFF80, s13;
	s8 =	sor.u32 $0x10, s6;
	v3 =	vmul.f32 $2.880000000e+02, v3;
	v6 =	vcvt.f32.s32 v6  }
0x3d: {  	s22 =	sor.u32 s8, s30;
	v1 =	vcvt.f32.s32 v2  }
0x3e: {  	v7 =	vld [tilespmem:s22+$0x14A00];
	v2 =	vtrunc.f32 v3;
	v3 =	vtrunc.f32 v4;
	vm1 =	vgt.s32 v6, $0x0  }
0x3f: {  	s15 =	simm.s32 $0x14A20;
	v8 =	vcvt.f32.s32 v2;
	v3 =	vcvt.f32.s32 v3;
	v4 =	vnsel vm1, $0x0, v6  }
0x40: {  	v2 =	vtrunc.f32 v5;
	v5 =	vmin.u32 v4, $0x11F;
	v4 =	vld [tilespmem:s15+$0x0]  }
0x41: {  	s31 =	sshll.u32 s0, $0xE;
	vm0 =	vgt.s32 v1, $0x0;
	vm2 =	vgt.s32 v3, $0x0;
	vm1 =	vgt.s32 v8, $0x0  }
0x42: {  	s16 =	simm.s32 $0x2;
	s1 =	sshra.s32 s31, $0x2;
	s23 =	sand.u32 $0x780, s21;
	v9 =	vnsel vm2, $0x0, v3;
	v3 =	vld [tilespmem:s22+$0x15200];
	v8 =	vnsel vm1, $0x0, v8;
	v5 =	vmul.u32 $0x7, v5  }
0x43: {  	s21 =	simm.s32 $0x15240;
	s23 =	sadd.s32 s23, s1;
	v6 =	vmul.f32 $2.880000000e+02, v7;
	s22 =	simm.s32 $0x40;
	v7 =	vmin.u32 v8, $0x11F;
	v8 =	vmin.u32 v9, $0x6  }
.LBB2_3:
0x44: {  	s24 =	sand.u32 $0x60, s22;
	v9 =	vld [tilespmem:s21+$0x0];
	s16 =	sadd.s32 $0x2, s16;
	v1 =	vnsel vm0, $0x0, v1;
	v7 =	vmul.u32 $0x7, v7;
	v5 =	vadd.s32 v8, v5;
	s14 =	sadd.s32 s14, s23  }
0x45: {  	s30 =	sand.u32 $0x7FFFFF80, s22;
	s31 =	sor.u32 $0x10, s24;
	p0 =	slt.u32 s16, $0x7E;
	v4 =	vmul.f32 $2.880000000e+02, v4;
	v6 =	vtrunc.f32 v6;
	v8 =	vmin.u32 v1, $0x6;
	[tilespmem:s14+$0x0] =	vst v5  }
0x46: {  	v1 =	vcvt.f32.s32 v2;
	s14 =	sadd.s32 s2, s23;
	s2 =	smov.u32 s6;
	s30 =	sor.u32 s31, s30;
	v5 =	vcvt.f32.s32 v6;
	v2 =	vadd.s32 v8, v7  }
0x47: {  	s6 =	smov.u32 s24;
	v6 =	vld [tilespmem:s30+$0x14A00];
	v4 =	vtrunc.f32 v4;
	v3 =	vtrunc.f32 v3;
	[tilespmem:s14+$0x0] =	vst v2;
	s14 =	smov.u32 s8;
	s8 =	smov.u32 s31  }
.Ltmp0:
0x48: {  	s15 =	sadd.s32 $0x20, s15;
	v7 =	vcvt.f32.s32 v4;
	vm1 =	vgt.s32 v5, $0x0;
	v8 =	vcvt.f32.s32 v3;
	(pc) =	sbr.rel @p0 .LBB2_3-.Ltmp0, $4  }
0x49: {  	vm0 =	vgt.s32 v1, $0x0;
	v4 =	vld [tilespmem:s15+$0x0];
	v2 =	vtrunc.f32 v9;
	v3 =	vnsel vm1, $0x0, v5  }
0x4a: {  	vm1 =	vgt.s32 v7, $0x0;
	v5 =	vmin.u32 v3, $0x11F;
	vm2 =	vgt.s32 v8, $0x0  }
0x4b: {  	s23 =	sand.u32 $0x780, s13;
	s13 =	smov.u32 s22;
	v3 =	vld [tilespmem:s30+$0x15200];
	v7 =	vnsel vm1, $0x0, v7;
	v8 =	vnsel vm2, $0x0, v8;
	v5 =	vmul.u32 $0x7, v5  }
0x4c: {  	s21 =	sadd.s32 $0x20, s21;
	s22 =	sadd.s32 $0x20, s22;
	s23 =	sadd.s32 s23, s1;
	v6 =	vmul.f32 $2.880000000e+02, v6;
	v7 =	vmin.u32 v7, $0x11F;
	v8 =	vmin.u32 v8, $0x6  }
0x4d: {  	_ = 	snop  }
0x4e: {  	v1 =	vnsel vm0, $0x0, v1;
	v4 =	vmul.f32 $2.880000000e+02, v4;
	v6 =	vtrunc.f32 v6  }
0x4f: {  	v7 =	vmul.u32 $0x7, v7;
	v2 =	vcvt.f32.s32 v2;
	v6 =	vcvt.f32.s32 v6  }
0x50: {  	v1 =	vmin.u32 v1, $0x6;
	v4 =	vtrunc.f32 v4;
	v3 =	vtrunc.f32 v3  }
0x51: {  	v4 =	vcvt.f32.s32 v4;
	vm0 =	vgt.s32 v6, $0x0;
	v3 =	vcvt.f32.s32 v3  }
0x52: {  	v5 =	vadd.s32 v8, v5;
	v1 =	vadd.s32 v1, v7;
	v6 =	vnsel vm0, $0x0, v6  }
0x53: {  	p0 =	seq.s32 s0, $0x5;
	s14 =	sadd.s32 s14, s23;
	vm0 =	vgt.s32 v4, $0x0;
	v6 =	vmin.u32 v6, $0x11F;
	vm2 =	vgt.s32 v3, $0x0  }
0x54: {  	s13 =	sand.u32 $0x780, s13;
	s15 =	smul.u32 @!p0 $0xC0000, s0;
	[tilespmem:s14+$0x0] =	vst v5;
	v4 =	vnsel vm0, $0x0, v4;
	v3 =	vnsel vm2, $0x0, v3;
	v6 =	vmul.u32 $0x7, v6  }
0x55: {  	s2 =	sadd.s32 s2, s23;
	s13 =	sadd.s32 s13, s1;
	vm1 =	vgt.s32 v2, $0x0;
	s7 =	rddreg [dreg:$0xb];
	v4 =	vmin.u32 v4, $0x11F;
	v3 =	vmin.u32 v3, $0x6  }
0x56: {  	v2 =	vnsel vm1, $0x0, v2;
	s14 =	sadd.s32 @!p0 s7, s15;
	[tilespmem:s2+$0x0] =	vst v1;
	s7 =	sadd.s32 s8, s13;
	v4 =	vmul.u32 $0x7, v4;
	v1 =	vadd.s32 v3, v6  }
0x57: {  	s2 =	simm.s32 @!p0 $0x80;
	v2 =	vmin.u32 v2, $0x6;
	[tilespmem:s7+$0x0] =	vst v1  }
0x58: {  	s8 =	sshrl.u32 @!p0 s14, $0x3;
	s14 =	sadd.s32 s6, s13;
	v1 =	vadd.s32 v2, v4;
	s6 =	rddreg [dreg:$0x6]  }
0x59: {  	s13 =	simm.s32 @!p0 $0x14A00;
	s6 =	sadd.s32 @!p0 s8, s6;
	[tilespmem:s14+$0x0] =	vst v1;
	s8 =	simm.s32 @!p0 $0x400  }
0x5a: {  	[tilespmem:s13], [sflag:$0x1] =	stream.strided.gather @!p0 [hbm4b:s6+s2], $0x800, s8, s2, $0x38;
	[tilespmem:$0x1EA00] =	vst v63  }
0x5b: {  	s6 =	rddreg [dreg:$0xc]  }
0x5c: {  	s6 =	sadd.s32 @!p0 s6, s15  }
0x5d: {  	s7 =	rddreg [dreg:$0x0];
	s6 =	sshrl.u32 @!p0 s6, $0x3  }
0x5e: {  	s13 =	simm.s32 @!p0 $0x15200;
	s15 =	simm.s32 $0x2;
	s6 =	sadd.s32 @!p0 s7, s6  }
0x5f: {  	[tilespmem:s13], [sflag:$0x1] =	stream.strided.gather @!p0 [hbm4b:s6+s2], $0x800, s8, s2, $0x38;
	[tilespmem:$0x1EA00] =	vst v63  }
0x60: {  	_ =	swait.ge [sflag:s15], $0x800  }
0x61: {  	[sflag:s15] =	ssyncset.done $0x0  }
0x62: {  	s21 =	simm.s32 $0x0;
	[sflag:s15] =	ssyncadd.s32 $0xFFFFF800  }
0x63: {  	s2 =	sand.u32 $0x60, s21;
	_ =	swait.ge [sflag:s15], $0x800  }
0x64: {  	s16 =	sand.u32 $0x7FFFFF80, s21;
	s14 =	sor.u32 $0x10, s2;
	[sflag:s15] =	ssyncset.done $0x0  }
0x65: {  	s6 =	sor.u32 s14, s16;
	[sflag:s15] =	ssyncadd.s32 $0xFFFFF800  }
0x66: {  	v1 =	vld [tilespmem:s6+$0x15A00]  }
0x67: {  	s22 =	simm.s32 $0x16200  }
0x68: {  	s23 =	simm.s32 $0x15A00;
	v2 =	vld [tilespmem:s22+$0x0]  }
0x69: {  	v3 =	vld [tilespmem:s23+$0x0];
	_ =	sdelay $0x1  }
0x6a: {  	v4 =	vld [tilespmem:s6+$0x16200];
	v1 =	vmul.f32 $2.880000000e+02, v1  }
0x6b: {  	s24 =	simm.s32 $0x16220;
	s13 =	simm.s32 $0x20  }
0x6c: {  	s6 =	sand.u32 $0x60, s13;
	v5 =	vld [tilespmem:s24+$0x0];
	v2 =	vtrunc.f32 v2;
	v6 =	vtrunc.f32 v1  }
0x6d: {  	s30 =	sand.u32 $0x7FFFFF80, s13;
	s8 =	sor.u32 $0x10, s6;
	v3 =	vmul.f32 $2.880000000e+02, v3;
	v6 =	vcvt.f32.s32 v6  }
0x6e: {  	s22 =	sor.u32 s8, s30;
	v1 =	vcvt.f32.s32 v2  }
0x6f: {  	v7 =	vld [tilespmem:s22+$0x15A00];
	v2 =	vtrunc.f32 v3;
	v3 =	vtrunc.f32 v4;
	vm1 =	vgt.s32 v6, $0x0  }
0x70: {  	s15 =	simm.s32 $0x15A20;
	v8 =	vcvt.f32.s32 v2;
	v3 =	vcvt.f32.s32 v3;
	v4 =	vnsel vm1, $0x0, v6  }
0x71: {  	v2 =	vtrunc.f32 v5;
	v5 =	vmin.u32 v4, $0x11F;
	v4 =	vld [tilespmem:s15+$0x0]  }
0x72: {  	vm0 =	vgt.s32 v1, $0x0;
	vm2 =	vgt.s32 v3, $0x0;
	vm1 =	vgt.s32 v8, $0x0  }
0x73: {  	s1 =	sadd.s32 $0x800, s1;
	s31 =	sand.u32 $0x780, s21;
	s21 =	simm.s32 $0x16240;
	v9 =	vnsel vm2, $0x0, v3;
	v3 =	vld [tilespmem:s22+$0x16200];
	v8 =	vnsel vm1, $0x0, v8;
	v5 =	vmul.u32 $0x7, v5  }
0x74: {  	s16 =	simm.s32 $0x2;
	s23 =	sadd.s32 s31, s1;
	v6 =	vmul.f32 $2.880000000e+02, v7;
	s22 =	simm.s32 $0x40;
	v7 =	vmin.u32 v8, $0x11F;
	v8 =	vmin.u32 v9, $0x6  }
.LBB2_5:
0x75: {  	s24 =	sand.u32 $0x60, s22;
	v9 =	vld [tilespmem:s21+$0x0];
	s16 =	sadd.s32 $0x2, s16;
	v1 =	vnsel vm0, $0x0, v1;
	v7 =	vmul.u32 $0x7, v7;
	v5 =	vadd.s32 v8, v5;
	s14 =	sadd.s32 s14, s23  }
0x76: {  	s30 =	sand.u32 $0x7FFFFF80, s22;
	s31 =	sor.u32 $0x10, s24;
	p1 =	slt.u32 s16, $0x7E;
	v4 =	vmul.f32 $2.880000000e+02, v4;
	v6 =	vtrunc.f32 v6;
	v8 =	vmin.u32 v1, $0x6;
	[tilespmem:s14+$0x0] =	vst v5  }
0x77: {  	v1 =	vcvt.f32.s32 v2;
	s14 =	sadd.s32 s2, s23;
	s2 =	smov.u32 s6;
	s30 =	sor.u32 s31, s30;
	v5 =	vcvt.f32.s32 v6;
	v2 =	vadd.s32 v8, v7  }
0x78: {  	s6 =	smov.u32 s24;
	v6 =	vld [tilespmem:s30+$0x15A00];
	v4 =	vtrunc.f32 v4;
	v3 =	vtrunc.f32 v3;
	[tilespmem:s14+$0x0] =	vst v2;
	s14 =	smov.u32 s8;
	s8 =	smov.u32 s31  }
.Ltmp1:
0x79: {  	s15 =	sadd.s32 $0x20, s15;
	v7 =	vcvt.f32.s32 v4;
	vm1 =	vgt.s32 v5, $0x0;
	v8 =	vcvt.f32.s32 v3;
	(pc) =	sbr.rel @p1 .LBB2_5-.Ltmp1, $4  }
0x7a: {  	vm0 =	vgt.s32 v1, $0x0;
	v4 =	vld [tilespmem:s15+$0x0];
	v2 =	vtrunc.f32 v9;
	v3 =	vnsel vm1, $0x0, v5  }
0x7b: {  	vm1 =	vgt.s32 v7, $0x0;
	v5 =	vmin.u32 v3, $0x11F;
	vm2 =	vgt.s32 v8, $0x0  }
0x7c: {  	s23 =	sand.u32 $0x780, s13;
	s13 =	smov.u32 s22;
	v3 =	vld [tilespmem:s30+$0x16200];
	v7 =	vnsel vm1, $0x0, v7;
	v8 =	vnsel vm2, $0x0, v8;
	v5 =	vmul.u32 $0x7, v5  }
0x7d: {  	s21 =	sadd.s32 $0x20, s21;
	s22 =	sadd.s32 $0x20, s22;
	s23 =	sadd.s32 s23, s1;
	v6 =	vmul.f32 $2.880000000e+02, v6;
	v7 =	vmin.u32 v7, $0x11F;
	v8 =	vmin.u32 v8, $0x6  }
0x7e: {  	_ = 	snop  }
0x7f: {  	v1 =	vnsel vm0, $0x0, v1;
	v4 =	vmul.f32 $2.880000000e+02, v4  }
0x80: {  	v7 =	vmul.u32 $0x7, v7;
	v2 =	vcvt.f32.s32 v2;
	v6 =	vtrunc.f32 v6  }
0x81: {  	v5 =	vadd.s32 v8, v5;
	v6 =	vcvt.f32.s32 v6;
	v4 =	vtrunc.f32 v4  }
0x82: {  	v1 =	vmin.u32 v1, $0x6;
	v3 =	vtrunc.f32 v3;
	v4 =	vcvt.f32.s32 v4  }
0x83: {  	v1 =	vadd.s32 v1, v7;
	vm14 =	vgt.s32 v6, $0x0;
	v3 =	vcvt.f32.s32 v3  }
0x84: {  	vm1 =	vgt.s32 v2, $0x0;
	v6 =	vnsel vm14, $0x0, v6;
	vm15 =	vgt.s32 v4, $0x0  }
0x85: {  	v6 =	vmin.u32 v6, $0x11F;
	vm2 =	vgt.s32 v3, $0x0;
	v4 =	vnsel vm15, $0x0, v4  }
.Ltmp2:
0x86: {  	s14 =	sadd.s32 s14, s23;
	s13 =	sand.u32 $0x780, s13;
	v3 =	vnsel vm2, $0x0, v3;
	v6 =	vmul.u32 $0x7, v6;
	v4 =	vmin.u32 v4, $0x11F;
	(pc) =	sbr.rel @p0 .LBB2_8-.Ltmp2, $4  }
0x87: {  	s2 =	sadd.s32 s2, s23;
	[tilespmem:s14+$0x0] =	vst v5;
	s1 =	sadd.s32 s13, s1;
	v2 =	vnsel vm1, $0x0, v2;
	v3 =	vmin.u32 v3, $0x6;
	v4 =	vmul.u32 $0x7, v4  }
0x88: {  	s31 =	sadd.s32 s8, s1;
	[tilespmem:s2+$0x0] =	vst v1;
	v2 =	vmin.u32 v2, $0x6;
	v1 =	vadd.s32 v3, v6  }
0x89: {  	s1 =	sadd.s32 s6, s1;
	[tilespmem:s31+$0x0] =	vst v1;
	v1 =	vadd.s32 v2, v4  }
0x8a: {  	[tilespmem:s1+$0x0] =	vst v1  }
0x8b: {  	s1 =	smul.u32 $0xC0000, s0;
	s2 =	rddreg [dreg:$0xd]  }
0x8c: {  	s6 =	rddreg [dreg:$0x0];
	s7 =	simm.s32 $0x80  }
0x8d: {  	s8 =	simm.s32 $0x400;
	s30 =	rddreg [dreg:$0xe];
	s2 =	sadd.s32 s2, s1  }
.Ltmp3:
0x8e: {  	s1 =	sadd.s32 s30, s1;
	s2 =	sshrl.u32 s2, $0x3;
	(pc) =	sbr.rel .LBB2_2-.Ltmp3, $4  }
0x8f: {  	s13 =	simm.s32 $0x15A00;
	s1 =	sshrl.u32 s1, $0x3;
	s2 =	sadd.s32 s6, s2  }
0x90: {  	[tilespmem:s13], [sflag:$0x2] =	stream.strided.gather [hbm4b:s2+s7], $0x800, s8, s7, $0x38;
	[tilespmem:$0x1EA00] =	vst v63  }
0x91: {  	s31 =	simm.s32 $0x16200;
	s0 =	sadd.s32 $0x1, s0;
	s1 =	sadd.s32 s6, s1  }
0x92: {  	[tilespmem:s31], [sflag:$0x2] =	stream.strided.gather [hbm4b:s1+s7], $0x800, s8, s7, $0x38;
	[tilespmem:$0x1EA00] =	vst v63  }
.LBB2_8:
0x93: {  	s0 =	rddreg [dreg:$0xf]  }
0x94: {  	s1 =	simm.s32 $0x80;
	s2 =	simm.s32 $0x400;
	s6 =	simm.s32 $0x14A00  }
0x95: {  	[tilespmem:s6], [sflag:$0x1] =	stream.strided.gather [hbm4b:s0+s1], $0x800, s2, s1, $0x38;
	[tilespmem:$0x1EA00] =	vst v63  }
0x96: {  	s21 =	rddreg [dreg:$0x10];
	s22 =	simm.s32 $0x15200  }
0x97: {  	[tilespmem:s22], [sflag:$0x1] =	stream.strided.gather [hbm4b:s21+s1], $0x800, s2, s1, $0x38;
	[tilespmem:$0x1EA00] =	vst v63  }
0x98: {  	s23 =	rddreg [dreg:$0x11];
	s24 =	simm.s32 $0x15A00  }
0x99: {  	[tilespmem:s24], [sflag:$0x2] =	stream.strided.gather [hbm4b:s23+s1], $0x800, s2, s1, $0x38;
	[tilespmem:$0x1EA00] =	vst v63  }
0x9a: {  	s30 =	rddreg [dreg:$0x12];
	s31 =	simm.s32 $0x16200  }
0x9b: {  	[tilespmem:s31], [sflag:$0x2] =	stream.strided.gather [hbm4b:s30+s1], $0x800, s2, s1, $0x38;
	[tilespmem:$0x1EA00] =	vst v63  }
0x9c: {  	s2 =	simm.s32 $0x0  }
.LBB2_9:
0x9d: {  	s0 =	simm.s32 $0x1  }
0x9e: {  	_ =	swait.ge [sflag:s0], $0x800  }
0x9f: {  	[sflag:s0] =	ssyncset.done $0x0  }
0xa0: {  	s7 =	simm.s32 $0x0;
	[sflag:s0] =	ssyncadd.s32 $0xFFFFF800  }
0xa1: {  	s6 =	sand.u32 $0x60, s7;
	_ =	swait.ge [sflag:s0], $0x800  }
0xa2: {  	s1 =	sand.u32 $0x7FFFFF80, s7;
	s15 =	sor.u32 $0x10, s6;
	[sflag:s0] =	ssyncset.done $0x0  }
0xa3: {  	s1 =	sor.u32 s15, s1;
	[sflag:s0] =	ssyncadd.s32 $0xFFFFF800  }
0xa4: {  	v1 =	vld [tilespmem:s1+$0x14A00]  }
0xa5: {  	s8 =	simm.s32 $0x15200  }
0xa6: {  	s13 =	simm.s32 $0x14A00;
	v2 =	vld [tilespmem:s8+$0x0]  }
0xa7: {  	v3 =	vld [tilespmem:s13+$0x0];
	_ =	sdelay $0x1  }
0xa8: {  	v4 =	vld [tilespmem:s1+$0x15200];
	v1 =	vmul.f32 $2.880000000e+02, v1  }
0xa9: {  	s23 =	simm.s32 $0x15220;
	s14 =	simm.s32 $0x20  }
0xaa: {  	s8 =	sand.u32 $0x60, s14;
	v5 =	vld [tilespmem:s23+$0x0];
	v2 =	vtrunc.f32 v2;
	v6 =	vtrunc.f32 v1  }
0xab: {  	s24 =	sand.u32 $0x7FFFFF80, s14;
	s13 =	sor.u32 $0x10, s8;
	v3 =	vmul.f32 $2.880000000e+02, v3;
	v6 =	vcvt.f32.s32 v6  }
0xac: {  	s23 =	sor.u32 s13, s24;
	v1 =	vcvt.f32.s32 v2  }
0xad: {  	v7 =	vld [tilespmem:s23+$0x14A00];
	v2 =	vtrunc.f32 v3;
	v3 =	vtrunc.f32 v4;
	vm1 =	vgt.s32 v6, $0x0  }
0xae: {  	s21 =	simm.s32 $0x14A20;
	v8 =	vcvt.f32.s32 v2;
	v3 =	vcvt.f32.s32 v3;
	v4 =	vnsel vm1, $0x0, v6  }
0xaf: {  	s31 =	sshll.u32 s2, $0xE;
	v2 =	vtrunc.f32 v5;
	v5 =	vmin.u32 v4, $0x11F;
	v4 =	vld [tilespmem:s21+$0x0]  }
0xb0: {  	s1 =	sshra.s32 s31, $0x2;
	vm0 =	vgt.s32 v1, $0x0;
	vm2 =	vgt.s32 v3, $0x0;
	vm1 =	vgt.s32 v8, $0x0  }
0xb1: {  	s22 =	simm.s32 $0x2;
	s30 =	sand.u32 $0x780, s7;
	s16 =	sadd.s32 $0x6000, s1;
	v9 =	vnsel vm2, $0x0, v3;
	v3 =	vld [tilespmem:s23+$0x15200];
	v8 =	vnsel vm1, $0x0, v8;
	v5 =	vmul.u32 $0x7, v5  }
0xb2: {  	s24 =	simm.s32 $0x40;
	s30 =	sadd.s32 s30, s16;
	v6 =	vmul.f32 $2.880000000e+02, v7;
	s23 =	simm.s32 $0x15240;
	v7 =	vmin.u32 v8, $0x11F;
	v8 =	vmin.u32 v9, $0x6  }
.LBB2_10:
0xb3: {  	s31 =	sand.u32 $0x60, s24;
	v9 =	vld [tilespmem:s23+$0x0];
	s22 =	sadd.s32 $0x2, s22;
	v1 =	vnsel vm0, $0x0, v1;
	v7 =	vmul.u32 $0x7, v7;
	v5 =	vadd.s32 v8, v5;
	s15 =	sadd.s32 s15, s30  }
0xb4: {  	s7 =	sand.u32 $0x7FFFFF80, s24;
	s0 =	sor.u32 $0x10, s31;
	p0 =	slt.u32 s22, $0x7E;
	v4 =	vmul.f32 $2.880000000e+02, v4;
	v6 =	vtrunc.f32 v6;
	v8 =	vmin.u32 v1, $0x6;
	[tilespmem:s15+$0x0] =	vst v5  }
0xb5: {  	v1 =	vcvt.f32.s32 v2;
	s15 =	sadd.s32 s6, s30;
	s6 =	smov.u32 s8;
	s7 =	sor.u32 s0, s7;
	v5 =	vcvt.f32.s32 v6;
	v2 =	vadd.s32 v8, v7  }
0xb6: {  	s8 =	smov.u32 s31;
	v6 =	vld [tilespmem:s7+$0x14A00];
	v4 =	vtrunc.f32 v4;
	v3 =	vtrunc.f32 v3;
	[tilespmem:s15+$0x0] =	vst v2;
	s15 =	smov.u32 s13;
	s13 =	smov.u32 s0  }
.Ltmp4:
0xb7: {  	s21 =	sadd.s32 $0x20, s21;
	v7 =	vcvt.f32.s32 v4;
	vm1 =	vgt.s32 v5, $0x0;
	v8 =	vcvt.f32.s32 v3;
	(pc) =	sbr.rel @p0 .LBB2_10-.Ltmp4, $4  }
0xb8: {  	vm0 =	vgt.s32 v1, $0x0;
	v4 =	vld [tilespmem:s21+$0x0];
	v2 =	vtrunc.f32 v9;
	v3 =	vnsel vm1, $0x0, v5  }
0xb9: {  	vm1 =	vgt.s32 v7, $0x0;
	v5 =	vmin.u32 v3, $0x11F;
	vm2 =	vgt.s32 v8, $0x0  }
0xba: {  	s0 =	sand.u32 $0x780, s14;
	s14 =	smov.u32 s24;
	v3 =	vld [tilespmem:s7+$0x15200];
	v7 =	vnsel vm1, $0x0, v7;
	v8 =	vnsel vm2, $0x0, v8;
	v5 =	vmul.u32 $0x7, v5  }
0xbb: {  	s23 =	sadd.s32 $0x20, s23;
	s24 =	sadd.s32 $0x20, s24;
	s30 =	sadd.s32 s0, s16;
	v6 =	vmul.f32 $2.880000000e+02, v6;
	v7 =	vmin.u32 v7, $0x11F;
	v8 =	vmin.u32 v8, $0x6  }
0xbc: {  	_ = 	snop  }
0xbd: {  	v1 =	vnsel vm0, $0x0, v1;
	v4 =	vmul.f32 $2.880000000e+02, v4;
	v6 =	vtrunc.f32 v6  }
0xbe: {  	v7 =	vmul.u32 $0x7, v7;
	v2 =	vcvt.f32.s32 v2;
	v6 =	vcvt.f32.s32 v6  }
0xbf: {  	v1 =	vmin.u32 v1, $0x6;
	v4 =	vtrunc.f32 v4;
	v3 =	vtrunc.f32 v3  }
0xc0: {  	v4 =	vcvt.f32.s32 v4;
	vm0 =	vgt.s32 v6, $0x0;
	v3 =	vcvt.f32.s32 v3  }
0xc1: {  	v5 =	vadd.s32 v8, v5;
	v1 =	vadd.s32 v1, v7;
	v6 =	vnsel vm0, $0x0, v6  }
0xc2: {  	vm0 =	vgt.s32 v4, $0x0;
	v6 =	vmin.u32 v6, $0x11F;
	vm2 =	vgt.s32 v3, $0x0  }
0xc3: {  	p0 =	seq.s32 s2, $0x5;
	s7 =	sadd.s32 s15, s30;
	s14 =	sand.u32 $0x780, s14;
	v4 =	vnsel vm0, $0x0, v4;
	v3 =	vnsel vm2, $0x0, v3;
	v6 =	vmul.u32 $0x7, v6  }
0xc4: {  	s6 =	sadd.s32 s6, s30;
	s0 =	smul.u32 @!p0 $0xC0000, s2;
	[tilespmem:s7+$0x0] =	vst v5;
	s31 =	sadd.s32 s14, s16;
	vm1 =	vgt.s32 v2, $0x0;
	v4 =	vmin.u32 v4, $0x11F;
	v3 =	vmin.u32 v3, $0x6  }
0xc5: {  	s14 =	rddreg [dreg:$0x13];
	s15 =	sadd.s32 s13, s31;
	v2 =	vnsel vm1, $0x0, v2;
	[tilespmem:s6+$0x0] =	vst v1;
	v4 =	vmul.u32 $0x7, v4;
	v1 =	vadd.s32 v3, v6  }
0xc6: {  	s16 =	sadd.s32 s8, s31;
	s14 =	sadd.s32 @!p0 s14, s0;
	v2 =	vmin.u32 v2, $0x6;
	[tilespmem:s15+$0x0] =	vst v1  }
0xc7: {  	s8 =	simm.s32 @!p0 $0x400;
	s13 =	sshrl.u32 @!p0 s14, $0x3;
	v1 =	vadd.s32 v2, v4;
	s7 =	rddreg [dreg:$0x6]  }
0xc8: {  	s6 =	simm.s32 @!p0 $0x80;
	s7 =	sadd.s32 @!p0 s13, s7;
	[tilespmem:s16+$0x0] =	vst v1;
	s13 =	simm.s32 @!p0 $0x14A00  }
0xc9: {  	[tilespmem:s13], [sflag:$0x1] =	stream.strided.gather @!p0 [hbm4b:s7+s6], $0x800, s8, s6, $0x38;
	[tilespmem:$0x1EA00] =	vst v63  }
0xca: {  	s7 =	rddreg [dreg:$0x14]  }
0xcb: {  	s0 =	sadd.s32 @!p0 s7, s0  }
0xcc: {  	s7 =	rddreg [dreg:$0x0];
	s0 =	sshrl.u32 @!p0 s0, $0x3  }
0xcd: {  	s21 =	simm.s32 $0x2;
	s0 =	sadd.s32 @!p0 s7, s0;
	s7 =	simm.s32 @!p0 $0x15200  }
0xce: {  	[tilespmem:s7], [sflag:$0x1] =	stream.strided.gather @!p0 [hbm4b:s0+s6], $0x800, s8, s6, $0x38;
	[tilespmem:$0x1EA00] =	vst v63  }
0xcf: {  	_ =	swait.ge [sflag:s21], $0x800  }
0xd0: {  	[sflag:s21] =	ssyncset.done $0x0  }
0xd1: {  	s0 =	simm.s32 $0x0;
	[sflag:s21] =	ssyncadd.s32 $0xFFFFF800  }
0xd2: {  	s6 =	sand.u32 $0x60, s0;
	_ =	swait.ge [sflag:s21], $0x800  }
0xd3: {  	s22 =	sand.u32 $0x7FFFFF80, s0;
	s15 =	sor.u32 $0x10, s6;
	[sflag:s21] =	ssyncset.done $0x0  }
0xd4: {  	s7 =	sor.u32 s15, s22;
	[sflag:s21] =	ssyncadd.s32 $0xFFFFF800  }
0xd5: {  	v1 =	vld [tilespmem:s7+$0x15A00]  }
0xd6: {  	s23 =	simm.s32 $0x16200  }
0xd7: {  	s24 =	simm.s32 $0x15A00;
	v2 =	vld [tilespmem:s23+$0x0]  }
0xd8: {  	v3 =	vld [tilespmem:s24+$0x0];
	_ =	sdelay $0x1  }
0xd9: {  	v4 =	vld [tilespmem:s7+$0x16200];
	v1 =	vmul.f32 $2.880000000e+02, v1  }
0xda: {  	s30 =	simm.s32 $0x16220;
	s14 =	simm.s32 $0x20  }
0xdb: {  	s8 =	sand.u32 $0x60, s14;
	v5 =	vld [tilespmem:s30+$0x0];
	v2 =	vtrunc.f32 v2;
	v6 =	vtrunc.f32 v1  }
0xdc: {  	s31 =	sand.u32 $0x7FFFFF80, s14;
	s13 =	sor.u32 $0x10, s8;
	v3 =	vmul.f32 $2.880000000e+02, v3;
	v6 =	vcvt.f32.s32 v6  }
0xdd: {  	s7 =	sor.u32 s13, s31;
	v1 =	vcvt.f32.s32 v2  }
0xde: {  	v7 =	vld [tilespmem:s7+$0x15A00];
	v2 =	vtrunc.f32 v3;
	v3 =	vtrunc.f32 v4;
	vm1 =	vgt.s32 v6, $0x0  }
0xdf: {  	s16 =	simm.s32 $0x15A20;
	v8 =	vcvt.f32.s32 v2;
	v3 =	vcvt.f32.s32 v3;
	v4 =	vnsel vm1, $0x0, v6  }
0xe0: {  	v2 =	vtrunc.f32 v5;
	v5 =	vmin.u32 v4, $0x11F;
	v4 =	vld [tilespmem:s16+$0x0]  }
0xe1: {  	vm0 =	vgt.s32 v1, $0x0;
	vm2 =	vgt.s32 v3, $0x0;
	vm1 =	vgt.s32 v8, $0x0  }
0xe2: {  	s1 =	sadd.s32 $0x6800, s1;
	s0 =	sand.u32 $0x780, s0;
	s22 =	simm.s32 $0x16240;
	v9 =	vnsel vm2, $0x0, v3;
	v3 =	vld [tilespmem:s7+$0x16200];
	v8 =	vnsel vm1, $0x0, v8;
	v5 =	vmul.u32 $0x7, v5  }
0xe3: {  	s21 =	simm.s32 $0x2;
	s23 =	simm.s32 $0x40;
	s24 =	sadd.s32 s0, s1;
	v6 =	vmul.f32 $2.880000000e+02, v7;
	v7 =	vmin.u32 v8, $0x11F;
	v8 =	vmin.u32 v9, $0x6  }
.LBB2_12:
0xe4: {  	s0 =	sand.u32 $0x60, s23;
	v9 =	vld [tilespmem:s22+$0x0];
	s21 =	sadd.s32 $0x2, s21;
	v1 =	vnsel vm0, $0x0, v1;
	v7 =	vmul.u32 $0x7, v7;
	v5 =	vadd.s32 v8, v5;
	s7 =	sadd.s32 s15, s24  }
0xe5: {  	s15 =	sand.u32 $0x7FFFFF80, s23;
	s30 =	sor.u32 $0x10, s0;
	p1 =	slt.u32 s21, $0x7E;
	v4 =	vmul.f32 $2.880000000e+02, v4;
	v6 =	vtrunc.f32 v6;
	v8 =	vmin.u32 v1, $0x6;
	[tilespmem:s7+$0x0] =	vst v5  }
0xe6: {  	v1 =	vcvt.f32.s32 v2;
	s7 =	sor.u32 s30, s15;
	v5 =	vcvt.f32.s32 v6;
	v2 =	vadd.s32 v8, v7;
	s15 =	sadd.s32 s6, s24;
	s6 =	smov.u32 s8  }
0xe7: {  	s8 =	smov.u32 s0;
	v6 =	vld [tilespmem:s7+$0x15A00];
	v4 =	vtrunc.f32 v4;
	v3 =	vtrunc.f32 v3;
	[tilespmem:s15+$0x0] =	vst v2;
	s15 =	smov.u32 s13;
	s13 =	smov.u32 s30  }
.Ltmp5:
0xe8: {  	s16 =	sadd.s32 $0x20, s16;
	v7 =	vcvt.f32.s32 v4;
	vm1 =	vgt.s32 v5, $0x0;
	v8 =	vcvt.f32.s32 v3;
	(pc) =	sbr.rel @p1 .LBB2_12-.Ltmp5, $4  }
0xe9: {  	vm0 =	vgt.s32 v1, $0x0;
	v4 =	vld [tilespmem:s16+$0x0];
	v2 =	vtrunc.f32 v9;
	v3 =	vnsel vm1, $0x0, v5  }
0xea: {  	vm1 =	vgt.s32 v7, $0x0;
	v5 =	vmin.u32 v3, $0x11F;
	vm2 =	vgt.s32 v8, $0x0  }
0xeb: {  	s0 =	sand.u32 $0x780, s14;
	s14 =	smov.u32 s23;
	v3 =	vld [tilespmem:s7+$0x16200];
	v7 =	vnsel vm1, $0x0, v7;
	v8 =	vnsel vm2, $0x0, v8;
	v5 =	vmul.u32 $0x7, v5  }
0xec: {  	s22 =	sadd.s32 $0x20, s22;
	s23 =	sadd.s32 $0x20, s23;
	s24 =	sadd.s32 s0, s1;
	v6 =	vmul.f32 $2.880000000e+02, v6;
	v7 =	vmin.u32 v7, $0x11F;
	v8 =	vmin.u32 v8, $0x6  }
0xed: {  	_ = 	snop  }
0xee: {  	v1 =	vnsel vm0, $0x0, v1;
	v4 =	vmul.f32 $2.880000000e+02, v4  }
0xef: {  	v7 =	vmul.u32 $0x7, v7;
	v2 =	vcvt.f32.s32 v2;
	v6 =	vtrunc.f32 v6  }
0xf0: {  	v5 =	vadd.s32 v8, v5;
	v6 =	vcvt.f32.s32 v6;
	v4 =	vtrunc.f32 v4  }
0xf1: {  	v1 =	vmin.u32 v1, $0x6;
	v3 =	vtrunc.f32 v3;
	v4 =	vcvt.f32.s32 v4  }
0xf2: {  	v1 =	vadd.s32 v1, v7;
	vm14 =	vgt.s32 v6, $0x0;
	v3 =	vcvt.f32.s32 v3  }
0xf3: {  	vm1 =	vgt.s32 v2, $0x0;
	v6 =	vnsel vm14, $0x0, v6;
	vm15 =	vgt.s32 v4, $0x0  }
0xf4: {  	v6 =	vmin.u32 v6, $0x11F;
	vm2 =	vgt.s32 v3, $0x0;
	v4 =	vnsel vm15, $0x0, v4  }
.Ltmp6:
0xf5: {  	s0 =	sadd.s32 s15, s24;
	s7 =	sand.u32 $0x780, s14;
	v3 =	vnsel vm2, $0x0, v3;
	v6 =	vmul.u32 $0x7, v6;
	v4 =	vmin.u32 v4, $0x11F;
	(pc) =	sbr.rel @p0 .LBB2_14-.Ltmp6, $4  }
0xf6: {  	s23 =	sadd.s32 s6, s24;
	[tilespmem:s0+$0x0] =	vst v5;
	s1 =	sadd.s32 s7, s1;
	v2 =	vnsel vm1, $0x0, v2;
	v3 =	vmin.u32 v3, $0x6;
	v4 =	vmul.u32 $0x7, v4  }
0xf7: {  	s24 =	sadd.s32 s13, s1;
	[tilespmem:s23+$0x0] =	vst v1;
	v2 =	vmin.u32 v2, $0x6;
	v1 =	vadd.s32 v3, v6  }
0xf8: {  	s31 =	sadd.s32 s8, s1;
	[tilespmem:s24+$0x0] =	vst v1;
	v1 =	vadd.s32 v2, v4  }
0xf9: {  	s30 =	simm.s32 $0x0;
	[tilespmem:s31+$0x0] =	vst v1  }
0xfa: {  	s0 =	smul.u32 $0xC0000, s2;
	s1 =	rddreg [dreg:$0x15]  }
0xfb: {  	s6 =	rddreg [dreg:$0x0];
	s7 =	simm.s32 $0x80  }
0xfc: {  	s8 =	simm.s32 $0x400;
	s30 =	rddreg [dreg:$0x16];
	s1 =	sadd.s32 s1, s0  }
.Ltmp7:
0xfd: {  	s0 =	sadd.s32 s30, s0;
	s1 =	sshrl.u32 s1, $0x3;
	(pc) =	sbr.rel .LBB2_9-.Ltmp7, $4  }
0xfe: {  	s13 =	simm.s32 $0x15A00;
	s0 =	sshrl.u32 s0, $0x3;
	s1 =	sadd.s32 s6, s1  }
0xff: {  	[tilespmem:s13], [sflag:$0x2] =	stream.strided.gather [hbm4b:s1+s7], $0x800, s8, s7, $0x38;
	[tilespmem:$0x1EA00] =	vst v63  }
0x100: {  	s31 =	simm.s32 $0x16200;
	s2 =	sadd.s32 $0x1, s2;
	s0 =	sadd.s32 s6, s0  }
0x101: {  	[tilespmem:s31], [sflag:$0x2] =	stream.strided.gather [hbm4b:s0+s7], $0x800, s8, s7, $0x38;
	[tilespmem:$0x1EA00] =	vst v63  }
.LBB2_14:
0x102: {  	s16 =	simm.s32 $0x0  }
.LBB2_15:
0x103: {  	s0 =	sshll.u32 s16, $0x3  }
0x104: {  	s8 =	sshll.u32 s16, $0x6;
	s14 =	sor.u32 $0x3, s0  }
0x105: {  	s21 =	sor.u32 $0x4, s0;
	s23 =	sor.u32 $0x5, s0;
	s15 =	smul.u32 $0x120, s14  }
0x106: {  	v15 =	vmov s8;
	s22 =	smul.u32 $0x120, s21;
	s8 =	sshll.u32 s21, $0x3;
	s21 =	sshllo.u32 s16, $0x3  }
0x107: {  	s24 =	smul.u32 $0x120, s23;
	v9 =	vmov s15;
	s15 =	sshll.u32 s23, $0x3;
	s23 =	sshll.u32 s21, $0x3  }
0x108: {  	v1 =	vmov s23;
	s23 =	simm.s32 $0x10  }
0x109: {  	v11 =	vor.u32 s23, v0  }
0x10a: {  	v18 =	vmulhi.u32 $0x24924925, v11;
	_ =	sdelay $0x1  }
0x10b: {  	v19 =	vsub.s32 v11, v18  }
0x10c: {  	v20 =	vor.u32 s30, v0;
	v19 =	vshrl.u32 v19, $0x1  }
0x10d: {  	v21 =	vmulhi.u32 $0x24924925, v20;
	v18 =	vadd.s32 v18, v19  }
0x10e: {  	s1 =	smul.u32 $0x900, s16;
	v25 =	vshrl.u32 v18, $0x2  }
0x10f: {  	v18 =	vsub.s32 v20, v21;
	v19 =	vmul.u32 $0xFFFFFFF9, v25  }
0x110: {  	v14 =	vmov s1;
	v18 =	vshrl.u32 v18, $0x1  }
0x111: {  	v18 =	vadd.s32 v21, v18;
	v21 =	vadd.s32 v14, v25;
	v24 =	vadd.s32 v11, v19  }
0x112: {  	v29 =	vshrl.u32 v18, $0x2;
	v11 =	vadd.s32 v15, v24  }
0x113: {  	v18 =	vmul.u32 $0xFFFFFFF9, v29;
	_ =	sdelay $0x1  }
0x114: {  	v26 =	vadd.s32 v20, v18;
	v18 =	vadd.s32 v14, v29  }
0x115: {  	s2 =	sor.u32 $0x1, s0;
	v19 =	vadd.s32 v15, v26;
	v20 =	vld.idx.msk [tilespmem:v21+s26+$0x0], $0xffff  }
0x116: {  	s6 =	smul.u32 $0x120, s2;
	v11 =	vld.idx.msk [tilespmem:v11+s29+$0x0], $0xffff;
	_ =	sdelay $0x1  }
0x117: {  	s2 =	sshll.u32 s2, $0x3;
	v17 =	vmov s6  }
0x118: {  	v16 =	vmov s2;
	v21 =	vadd.s32 v17, v25;
	v18 =	vld.idx.msk [tilespmem:v18+s26+$0x0], $0xffff  }
0x119: {  	v22 =	vadd.s32 v16, v24;
	v19 =	vld.idx.msk [tilespmem:v19+s29+$0x0], $0xffff  }
0x11a: {  	v11 =	vadd.f32 v11, v20  }
0x11b: {  	v8 =	vmov s22;
	s22 =	simm.s32 $0x10A10  }
0x11c: {  	v20 =	vadd.s32 v17, v29;
	[tilespmem:s22+$0x0] =	vst v11  }
0x11d: {  	s7 =	sor.u32 $0x2, s0;
	v5 =	vmov s24;
	s24 =	simm.s32 $0x30;
	v11 =	vld.idx.msk [tilespmem:v21+s26+$0x0], $0xffff;
	v21 =	vadd.s32 v16, v26  }
0x11e: {  	s13 =	smul.u32 $0x120, s7;
	v23 =	vor.u32 s24, v0;
	v18 =	vadd.f32 v19, v18;
	v19 =	vld.idx.msk [tilespmem:v22+s29+$0x0], $0xffff  }
0x11f: {  	s7 =	sshll.u32 s7, $0x3;
	v22 =	vmulhi.u32 $0x24924925, v23  }
0x120: {  	v13 =	vmov s7;
	v12 =	vmov s13;
	[tilespmem:s22+$0xFFFFFFF0] =	vst v18  }
0x121: {  	v6 =	vmov s15;
	s15 =	simm.s32 $0x20;
	v18 =	vadd.s32 v12, v25;
	v27 =	vsub.s32 v23, v22;
	v20 =	vld.idx.msk [tilespmem:v20+s26+$0x0], $0xffff  }
0x122: {  	v30 =	vor.u32 s15, v0;
	v31 =	vadd.s32 v13, v24;
	v27 =	vshrl.u32 v27, $0x1;
	v21 =	vld.idx.msk [tilespmem:v21+s29+$0x0], $0xffff  }
0x123: {  	v32 =	vmulhi.u32 $0x24924925, v30;
	v22 =	vadd.s32 v22, v27;
	v11 =	vadd.f32 v19, v11  }
0x124: {  	s13 =	simm.s32 $0x11210;
	v28 =	vshrl.u32 v22, $0x2  }
0x125: {  	v19 =	vsub.s32 v30, v32;
	v22 =	vmul.u32 $0xFFFFFFF9, v28;
	[tilespmem:s13+$0x0] =	vst v11;
	v11 =	vadd.s32 v13, v26  }
0x126: {  	v34 =	vadd.s32 v12, v29;
	v27 =	vshrl.u32 v19, $0x1;
	v33 =	vld.idx.msk [tilespmem:v18+s26+$0x0], $0xffff  }
0x127: {  	v35 =	vadd.s32 v14, v28;
	v19 =	vadd.s32 v23, v22;
	v22 =	vld.idx.msk [tilespmem:v31+s29+$0x0], $0xffff;
	v20 =	vadd.f32 v21, v20  }
0x128: {  	v18 =	vadd.s32 v32, v27;
	v21 =	vadd.s32 v15, v19  }
0x129: {  	s1 =	sshll.u32 s14, $0x3;
	v18 =	vshrl.u32 v18, $0x2;
	[tilespmem:s13+$0xFFFFFFF0] =	vst v20  }
0x12a: {  	v10 =	vmov s1;
	v27 =	vadd.s32 v9, v25;
	v20 =	vmul.u32 $0xFFFFFFF9, v18;
	v23 =	vld.idx.msk [tilespmem:v11+s29+$0x0], $0xffff  }
0x12b: {  	v52 =	vadd.s32 v10, v24;
	v31 =	vld.idx.msk [tilespmem:v34+s26+$0x0], $0xffff  }
0x12c: {  	v22 =	vadd.f32 v22, v33;
	v11 =	vadd.s32 v30, v20;
	v20 =	vld.idx.msk [tilespmem:v35+s26+$0x0], $0xffff;
	v30 =	vadd.s32 v14, v18  }
0x12d: {  	s14 =	smul.u32 $0x120, s21;
	s21 =	simm.s32 $0x11A10;
	v53 =	vadd.s32 v15, v11;
	v21 =	vld.idx.msk [tilespmem:v21+s29+$0x0], $0xffff  }
0x12e: {  	[tilespmem:s21+$0x0] =	vst v22;
	v22 =	vadd.s32 v9, v29  }
0x12f: {  	v54 =	vadd.s32 v10, v26;
	v27 =	vld.idx.msk [tilespmem:v27+s26+$0x0], $0xffff  }
0x130: {  	v55 =	vadd.s32 v17, v28;
	v23 =	vadd.f32 v23, v31;
	v31 =	vld.idx.msk [tilespmem:v52+s29+$0x0], $0xffff  }
0x131: {  	v56 =	vadd.s32 v16, v19;
	v30 =	vld.idx.msk [tilespmem:v30+s26+$0x0], $0xffff  }
0x132: {  	v33 =	vld.idx.msk [tilespmem:v53+s29+$0x0], $0xffff;
	v20 =	vadd.f32 v21, v20;
	[tilespmem:s21+$0xFFFFFFF0] =	vst v23  }
0x133: {  	s0 =	sor.u32 $0x6, s0;
	v7 =	vmov s8;
	s22 =	simm.s32 $0x50;
	s21 =	simm.s32 $0x10A30;
	v21 =	vld.idx.msk [tilespmem:v22+s26+$0x0], $0xffff;
	v22 =	vadd.s32 v8, v25  }
0x134: {  	s6 =	smul.u32 $0x120, s0;
	v57 =	vadd.s32 v7, v24;
	v23 =	vor.u32 s22, v0;
	[tilespmem:s21+$0x0] =	vst v20;
	v20 =	vld.idx.msk [tilespmem:v54+s29+$0x0], $0xffff  }
0x135: {  	v36 =	vadd.s32 v17, v18;
	v37 =	vmulhi.u32 $0x24924925, v23;
	v35 =	vld.idx.msk [tilespmem:v55+s26+$0x0], $0xffff;
	v27 =	vadd.f32 v31, v27  }
0x136: {  	v3 =	vmov s6;
	s6 =	simm.s32 $0x12210;
	v58 =	vadd.s32 v16, v11;
	v31 =	vld.idx.msk [tilespmem:v56+s29+$0x0], $0xffff  }
0x137: {  	v59 =	vsub.s32 v23, v37;
	v30 =	vadd.f32 v33, v30;
	[tilespmem:s6+$0x0] =	vst v27  }
0x138: {  	s23 =	simm.s32 $0x40;
	v27 =	vadd.s32 v8, v29;
	v33 =	vshrl.u32 v59, $0x1;
	v22 =	vld.idx.msk [tilespmem:v22+s26+$0x0], $0xffff  }
0x139: {  	v38 =	vor.u32 s23, v0;
	v39 =	vadd.s32 v12, v28;
	v60 =	vld.idx.msk [tilespmem:v57+s29+$0x0], $0xffff;
	[tilespmem:s21+$0xFFFFFFF0] =	vst v30;
	v30 =	vadd.s32 v37, v33  }
0x13a: {  	v21 =	vadd.f32 v20, v21;
	v61 =	vld.idx.msk [tilespmem:v36+s26+$0x0], $0xffff;
	v20 =	vshrl.u32 v30, $0x2;
	v30 =	vadd.s32 v13, v19  }
0x13b: {  	v62 =	vmulhi.u32 $0x24924925, v38;
	v31 =	vadd.f32 v31, v35;
	v32 =	vld.idx.msk [tilespmem:v58+s29+$0x0], $0xffff;
	v63 =	vadd.s32 v14, v20  }
0x13c: {  	s24 =	simm.s32 $0x11230;
	v44 =	vadd.s32 v5, v25;
	[tilespmem:s6+$0xFFFFFFF0] =	vst v21  }
0x13d: {  	v21 =	vsub.s32 v38, v62;
	v40 =	vmul.u32 $0xFFFFFFF9, v20;
	v27 =	vld.idx.msk [tilespmem:v27+s26+$0x0], $0xffff;
	[tilespmem:s24+$0x0] =	vst v31;
	v31 =	vadd.s32 v7, v26  }
0x13e: {  	v41 =	vadd.s32 v13, v11;
	v21 =	vshrl.u32 v21, $0x1;
	v39 =	vld.idx.msk [tilespmem:v39+s26+$0x0], $0xffff;
	v33 =	vadd.f32 v60, v22  }
0x13f: {  	s1 =	simm.s32 $0x12A10;
	v45 =	vadd.s32 v12, v18;
	v22 =	vadd.s32 v62, v21;
	v21 =	vadd.s32 v23, v40;
	v30 =	vld.idx.msk [tilespmem:v30+s29+$0x0], $0xffff  }
0x140: {  	v22 =	vshrl.u32 v22, $0x2;
	v40 =	vadd.s32 v15, v21;
	[tilespmem:s1+$0x0] =	vst v33;
	v23 =	vadd.f32 v32, v61;
	v37 =	vld.idx.msk [tilespmem:v63+s26+$0x0], $0xffff  }
0x141: {  	v47 =	vadd.s32 v14, v22;
	v33 =	vld.idx.msk [tilespmem:v44+s26+$0x0], $0xffff  }
0x142: {  	v48 =	vadd.s32 v6, v24;
	v46 =	vmul.u32 $0xFFFFFFF9, v22;
	v31 =	vld.idx.msk [tilespmem:v31+s29+$0x0], $0xffff;
	[tilespmem:s24+$0xFFFFFFF0] =	vst v23  }
0x143: {  	v50 =	vadd.s32 v9, v28;
	v49 =	vld.idx.msk [tilespmem:v41+s29+$0x0], $0xffff  }
0x144: {  	v42 =	vadd.s32 v10, v19;
	v23 =	vadd.s32 v38, v46;
	v36 =	vld.idx.msk [tilespmem:v45+s26+$0x0], $0xffff  }
0x145: {  	v51 =	vadd.s32 v15, v23;
	v52 =	vld.idx.msk [tilespmem:v40+s29+$0x0], $0xffff;
	v30 =	vadd.f32 v30, v39  }
0x146: {  	s13 =	simm.s32 $0x11A30;
	v53 =	vadd.s32 v6, v26;
	v34 =	vld.idx.msk [tilespmem:v47+s26+$0x0], $0xffff  }
0x147: {  	v56 =	vadd.s32 v5, v29;
	[tilespmem:s13+$0x0] =	vst v30;
	v30 =	vld.idx.msk [tilespmem:v48+s29+$0x0], $0xffff  }
0x148: {  	v54 =	vadd.s32 v10, v11;
	v27 =	vadd.f32 v31, v27;
	v38 =	vld.idx.msk [tilespmem:v50+s26+$0x0], $0xffff  }
0x149: {  	v31 =	vadd.s32 v9, v18;
	v58 =	vld.idx.msk [tilespmem:v42+s29+$0x0], $0xffff  }
0x14a: {  	v55 =	vadd.s32 v17, v20;
	v32 =	vadd.f32 v49, v36;
	[tilespmem:s1+$0xFFFFFFF0] =	vst v27;
	v27 =	vld.idx.msk [tilespmem:v51+s29+$0x0], $0xffff  }
0x14b: {  	s0 =	sshll.u32 s0, $0x3;
	v57 =	vadd.s32 v16, v21;
	v40 =	vld.idx.msk [tilespmem:v53+s29+$0x0], $0xffff  }
0x14c: {  	v4 =	vmov s0;
	v59 =	vadd.s32 v3, v25;
	v37 =	vadd.f32 v52, v37;
	[tilespmem:s13+$0xFFFFFFF0] =	vst v32;
	v36 =	vld.idx.msk [tilespmem:v56+s26+$0x0], $0xffff  }
0x14d: {  	v2 =	vmov s14;
	s14 =	simm.s32 $0x10A50;
	v60 =	vadd.s32 v4, v24;
	v35 =	vld.idx.msk [tilespmem:v54+s29+$0x0], $0xffff  }
0x14e: {  	v43 =	vadd.s32 v17, v22;
	[tilespmem:s14+$0x0] =	vst v37;
	v31 =	vld.idx.msk [tilespmem:v31+s26+$0x0], $0xffff;
	v30 =	vadd.f32 v30, v33  }
0x14f: {  	s8 =	simm.s32 $0x13210;
	v50 =	vadd.s32 v16, v23;
	v37 =	vld.idx.msk [tilespmem:v55+s26+$0x0], $0xffff  }
0x150: {  	v51 =	vadd.s32 v3, v29;
	v27 =	vadd.f32 v27, v34;
	[tilespmem:s8+$0x0] =	vst v30;
	v30 =	vld.idx.msk [tilespmem:v57+s29+$0x0], $0xffff  }
0x151: {  	v61 =	vadd.s32 v8, v28;
	v48 =	vld.idx.msk [tilespmem:v59+s26+$0x0], $0xffff  }
0x152: {  	v62 =	vadd.s32 v7, v19;
	v33 =	vld.idx.msk [tilespmem:v60+s29+$0x0], $0xffff;
	v36 =	vadd.f32 v40, v36;
	[tilespmem:s14+$0xFFFFFFF0] =	vst v27  }
0x153: {  	s15 =	simm.s32 $0x70;
	s22 =	simm.s32 $0x60;
	v25 =	vadd.s32 v2, v25;
	v44 =	vadd.s32 v8, v18;
	v27 =	vadd.f32 v58, v38;
	v42 =	vld.idx.msk [tilespmem:v43+s26+$0x0], $0xffff  }
0x154: {  	s21 =	simm.s32 $0x12230;
	v63 =	vor.u32 s15, v0;
	v45 =	vadd.s32 v4, v26;
	v39 =	vor.u32 s22, v0;
	v53 =	vld.idx.msk [tilespmem:v50+s29+$0x0], $0xffff;
	[tilespmem:s8+$0xFFFFFFF0] =	vst v36  }
0x155: {  	v49 =	vmulhi.u32 $0x24924925, v63;
	v58 =	vadd.s32 v7, v11;
	v31 =	vadd.f32 v35, v31;
	[tilespmem:s21+$0x0] =	vst v27;
	v60 =	vld.idx.msk [tilespmem:v51+s26+$0x0], $0xffff  }
0x156: {  	v46 =	vadd.s32 v12, v20;
	v47 =	vadd.s32 v13, v21;
	v52 =	vmulhi.u32 $0x24924925, v39;
	v34 =	vld.idx.msk [tilespmem:v61+s26+$0x0], $0xffff  }
0x157: {  	v27 =	vsub.s32 v63, v49;
	[tilespmem:s21+$0xFFFFFFF0] =	vst v31;
	v31 =	vld.idx.msk [tilespmem:v62+s29+$0x0], $0xffff;
	v30 =	vadd.f32 v30, v37  }
0x158: {  	v55 =	vsub.s32 v39, v52;
	v27 =	vshrl.u32 v27, $0x1;
	s21 =	simm.s32 $0x11250;
	v61 =	vadd.s32 v1, v24;
	v38 =	vld.idx.msk [tilespmem:v44+s26+$0x0], $0xffff  }
0x159: {  	v57 =	vshrl.u32 v55, $0x1;
	v62 =	vadd.s32 v13, v23;
	v27 =	vadd.s32 v49, v27;
	[tilespmem:s21+$0x0] =	vst v30;
	v30 =	vld.idx.msk [tilespmem:v45+s29+$0x0], $0xffff  }
0x15a: {  	v32 =	vadd.f32 v33, v48;
	v33 =	vadd.s32 v52, v57;
	v27 =	vshrl.u32 v27, $0x2;
	v52 =	vld.idx.msk [tilespmem:v58+s29+$0x0], $0xffff  }
0x15b: {  	s2 =	simm.s32 $0x13A10;
	v54 =	vadd.s32 v14, v27;
	v44 =	vld.idx.msk [tilespmem:v46+s26+$0x0], $0xffff  }
0x15c: {  	v56 =	vadd.s32 v5, v28;
	v43 =	vld.idx.msk [tilespmem:v47+s29+$0x0], $0xffff;
	v59 =	vmul.u32 $0xFFFFFFF9, v27;
	[tilespmem:s2+$0x0] =	vst v32;
	v50 =	vadd.f32 v53, v42  }
0x15d: {  	v49 =	vadd.s32 v12, v22;
	v48 =	vld.idx.msk [tilespmem:v25+s26+$0x0], $0xffff;
	v25 =	vshrl.u32 v33, $0x2;
	v31 =	vadd.f32 v31, v34  }
0x15e: {  	s23 =	simm.s32 $0x12A30;
	v24 =	vadd.s32 v63, v59;
	v51 =	vadd.s32 v14, v25;
	[tilespmem:s21+$0xFFFFFFF0] =	vst v50;
	v32 =	vld.idx.msk [tilespmem:v61+s29+$0x0], $0xffff  }
0x15f: {  	v35 =	vld.idx.msk [tilespmem:v62+s29+$0x0], $0xffff;
	[tilespmem:s23+$0x0] =	vst v31;
	v31 =	vadd.s32 v15, v24  }
0x160: {  	v29 =	vadd.s32 v2, v29;
	v53 =	vmul.u32 $0xFFFFFFF9, v25;
	v63 =	vld.idx.msk [tilespmem:v54+s26+$0x0], $0xffff  }
0x161: {  	v55 =	vadd.s32 v1, v26;
	v42 =	vld.idx.msk [tilespmem:v56+s26+$0x0], $0xffff  }
0x162: {  	v30 =	vadd.f32 v30, v60;
	v26 =	vadd.s32 v39, v53;
	v54 =	vadd.s32 v6, v19;
	v56 =	vld.idx.msk [tilespmem:v49+s26+$0x0], $0xffff  }
0x163: {  	v39 =	vadd.s32 v15, v26;
	v37 =	vld.idx.msk [tilespmem:v51+s26+$0x0], $0xffff  }
0x164: {  	v58 =	vadd.s32 v9, v20;
	[tilespmem:s2+$0xFFFFFFF0] =	vst v30;
	v30 =	vadd.f32 v52, v38;
	v57 =	vld.idx.msk [tilespmem:v31+s29+$0x0], $0xffff  }
0x165: {  	v60 =	vadd.s32 v10, v21;
	v29 =	vld.idx.msk [tilespmem:v29+s26+$0x0], $0xffff  }
0x166: {  	v59 =	vadd.s32 v6, v11;
	[tilespmem:s23+$0xFFFFFFF0] =	vst v30;
	v30 =	vld.idx.msk [tilespmem:v55+s29+$0x0], $0xffff;
	v31 =	vadd.f32 v43, v44  }
0x167: {  	s24 =	simm.s32 $0x11A50;
	v41 =	vadd.s32 v10, v23;
	v33 =	vadd.s32 v3, v18;
	v62 =	vadd.s32 v9, v22;
	v61 =	vld.idx.msk [tilespmem:v54+s29+$0x0], $0xffff  }
0x168: {  	v34 =	vadd.s32 v4, v11;
	v32 =	vadd.f32 v32, v48;
	v43 =	vld.idx.msk [tilespmem:v39+s29+$0x0], $0xffff;
	[tilespmem:s24+$0x0] =	vst v31  }
0x169: {  	s31 =	simm.s32 $0x6;
	s30 =	simm.s32 $0x13230;
	s0 =	simm.s32 $0x14210;
	v44 =	vadd.s32 v17, v27;
	v36 =	vld.idx.msk [tilespmem:v58+s26+$0x0], $0xffff;
	v47 =	vadd.f32 v57, v63;
	v63 =	vadd.f32 v35, v56  }
0x16a: {  	s6 =	simm.s32 $0x80;
	s15 =	simm.s32 $0x13230;
	s22 =	simm.s32 $0x12A50;
	v45 =	vadd.s32 v16, v24;
	[tilespmem:s0+$0x0] =	vst v32;
	v39 =	vadd.s32 v5, v18;
	v40 =	vld.idx.msk [tilespmem:v60+s29+$0x0], $0xffff  }
0x16b: {  	s1 =	simm.s32 $0x10A70;
	s13 =	simm.s32 $0x13A50;
	s14 =	simm.s32 $0x13A30;
	v32 =	vadd.s32 v2, v28;
	v31 =	vadd.s32 v17, v25;
	v35 =	vld.idx.msk [tilespmem:v59+s29+$0x0], $0xffff;
	[tilespmem:s24+$0xFFFFFFF0] =	vst v63  }
0x16c: {  	s8 =	simm.s32 $0x14250;
	s2 =	simm.s32 $0x14230;
	s23 =	simm.s32 $0x12250;
	v46 =	vadd.f32 v61, v42;
	v42 =	vadd.s32 v3, v28;
	[tilespmem:s1+$0x0] =	vst v47;
	v38 =	vld.idx.msk [tilespmem:v62+s26+$0x0], $0xffff  }
.LBB2_16:
0x16d: {  	v47 =	vor.u32 s6, v0;
	s7 =	sadd.s32 $0x10, s6;
	s31 =	sadd.s32 $0x2, s31;
	v41 =	vld.idx.msk [tilespmem:v41+s29+$0x0], $0xffff;
	v48 =	vadd.s32 v4, v19;
	s15 =	sadd.s32 $0x20, s15;
	v29 =	vadd.f32 v30, v29;
	v28 =	vmovc v27  }
0x16e: {  	v49 =	vadd.s32 v8, v22;
	s21 =	sadd.s32 $0x20, s21;
	v27 =	vmulhi.u32 $0x24924925, v47;
	v30 =	vor.u32 s7, v0;
	p0 =	slt.u32 s31, $0x7C;
	v44 =	vld.idx.msk [tilespmem:v44+s26+$0x0], $0xffff;
	[tilespmem:s30+$0x0] =	vst v46  }
0x16f: {  	v37 =	vadd.f32 v43, v37;
	v43 =	vadd.s32 v8, v20;
	v46 =	vmulhi.u32 $0x24924925, v30;
	v39 =	vld.idx.msk [tilespmem:v39+s26+$0x0], $0xffff;
	[tilespmem:s0+$0xFFFFFFF0] =	vst v29;
	s0 =	smov.u32 s2;
	s2 =	smov.u32 s8  }
0x170: {  	v51 =	vadd.s32 v7, v21;
	v50 =	vadd.s32 v12, v28;
	v29 =	vsub.s32 v47, v27;
	v45 =	vld.idx.msk [tilespmem:v45+s29+$0x0], $0xffff  }
0x171: {  	v36 =	vadd.f32 v40, v36;
	v29 =	vshrl.u32 v29, $0x1;
	v52 =	vsub.s32 v30, v46;
	[tilespmem:s1+$0xFFFFFFF0] =	vst v37;
	v37 =	vld.idx.msk [tilespmem:v42+s26+$0x0], $0xffff  }
0x172: {  	v42 =	vadd.s32 v16, v26;
	v27 =	vadd.s32 v27, v29;
	v29 =	vshrl.u32 v52, $0x1;
	v40 =	vld.idx.msk [tilespmem:v31+s26+$0x0], $0xffff  }
0x173: {  	v52 =	vshrl.u32 v27, $0x2;
	v27 =	vadd.s32 v46, v29;
	v29 =	vadd.f32 v41, v38;
	[tilespmem:s23+$0x0] =	vst v36;
	v36 =	vld.idx.msk [tilespmem:v48+s29+$0x0], $0xffff  }
0x174: {  	v38 =	vmul.u32 $0xFFFFFFF9, v52;
	v31 =	vadd.s32 v17, v52;
	v27 =	vshrl.u32 v27, $0x2;
	v41 =	vld.idx.msk [tilespmem:v43+s26+$0x0], $0xffff  }
0x175: {  	v46 =	vadd.s32 v13, v24;
	v35 =	vadd.f32 v35, v39;
	v43 =	vmul.u32 $0xFFFFFFF9, v27;
	[tilespmem:s23+$0xFFFFFFF0] =	vst v29;
	v29 =	vld.idx.msk [tilespmem:v51+s29+$0x0], $0xffff  }
0x176: {  	v39 =	vadd.s32 v14, v27;
	v44 =	vadd.f32 v45, v44;
	v38 =	vadd.s32 v47, v38;
	v45 =	vld.idx.msk [tilespmem:v49+s26+$0x0], $0xffff  }
0x177: {  	v47 =	vadd.s32 v15, v38;
	v30 =	vadd.s32 v30, v43;
	v42 =	vld.idx.msk [tilespmem:v42+s29+$0x0], $0xffff;
	[tilespmem:s30+$0xFFFFFFF0] =	vst v35;
	s30 =	smov.u32 s15  }
0x178: {  	s24 =	sadd.s32 $0x20, s24;
	v35 =	vadd.s32 v15, v30;
	[tilespmem:s21+$0x0] =	vst v44;
	v34 =	vld.idx.msk [tilespmem:v34+s29+$0x0], $0xffff  }
0x179: {  	v44 =	vadd.s32 v5, v20;
	v36 =	vadd.f32 v36, v37;
	v43 =	vld.idx.msk [tilespmem:v50+s26+$0x0], $0xffff  }
0x17a: {  	v37 =	vld.idx.msk [tilespmem:v46+s29+$0x0], $0xffff;
	v46 =	vadd.s32 v7, v23  }
0x17b: {  	v29 =	vadd.f32 v29, v41;
	v33 =	vld.idx.msk [tilespmem:v33+s26+$0x0], $0xffff;
	[tilespmem:s14+$0x0] =	vst v36;
	v36 =	vadd.s32 v1, v19;
	v19 =	vmov v21  }
0x17c: {  	v41 =	vadd.s32 v13, v26;
	v21 =	vmov v24;
	v24 =	vmov v30;
	v32 =	vld.idx.msk [tilespmem:v32+s26+$0x0], $0xffff  }
0x17d: {  	v30 =	vadd.s32 v12, v25;
	v39 =	vld.idx.msk [tilespmem:v39+s26+$0x0], $0xffff;
	[tilespmem:s22+$0x0] =	vst v29  }
0x17e: {  	v29 =	vadd.f32 v42, v40;
	v42 =	vld.idx.msk [tilespmem:v44+s26+$0x0], $0xffff  }
0x17f: {  	v40 =	vadd.s32 v14, v52;
	v44 =	vld.idx.msk [tilespmem:v46+s29+$0x0], $0xffff  }
0x180: {  	v43 =	vadd.f32 v37, v43;
	[tilespmem:s21+$0xFFFFFFF0] =	vst v29;
	v29 =	vadd.s32 v2, v18;
	v36 =	vld.idx.msk [tilespmem:v36+s29+$0x0], $0xffff;
	v18 =	vmov v22  }
0x181: {  	v33 =	vadd.f32 v34, v33;
	v34 =	vadd.s32 v1, v11;
	v46 =	vld.idx.msk [tilespmem:v41+s29+$0x0], $0xffff;
	v41 =	vadd.s32 v6, v19  }
0x182: {  	s23 =	sadd.s32 $0x20, s23;
	v22 =	vmovc v25;
	v25 =	vmovc v52;
	v11 =	vmov v23;
	v23 =	vmov v26;
	v26 =	vmov v38;
	v48 =	vld.idx.msk [tilespmem:v30+s26+$0x0], $0xffff  }
0x183: {  	v38 =	vadd.s32 v9, v28;
	v35 =	vld.idx.msk [tilespmem:v35+s29+$0x0], $0xffff;
	[tilespmem:s14+$0xFFFFFFF0] =	vst v33;
	s14 =	smov.u32 s13  }
0x184: {  	s1 =	sadd.s32 $0x20, s1;
	v37 =	vld.idx.msk [tilespmem:v40+s26+$0x0], $0xffff  }
0x185: {  	v33 =	vadd.s32 v6, v11;
	v30 =	vadd.f32 v44, v45;
	v29 =	vld.idx.msk [tilespmem:v29+s26+$0x0], $0xffff  }
0x186: {  	v40 =	vadd.s32 v10, v21;
	v32 =	vadd.f32 v36, v32;
	[tilespmem:s24+$0x0] =	vst v43;
	v49 =	vld.idx.msk [tilespmem:v41+s29+$0x0], $0xffff  }
0x187: {  	v50 =	vadd.s32 v9, v22;
	[tilespmem:s22+$0xFFFFFFF0] =	vst v30;
	v30 =	vld.idx.msk [tilespmem:v34+s29+$0x0], $0xffff  }
.Ltmp8:
0x188: {  	v41 =	vadd.s32 v10, v23;
	v36 =	vld.idx.msk [tilespmem:v38+s26+$0x0], $0xffff;
	[tilespmem:s0+$0x0] =	vst v32;
	(pc) =	sbr.rel @p0 .LBB2_16-.Ltmp8, $4  }
0x189: {  	v44 =	vadd.s32 v17, v27;
	v34 =	vadd.f32 v46, v48;
	v38 =	vadd.f32 v35, v39;
	v43 =	vld.idx.msk [tilespmem:v47+s29+$0x0], $0xffff  }
0x18a: {  	v39 =	vadd.s32 v5, v18;
	v32 =	vadd.s32 v2, v20;
	v35 =	vld.idx.msk [tilespmem:v33+s29+$0x0], $0xffff;
	v33 =	vadd.s32 v3, v18  }
0x18b: {  	s8 =	sadd.s32 $0x20, s8;
	v45 =	vadd.s32 v16, v24;
	[tilespmem:s24+$0xFFFFFFF0] =	vst v34;
	v40 =	vld.idx.msk [tilespmem:v40+s29+$0x0], $0xffff;
	v34 =	vadd.s32 v4, v11  }
0x18c: {  	s6 =	sadd.s32 $0x20, s6;
	s13 =	sadd.s32 $0x20, s13;
	s22 =	sadd.s32 $0x20, s22;
	v46 =	vadd.f32 v49, v42;
	v42 =	vadd.s32 v3, v20;
	v20 =	vmov v28;
	[tilespmem:s1+$0x0] =	vst v38;
	v38 =	vld.idx.msk [tilespmem:v50+s26+$0x0], $0xffff  }
0x18d: {  	_ =	sdelay $0x1  }
0x18e: {  	v14 =	vadd.s32 v16, v26  }
0x18f: {  	v15 =	vadd.f32 v43, v37  }
0x190: {  	v53 =	vld.idx.msk [tilespmem:v44+s26+$0x0], $0xffff  }
0x191: {  	v17 =	vld.idx.msk [tilespmem:v45+s29+$0x0], $0xffff;
	[tilespmem:s1+$0xFFFFFFF0] =	vst v15  }
0x192: {  	v15 =	vld.idx.msk [tilespmem:v31+s26+$0x0], $0xffff  }
0x193: {  	v14 =	vld.idx.msk [tilespmem:v14+s29+$0x0], $0xffff  }
0x194: {  	v28 =	vadd.s32 v12, v27  }
0x195: {  	v54 =	vadd.s32 v13, v24  }
0x196: {  	v55 =	vadd.s32 v13, v26;
	v16 =	vadd.f32 v17, v53  }
0x197: {  	s6 =	sadd.s32 $0x20, s21;
	v56 =	vadd.s32 v12, v25  }
0x198: {  	v63 =	vld.idx.msk [tilespmem:v39+s26+$0x0], $0xffff;
	[tilespmem:s6+$0x0] =	vst v16;
	v14 =	vadd.f32 v14, v15  }
0x199: {  	v58 =	vld.idx.msk [tilespmem:v28+s26+$0x0], $0xffff  }
0x19a: {  	v62 =	vadd.s32 v7, v21;
	v60 =	vld.idx.msk [tilespmem:v54+s29+$0x0], $0xffff;
	[tilespmem:s6+$0xFFFFFFF0] =	vst v14  }
0x19b: {  	v13 =	vld.idx.msk [tilespmem:v55+s29+$0x0], $0xffff  }
0x19c: {  	v36 =	vadd.f32 v40, v36;
	v12 =	vld.idx.msk [tilespmem:v56+s26+$0x0], $0xffff  }
0x19d: {  	v57 =	vld.idx.msk [tilespmem:v41+s29+$0x0], $0xffff;
	v44 =	vadd.s32 v9, v27;
	[tilespmem:s30+$0x0] =	vst v46;
	v53 =	vadd.f32 v35, v63  }
0x19e: {  	v46 =	vadd.s32 v10, v24;
	v45 =	vld.idx.msk [tilespmem:v42+s26+$0x0], $0xffff;
	[tilespmem:s23+$0x0] =	vst v36  }
0x19f: {  	v47 =	vadd.s32 v9, v25;
	v31 =	vld.idx.msk [tilespmem:v62+s29+$0x0], $0xffff;
	[tilespmem:s30+$0xFFFFFFF0] =	vst v53;
	v15 =	vadd.f32 v60, v58  }
0x1a0: {  	s7 =	sadd.s32 $0x20, s24;
	v48 =	vadd.s32 v10, v26;
	v34 =	vld.idx.msk [tilespmem:v34+s29+$0x0], $0xffff  }
0x1a1: {  	v59 =	vadd.s32 v4, v19;
	v33 =	vld.idx.msk [tilespmem:v33+s26+$0x0], $0xffff;
	[tilespmem:s7+$0x0] =	vst v15;
	v12 =	vadd.f32 v13, v12  }
0x1a2: {  	v49 =	vadd.s32 v8, v22;
	v50 =	vld.idx.msk [tilespmem:v44+s26+$0x0], $0xffff  }
0x1a3: {  	v61 =	vadd.s32 v8, v20;
	v52 =	vld.idx.msk [tilespmem:v46+s29+$0x0], $0xffff;
	[tilespmem:s7+$0xFFFFFFF0] =	vst v12  }
0x1a4: {  	v51 =	vadd.f32 v57, v38;
	v54 =	vadd.s32 v7, v23;
	v9 =	vld.idx.msk [tilespmem:v47+s26+$0x0], $0xffff  }
0x1a5: {  	v11 =	vadd.s32 v1, v11;
	v10 =	vld.idx.msk [tilespmem:v48+s29+$0x0], $0xffff  }
0x1a6: {  	v16 =	vld.idx.msk [tilespmem:v59+s29+$0x0], $0xffff;
	[tilespmem:s23+$0xFFFFFFF0] =	vst v51;
	v55 =	vadd.s32 v8, v27  }
0x1a7: {  	v28 =	vld.idx.msk [tilespmem:v49+s26+$0x0], $0xffff;
	v56 =	vadd.s32 v7, v24;
	v43 =	vadd.f32 v34, v33  }
0x1a8: {  	v57 =	vadd.s32 v8, v25;
	v14 =	vld.idx.msk [tilespmem:v61+s26+$0x0], $0xffff;
	v12 =	vadd.f32 v52, v50  }
0x1a9: {  	s21 =	sadd.s32 $0x20, s23;
	v58 =	vadd.s32 v7, v26;
	v15 =	vld.idx.msk [tilespmem:v54+s29+$0x0], $0xffff;
	[tilespmem:s14+$0xFFFFFFF0] =	vst v43  }
0x1aa: {  	v11 =	vld.idx.msk [tilespmem:v11+s29+$0x0], $0xffff;
	[tilespmem:s21+$0x0] =	vst v12;
	v9 =	vadd.f32 v10, v9  }
0x1ab: {  	v59 =	vadd.s32 v5, v20;
	v12 =	vld.idx.msk [tilespmem:v55+s26+$0x0], $0xffff  }
0x1ac: {  	v16 =	vadd.f32 v16, v45;
	v61 =	vadd.s32 v6, v21;
	v62 =	vld.idx.msk [tilespmem:v56+s29+$0x0], $0xffff;
	[tilespmem:s21+$0xFFFFFFF0] =	vst v9  }
0x1ad: {  	v63 =	vadd.s32 v6, v23;
	v14 =	vadd.f32 v31, v14;
	v8 =	vld.idx.msk [tilespmem:v57+s26+$0x0], $0xffff  }
0x1ae: {  	v35 =	vadd.s32 v5, v22;
	[tilespmem:s14+$0x0] =	vst v16;
	v7 =	vld.idx.msk [tilespmem:v58+s29+$0x0], $0xffff  }
0x1af: {  	v36 =	vadd.s32 v5, v27;
	v13 =	vld.idx.msk [tilespmem:v32+s26+$0x0], $0xffff;
	[tilespmem:s22+$0x0] =	vst v14;
	v15 =	vadd.f32 v15, v28  }
0x1b0: {  	v37 =	vadd.s32 v6, v24;
	v16 =	vld.idx.msk [tilespmem:v59+s26+$0x0], $0xffff  }
0x1b1: {  	v38 =	vadd.s32 v6, v26;
	v17 =	vld.idx.msk [tilespmem:v61+s29+$0x0], $0xffff;
	[tilespmem:s22+$0xFFFFFFF0] =	vst v15;
	v9 =	vadd.f32 v62, v12  }
0x1b2: {  	v40 =	vadd.s32 v5, v25;
	s23 =	sadd.s32 $0x20, s22;
	v39 =	vld.idx.msk [tilespmem:v63+s29+$0x0], $0xffff  }
0x1b3: {  	v41 =	vadd.s32 v2, v18;
	v14 =	vld.idx.msk [tilespmem:v35+s26+$0x0], $0xffff;
	[tilespmem:s23+$0x0] =	vst v9;
	v7 =	vadd.f32 v7, v8  }
0x1b4: {  	v44 =	vadd.s32 v4, v21;
	v9 =	vld.idx.msk [tilespmem:v36+s26+$0x0], $0xffff  }
0x1b5: {  	v42 =	vadd.s32 v3, v20;
	v45 =	vld.idx.msk [tilespmem:v37+s29+$0x0], $0xffff;
	[tilespmem:s23+$0xFFFFFFF0] =	vst v7  }
0x1b6: {  	v47 =	vadd.s32 v3, v22;
	v16 =	vadd.f32 v17, v16;
	v6 =	vld.idx.msk [tilespmem:v38+s29+$0x0], $0xffff  }
0x1b7: {  	s24 =	sadd.s32 $0x20, s15;
	v46 =	vadd.s32 v4, v23;
	v5 =	vld.idx.msk [tilespmem:v40+s26+$0x0], $0xffff  }
0x1b8: {  	v48 =	vadd.s32 v3, v27;
	v15 =	vld.idx.msk [tilespmem:v41+s26+$0x0], $0xffff;
	[tilespmem:s24+$0x0] =	vst v16;
	v12 =	vadd.f32 v39, v14  }
0x1b9: {  	v49 =	vadd.s32 v4, v24;
	v50 =	vld.idx.msk [tilespmem:v44+s29+$0x0], $0xffff  }
0x1ba: {  	v51 =	vadd.s32 v4, v26;
	[tilespmem:s24+$0xFFFFFFF0] =	vst v12;
	v8 =	vld.idx.msk [tilespmem:v42+s26+$0x0], $0xffff;
	v9 =	vadd.f32 v45, v9  }
0x1bb: {  	s1 =	sadd.s32 $0x20, s24;
	v3 =	vadd.s32 v3, v25;
	v12 =	vld.idx.msk [tilespmem:v47+s26+$0x0], $0xffff  }
0x1bc: {  	v60 =	vadd.s32 v1, v19;
	v7 =	vld.idx.msk [tilespmem:v46+s29+$0x0], $0xffff;
	[tilespmem:s1+$0x0] =	vst v9;
	v5 =	vadd.f32 v6, v5  }
0x1bd: {  	v52 =	vadd.s32 v2, v20;
	v9 =	vld.idx.msk [tilespmem:v48+s26+$0x0], $0xffff  }
0x1be: {  	v53 =	vadd.s32 v1, v21;
	v16 =	vld.idx.msk [tilespmem:v49+s29+$0x0], $0xffff;
	[tilespmem:s1+$0xFFFFFFF0] =	vst v5  }
0x1bf: {  	v55 =	vadd.s32 v2, v22;
	v54 =	vadd.f32 v50, v8;
	v4 =	vld.idx.msk [tilespmem:v51+s29+$0x0], $0xffff  }
0x1c0: {  	v56 =	vadd.s32 v1, v23;
	v3 =	vld.idx.msk [tilespmem:v3+s26+$0x0], $0xffff  }
0x1c1: {  	v10 =	vld.idx.msk [tilespmem:v60+s29+$0x0], $0xffff;
	v58 =	vadd.s32 v2, v27;
	[tilespmem:s13+$0x0] =	vst v54;
	v57 =	vadd.f32 v7, v12  }
0x1c2: {  	v59 =	vadd.s32 v1, v24;
	v6 =	vld.idx.msk [tilespmem:v52+s26+$0x0], $0xffff  }
0x1c3: {  	v2 =	vadd.s32 v2, v25;
	v14 =	vld.idx.msk [tilespmem:v53+s29+$0x0], $0xffff;
	[tilespmem:s13+$0xFFFFFFF0] =	vst v57;
	v60 =	vadd.f32 v16, v9  }
0x1c4: {  	s30 =	sadd.s32 $0x20, s13;
	v1 =	vadd.s32 v1, v26;
	v8 =	vld.idx.msk [tilespmem:v55+s26+$0x0], $0xffff  }
0x1c5: {  	v61 =	vld.idx.msk [tilespmem:v56+s29+$0x0], $0xffff;
	[tilespmem:s30+$0x0] =	vst v60;
	v3 =	vadd.f32 v4, v3  }
0x1c6: {  	v62 =	vld.idx.msk [tilespmem:v58+s26+$0x0], $0xffff  }
0x1c7: {  	v5 =	vld.idx.msk [tilespmem:v59+s29+$0x0], $0xffff;
	[tilespmem:s30+$0xFFFFFFF0] =	vst v3  }
0x1c8: {  	v63 =	vadd.f32 v10, v13;
	v2 =	vld.idx.msk [tilespmem:v2+s26+$0x0], $0xffff  }
0x1c9: {  	v3 =	vadd.f32 v30, v29;
	v1 =	vld.idx.msk [tilespmem:v1+s29+$0x0], $0xffff  }
0x1ca: {  	[tilespmem:s2+$0x0] =	vst v63;
	v6 =	vadd.f32 v14, v6  }
0x1cb: {  	[tilespmem:s0+$0xFFFFFFF0] =	vst v3;
	v3 =	vadd.f32 v11, v15  }
0x1cc: {  	[tilespmem:s8+$0x0] =	vst v6;
	v4 =	vadd.f32 v5, v62  }
0x1cd: {  	s31 =	sadd.s32 $0x20, s8;
	[tilespmem:s2+$0xFFFFFFF0] =	vst v3;
	v3 =	vadd.f32 v61, v8  }
0x1ce: {  	[tilespmem:s31+$0x0] =	vst v4;
	v1 =	vadd.f32 v1, v2  }
0x1cf: {  	s14 =	simm.s32 $0x1;
	s21 =	simm.s32 $0x0;
	[tilespmem:s8+$0xFFFFFFF0] =	vst v3  }
0x1d0: {  	s24 =	sshll.u32 s16, $0xE;
	s23 =	smul.u32 $0xC, s16;
	s13 =	simm.s32 $0x0;
	[tilespmem:s31+$0xFFFFFFF0] =	vst v1  }
.LBB2_18:
0x1d1: {  	p1 =	sgt.u32 s21, $0x5;
	s22 =	simm.s32 $0xFFFFFFF4  }
0x1d2: {  	s22 =	simm.s32 @!p1 $0x0;
	s0 =	sor.u32 s23, s21  }
0x1d3: {  	p0 =	seq.s32 s0, $0x0;
	s0 =	simm.s32 $0x18000;
	s1 =	sadd.s32 s13, s22  }
0x1d4: {  	s2 =	simm.s32 @!p0 $0x3;
	s0 =	simm.s32 @!p1 $0x0;
	s1 =	sshll.u32 s1, $0xD  }
0x1d5: {  	_ =	swait.ge @!p0 [sflag:s2], $0x4000;
	s1 =	sadd.s32 s0, s1  }
0x1d6: {  	[sflag:s2] =	ssyncset.done @!p0 $0x0;
	s1 =	sshra.s32 s1, $0x2  }
0x1d7: {  	[sflag:s2] =	ssyncadd.s32 @!p0 $0xFFFFC000;
	s15 =	sor.u32 $0x80, s1  }
0x1d8: {  	v16 =	vld [tilespmem:s15+$0x70]  }
0x1d9: {  	v14 =	vld [tilespmem:s15+$0xFFFFFF90]  }
0x1da: {  	v13 =	vld [tilespmem:s15+$0xFFFFFFA0]  }
0x1db: {  	v12 =	vld [tilespmem:s15+$0xFFFFFFB0]  }
0x1dc: {  	v11 =	vld [tilespmem:s15+$0xFFFFFFC0]  }
0x1dd: {  	v10 =	vld [tilespmem:s15+$0xFFFFFFD0]  }
0x1de: {  	v9 =	vld [tilespmem:s15+$0xFFFFFFE0]  }
0x1df: {  	v7 =	vld [tilespmem:s15+$0xFFFFFFF0]  }
0x1e0: {  	v8 =	vld [tilespmem:s15+$0x0]  }
0x1e1: {  	v6 =	vld [tilespmem:s15+$0x10]  }
0x1e2: {  	v5 =	vld [tilespmem:s15+$0x20]  }
0x1e3: {  	v4 =	vld [tilespmem:s15+$0x30]  }
0x1e4: {  	v3 =	vld [tilespmem:s15+$0x40]  }
0x1e5: {  	v2 =	vld [tilespmem:s15+$0x50]  }
0x1e6: {  	v15 =	vld [tilespmem:s15+$0xFFFFFF80]  }
0x1e7: {  	v1 =	vld.idx.msk [tilespmem:v16+s9+$0x0], $0xffff  }
0x1e8: {  	v18 =	vld.idx.msk [tilespmem:v14+s9+$0x0], $0xffff  }
0x1e9: {  	v19 =	vld.idx.msk [tilespmem:v13+s9+$0x0], $0xffff  }
0x1ea: {  	v20 =	vld.idx.msk [tilespmem:v12+s9+$0x0], $0xffff  }
0x1eb: {  	v21 =	vld.idx.msk [tilespmem:v11+s9+$0x0], $0xffff  }
0x1ec: {  	v22 =	vld.idx.msk [tilespmem:v10+s9+$0x0], $0xffff  }
0x1ed: {  	s30 =	simm.s32 $0x16E00;
	v47 =	vld.idx.msk [tilespmem:v9+s9+$0x0], $0xffff  }
0x1ee: {  	v23 =	vld.idx.msk [tilespmem:v15+s9+$0x0], $0xffff;
	[tilespmem:s30+$0x70] =	vst v1  }
0x1ef: {  	v48 =	vld.idx.msk [tilespmem:v7+s9+$0x0], $0xffff;
	[tilespmem:s30+$0xFFFFFC10] =	vst v18  }
0x1f0: {  	v49 =	vld.idx.msk [tilespmem:v8+s9+$0x0], $0xffff;
	[tilespmem:s30+$0xFFFFFC20] =	vst v19  }
0x1f1: {  	v50 =	vld.idx.msk [tilespmem:v6+s9+$0x0], $0xffff;
	[tilespmem:s30+$0xFFFFFC30] =	vst v20  }
0x1f2: {  	v51 =	vld.idx.msk [tilespmem:v5+s9+$0x0], $0xffff;
	[tilespmem:s30+$0xFFFFFC40] =	vst v21  }
0x1f3: {  	v52 =	vld.idx.msk [tilespmem:v4+s9+$0x0], $0xffff;
	[tilespmem:s30+$0xFFFFFC50] =	vst v22  }
0x1f4: {  	v53 =	vld.idx.msk [tilespmem:v3+s9+$0x0], $0xffff;
	[tilespmem:s30+$0xFFFFFC60] =	vst v47  }
0x1f5: {  	v54 =	vld.idx.msk [tilespmem:v2+s9+$0x0], $0xffff;
	[tilespmem:s30+$0xFFFFFC00] =	vst v23  }
0x1f6: {  	v1 =	vld [tilespmem:s15+$0x60];
	[tilespmem:s30+$0xFFFFFC70] =	vst v48  }
0x1f7: {  	[tilespmem:s30+$0x0] =	vst v49;
	v17 =	vld.idx.msk [tilespmem:v16+s10+$0x0], $0xffff  }
0x1f8: {  	[tilespmem:s30+$0x10] =	vst v50;
	v23 =	vld.idx.msk [tilespmem:v15+s10+$0x0], $0xffff  }
0x1f9: {  	[tilespmem:s30+$0x20] =	vst v51;
	v56 =	vld.idx.msk [tilespmem:v14+s10+$0x0], $0xffff  }
0x1fa: {  	[tilespmem:s30+$0x30] =	vst v52;
	v57 =	vld.idx.msk [tilespmem:v13+s10+$0x0], $0xffff  }
0x1fb: {  	[tilespmem:s30+$0x40] =	vst v53;
	v58 =	vld.idx.msk [tilespmem:v12+s10+$0x0], $0xffff  }
0x1fc: {  	[tilespmem:s30+$0x50] =	vst v54;
	v59 =	vld.idx.msk [tilespmem:v11+s10+$0x0], $0xffff  }
0x1fd: {  	v60 =	vld.idx.msk [tilespmem:v10+s10+$0x0], $0xffff;
	[tilespmem:s30+$0xF0] =	vst v17  }
0x1fe: {  	v61 =	vld.idx.msk [tilespmem:v9+s10+$0x0], $0xffff;
	[tilespmem:s30+$0xFFFFFC80] =	vst v23  }
0x1ff: {  	v62 =	vld.idx.msk [tilespmem:v7+s10+$0x0], $0xffff;
	[tilespmem:s30+$0xFFFFFC90] =	vst v56  }
0x200: {  	v63 =	vld.idx.msk [tilespmem:v8+s10+$0x0], $0xffff;
	[tilespmem:s30+$0xFFFFFCA0] =	vst v57  }
0x201: {  	v24 =	vld.idx.msk [tilespmem:v6+s10+$0x0], $0xffff;
	[tilespmem:s30+$0xFFFFFCB0] =	vst v58  }
0x202: {  	v25 =	vld.idx.msk [tilespmem:v5+s10+$0x0], $0xffff;
	[tilespmem:s30+$0xFFFFFCC0] =	vst v59  }
0x203: {  	v26 =	vld.idx.msk [tilespmem:v4+s10+$0x0], $0xffff;
	[tilespmem:s30+$0xFFFFFCD0] =	vst v60  }
0x204: {  	v27 =	vld.idx.msk [tilespmem:v3+s10+$0x0], $0xffff;
	[tilespmem:s30+$0xFFFFFCE0] =	vst v61  }
0x205: {  	v28 =	vld.idx.msk [tilespmem:v2+s10+$0x0], $0xffff;
	[tilespmem:s30+$0xFFFFFCF0] =	vst v62  }
0x206: {  	[tilespmem:s30+$0x80] =	vst v63;
	v17 =	vld.idx.msk [tilespmem:v16+s11+$0x0], $0xffff  }
0x207: {  	[tilespmem:s30+$0x90] =	vst v24;
	v30 =	vld.idx.msk [tilespmem:v15+s11+$0x0], $0xffff  }
0x208: {  	[tilespmem:s30+$0xA0] =	vst v25;
	v31 =	vld.idx.msk [tilespmem:v14+s11+$0x0], $0xffff  }
0x209: {  	[tilespmem:s30+$0xB0] =	vst v26;
	v32 =	vld.idx.msk [tilespmem:v13+s11+$0x0], $0xffff  }
0x20a: {  	[tilespmem:s30+$0xC0] =	vst v27;
	v33 =	vld.idx.msk [tilespmem:v12+s11+$0x0], $0xffff  }
0x20b: {  	[tilespmem:s30+$0xD0] =	vst v28;
	v34 =	vld.idx.msk [tilespmem:v11+s11+$0x0], $0xffff  }
0x20c: {  	v35 =	vld.idx.msk [tilespmem:v10+s11+$0x0], $0xffff;
	[tilespmem:s30+$0x170] =	vst v17  }
0x20d: {  	v36 =	vld.idx.msk [tilespmem:v9+s11+$0x0], $0xffff;
	[tilespmem:s30+$0xFFFFFD00] =	vst v30  }
0x20e: {  	v37 =	vld.idx.msk [tilespmem:v7+s11+$0x0], $0xffff;
	[tilespmem:s30+$0xFFFFFD10] =	vst v31  }
0x20f: {  	v38 =	vld.idx.msk [tilespmem:v8+s11+$0x0], $0xffff;
	[tilespmem:s30+$0xFFFFFD20] =	vst v32  }
0x210: {  	v39 =	vld.idx.msk [tilespmem:v6+s11+$0x0], $0xffff;
	[tilespmem:s30+$0xFFFFFD30] =	vst v33  }
0x211: {  	v40 =	vld.idx.msk [tilespmem:v5+s11+$0x0], $0xffff;
	[tilespmem:s30+$0xFFFFFD40] =	vst v34  }
0x212: {  	v41 =	vld.idx.msk [tilespmem:v4+s11+$0x0], $0xffff;
	[tilespmem:s30+$0xFFFFFD50] =	vst v35  }
0x213: {  	v42 =	vld.idx.msk [tilespmem:v3+s11+$0x0], $0xffff;
	[tilespmem:s30+$0xFFFFFD60] =	vst v36  }
0x214: {  	v43 =	vld.idx.msk [tilespmem:v2+s11+$0x0], $0xffff;
	[tilespmem:s30+$0xFFFFFD70] =	vst v37  }
0x215: {  	v55 =	vld.idx.msk [tilespmem:v1+s9+$0x0], $0xffff;
	[tilespmem:s30+$0x100] =	vst v38  }
0x216: {  	[tilespmem:s30+$0x110] =	vst v39;
	v17 =	vld.idx.msk [tilespmem:v16+s12+$0x0], $0xffff  }
0x217: {  	[tilespmem:s30+$0x120] =	vst v40;
	v45 =	vld.idx.msk [tilespmem:v15+s12+$0x0], $0xffff  }
0x218: {  	[tilespmem:s30+$0x130] =	vst v41;
	v46 =	vld.idx.msk [tilespmem:v14+s12+$0x0], $0xffff  }
0x219: {  	[tilespmem:s30+$0x140] =	vst v42;
	v47 =	vld.idx.msk [tilespmem:v13+s12+$0x0], $0xffff  }
0x21a: {  	[tilespmem:s30+$0x150] =	vst v43;
	v48 =	vld.idx.msk [tilespmem:v12+s12+$0x0], $0xffff  }
0x21b: {  	[tilespmem:s30+$0x60] =	vst v55;
	v49 =	vld.idx.msk [tilespmem:v11+s12+$0x0], $0xffff  }
0x21c: {  	v50 =	vld.idx.msk [tilespmem:v10+s12+$0x0], $0xffff;
	[tilespmem:s30+$0x1F0] =	vst v17  }
0x21d: {  	v51 =	vld.idx.msk [tilespmem:v9+s12+$0x0], $0xffff;
	[tilespmem:s30+$0xFFFFFD80] =	vst v45  }
0x21e: {  	v52 =	vld.idx.msk [tilespmem:v7+s12+$0x0], $0xffff;
	[tilespmem:s30+$0xFFFFFD90] =	vst v46  }
0x21f: {  	v53 =	vld.idx.msk [tilespmem:v8+s12+$0x0], $0xffff;
	[tilespmem:s30+$0xFFFFFDA0] =	vst v47  }
0x220: {  	v54 =	vld.idx.msk [tilespmem:v6+s12+$0x0], $0xffff;
	[tilespmem:s30+$0xFFFFFDB0] =	vst v48  }
0x221: {  	v55 =	vld.idx.msk [tilespmem:v5+s12+$0x0], $0xffff;
	[tilespmem:s30+$0xFFFFFDC0] =	vst v49  }
0x222: {  	v56 =	vld.idx.msk [tilespmem:v4+s12+$0x0], $0xffff;
	[tilespmem:s30+$0xFFFFFDD0] =	vst v50  }
0x223: {  	v57 =	vld.idx.msk [tilespmem:v3+s12+$0x0], $0xffff;
	[tilespmem:s30+$0xFFFFFDE0] =	vst v51  }
0x224: {  	v58 =	vld.idx.msk [tilespmem:v2+s12+$0x0], $0xffff;
	[tilespmem:s30+$0xFFFFFDF0] =	vst v52  }
0x225: {  	v29 =	vld.idx.msk [tilespmem:v1+s10+$0x0], $0xffff;
	[tilespmem:s30+$0x180] =	vst v53  }
0x226: {  	[tilespmem:s30+$0x190] =	vst v54;
	v17 =	vld.idx.msk [tilespmem:v16+s17+$0x0], $0xffff  }
0x227: {  	[tilespmem:s30+$0x1A0] =	vst v55;
	v60 =	vld.idx.msk [tilespmem:v15+s17+$0x0], $0xffff  }
0x228: {  	[tilespmem:s30+$0x1B0] =	vst v56;
	v61 =	vld.idx.msk [tilespmem:v14+s17+$0x0], $0xffff  }
0x229: {  	[tilespmem:s30+$0x1C0] =	vst v57;
	v62 =	vld.idx.msk [tilespmem:v13+s17+$0x0], $0xffff  }
0x22a: {  	[tilespmem:s30+$0x1D0] =	vst v58;
	v63 =	vld.idx.msk [tilespmem:v12+s17+$0x0], $0xffff  }
0x22b: {  	[tilespmem:s30+$0xE0] =	vst v29;
	v24 =	vld.idx.msk [tilespmem:v11+s17+$0x0], $0xffff  }
0x22c: {  	v25 =	vld.idx.msk [tilespmem:v10+s17+$0x0], $0xffff;
	[tilespmem:s30+$0x270] =	vst v17  }
0x22d: {  	v26 =	vld.idx.msk [tilespmem:v9+s17+$0x0], $0xffff;
	[tilespmem:s30+$0xFFFFFE00] =	vst v60  }
0x22e: {  	v27 =	vld.idx.msk [tilespmem:v7+s17+$0x0], $0xffff;
	[tilespmem:s30+$0xFFFFFE10] =	vst v61  }
0x22f: {  	v28 =	vld.idx.msk [tilespmem:v8+s17+$0x0], $0xffff;
	[tilespmem:s30+$0xFFFFFE20] =	vst v62  }
0x230: {  	v29 =	vld.idx.msk [tilespmem:v6+s17+$0x0], $0xffff;
	[tilespmem:s30+$0xFFFFFE30] =	vst v63  }
0x231: {  	v30 =	vld.idx.msk [tilespmem:v5+s17+$0x0], $0xffff;
	[tilespmem:s30+$0xFFFFFE40] =	vst v24  }
0x232: {  	v31 =	vld.idx.msk [tilespmem:v4+s17+$0x0], $0xffff;
	[tilespmem:s30+$0xFFFFFE50] =	vst v25  }
0x233: {  	v32 =	vld.idx.msk [tilespmem:v3+s17+$0x0], $0xffff;
	[tilespmem:s30+$0xFFFFFE60] =	vst v26  }
0x234: {  	v33 =	vld.idx.msk [tilespmem:v2+s17+$0x0], $0xffff;
	[tilespmem:s30+$0xFFFFFE70] =	vst v27  }
0x235: {  	v44 =	vld.idx.msk [tilespmem:v1+s11+$0x0], $0xffff;
	[tilespmem:s30+$0x200] =	vst v28  }
0x236: {  	[tilespmem:s30+$0x210] =	vst v29;
	v17 =	vld.idx.msk [tilespmem:v16+s18+$0x0], $0xffff  }
0x237: {  	[tilespmem:s30+$0x220] =	vst v30;
	v22 =	vld.idx.msk [tilespmem:v15+s18+$0x0], $0xffff  }
0x238: {  	[tilespmem:s30+$0x230] =	vst v31;
	v35 =	vld.idx.msk [tilespmem:v14+s18+$0x0], $0xffff  }
0x239: {  	[tilespmem:s30+$0x240] =	vst v32;
	v36 =	vld.idx.msk [tilespmem:v13+s18+$0x0], $0xffff  }
0x23a: {  	[tilespmem:s30+$0x250] =	vst v33;
	v37 =	vld.idx.msk [tilespmem:v12+s18+$0x0], $0xffff  }
0x23b: {  	[tilespmem:s30+$0x160] =	vst v44;
	v38 =	vld.idx.msk [tilespmem:v11+s18+$0x0], $0xffff  }
0x23c: {  	v39 =	vld.idx.msk [tilespmem:v10+s18+$0x0], $0xffff;
	[tilespmem:s30+$0x2F0] =	vst v17  }
0x23d: {  	v40 =	vld.idx.msk [tilespmem:v9+s18+$0x0], $0xffff;
	[tilespmem:s30+$0xFFFFFE80] =	vst v22  }
0x23e: {  	v41 =	vld.idx.msk [tilespmem:v7+s18+$0x0], $0xffff;
	[tilespmem:s30+$0xFFFFFE90] =	vst v35  }
0x23f: {  	v42 =	vld.idx.msk [tilespmem:v8+s18+$0x0], $0xffff;
	[tilespmem:s30+$0xFFFFFEA0] =	vst v36  }
0x240: {  	v43 =	vld.idx.msk [tilespmem:v6+s18+$0x0], $0xffff;
	[tilespmem:s30+$0xFFFFFEB0] =	vst v37  }
0x241: {  	v44 =	vld.idx.msk [tilespmem:v5+s18+$0x0], $0xffff;
	[tilespmem:s30+$0xFFFFFEC0] =	vst v38  }
0x242: {  	v45 =	vld.idx.msk [tilespmem:v4+s18+$0x0], $0xffff;
	[tilespmem:s30+$0xFFFFFED0] =	vst v39  }
0x243: {  	v46 =	vld.idx.msk [tilespmem:v3+s18+$0x0], $0xffff;
	[tilespmem:s30+$0xFFFFFEE0] =	vst v40  }
0x244: {  	v47 =	vld.idx.msk [tilespmem:v2+s18+$0x0], $0xffff;
	[tilespmem:s30+$0xFFFFFEF0] =	vst v41  }
0x245: {  	v59 =	vld.idx.msk [tilespmem:v1+s12+$0x0], $0xffff;
	[tilespmem:s30+$0x280] =	vst v42  }
0x246: {  	[tilespmem:s30+$0x290] =	vst v43;
	v17 =	vld.idx.msk [tilespmem:v16+s19+$0x0], $0xffff  }
0x247: {  	[tilespmem:s30+$0x2A0] =	vst v44;
	v22 =	vld.idx.msk [tilespmem:v15+s19+$0x0], $0xffff  }
0x248: {  	[tilespmem:s30+$0x2B0] =	vst v45;
	v49 =	vld.idx.msk [tilespmem:v14+s19+$0x0], $0xffff  }
0x249: {  	[tilespmem:s30+$0x2C0] =	vst v46;
	v50 =	vld.idx.msk [tilespmem:v13+s19+$0x0], $0xffff  }
0x24a: {  	[tilespmem:s30+$0x2D0] =	vst v47;
	v51 =	vld.idx.msk [tilespmem:v12+s19+$0x0], $0xffff  }
0x24b: {  	[tilespmem:s30+$0x1E0] =	vst v59;
	v52 =	vld.idx.msk [tilespmem:v11+s19+$0x0], $0xffff  }
0x24c: {  	v53 =	vld.idx.msk [tilespmem:v10+s19+$0x0], $0xffff;
	[tilespmem:s30+$0x370] =	vst v17  }
0x24d: {  	v54 =	vld.idx.msk [tilespmem:v9+s19+$0x0], $0xffff;
	[tilespmem:s30+$0xFFFFFF00] =	vst v22  }
0x24e: {  	v55 =	vld.idx.msk [tilespmem:v7+s19+$0x0], $0xffff;
	[tilespmem:s30+$0xFFFFFF10] =	vst v49  }
0x24f: {  	v56 =	vld.idx.msk [tilespmem:v8+s19+$0x0], $0xffff;
	[tilespmem:s30+$0xFFFFFF20] =	vst v50  }
0x250: {  	v57 =	vld.idx.msk [tilespmem:v6+s19+$0x0], $0xffff;
	[tilespmem:s30+$0xFFFFFF30] =	vst v51  }
0x251: {  	v58 =	vld.idx.msk [tilespmem:v5+s19+$0x0], $0xffff;
	[tilespmem:s30+$0xFFFFFF40] =	vst v52  }
0x252: {  	v59 =	vld.idx.msk [tilespmem:v4+s19+$0x0], $0xffff;
	[tilespmem:s30+$0xFFFFFF50] =	vst v53  }
0x253: {  	v60 =	vld.idx.msk [tilespmem:v3+s19+$0x0], $0xffff;
	[tilespmem:s30+$0xFFFFFF60] =	vst v54  }
0x254: {  	v61 =	vld.idx.msk [tilespmem:v2+s19+$0x0], $0xffff;
	[tilespmem:s30+$0xFFFFFF70] =	vst v55  }
0x255: {  	v34 =	vld.idx.msk [tilespmem:v1+s17+$0x0], $0xffff;
	[tilespmem:s30+$0x300] =	vst v56  }
0x256: {  	[tilespmem:s30+$0x310] =	vst v57;
	v16 =	vld.idx.msk [tilespmem:v16+s20+$0x0], $0xffff  }
0x257: {  	[tilespmem:s30+$0x320] =	vst v58;
	v15 =	vld.idx.msk [tilespmem:v15+s20+$0x0], $0xffff  }
0x258: {  	[tilespmem:s30+$0x330] =	vst v59;
	v14 =	vld.idx.msk [tilespmem:v14+s20+$0x0], $0xffff  }
0x259: {  	[tilespmem:s30+$0x340] =	vst v60;
	v13 =	vld.idx.msk [tilespmem:v13+s20+$0x0], $0xffff  }
0x25a: {  	[tilespmem:s30+$0x260] =	vst v34;
	v12 =	vld.idx.msk [tilespmem:v12+s20+$0x0], $0xffff  }
0x25b: {  	[tilespmem:s30+$0x350] =	vst v61;
	v48 =	vld.idx.msk [tilespmem:v1+s18+$0x0], $0xffff  }
0x25c: {  	v11 =	vld.idx.msk [tilespmem:v11+s20+$0x0], $0xffff;
	[tilespmem:s30+$0x3F0] =	vst v16  }
0x25d: {  	v10 =	vld.idx.msk [tilespmem:v10+s20+$0x0], $0xffff;
	[tilespmem:s30+$0xFFFFFF80] =	vst v15  }
0x25e: {  	v9 =	vld.idx.msk [tilespmem:v9+s20+$0x0], $0xffff;
	[tilespmem:s30+$0xFFFFFF90] =	vst v14  }
0x25f: {  	v63 =	vld.idx.msk [tilespmem:v7+s20+$0x0], $0xffff;
	[tilespmem:s30+$0xFFFFFFA0] =	vst v13  }
0x260: {  	v8 =	vld.idx.msk [tilespmem:v8+s20+$0x0], $0xffff;
	[tilespmem:s30+$0x2E0] =	vst v48  }
0x261: {  	[tilespmem:s30+$0xFFFFFFB0] =	vst v12;
	v62 =	vld.idx.msk [tilespmem:v1+s19+$0x0], $0xffff  }
0x262: {  	v7 =	vld.idx.msk [tilespmem:v6+s20+$0x0], $0xffff;
	[tilespmem:s30+$0xFFFFFFC0] =	vst v11  }
0x263: {  	v6 =	vld.idx.msk [tilespmem:v5+s20+$0x0], $0xffff;
	[tilespmem:s30+$0xFFFFFFD0] =	vst v10  }
0x264: {  	v4 =	vld.idx.msk [tilespmem:v4+s20+$0x0], $0xffff;
	[tilespmem:s30+$0xFFFFFFE0] =	vst v9  }
0x265: {  	s6 =	simm.s32 $0x1;
	v3 =	vld.idx.msk [tilespmem:v3+s20+$0x0], $0xffff;
	[tilespmem:s30+$0xFFFFFFF0] =	vst v63  }
0x266: {  	s8 =	sshll.u32 s21, $0x1;
	s31 =	simm.s32 $0x0;
	s6 =	simm.s32 @!p1 $0x0;
	v2 =	vld.idx.msk [tilespmem:v2+s20+$0x0], $0xffff;
	[tilespmem:s30+$0x360] =	vst v62  }
0x267: {  	s2 =	sadd.s32 s8, s22;
	s8 =	sor.u32 s6, s5;
	s15 =	sadd.s32 $0x100, s15;
	[tilespmem:s30+$0x380] =	vst v8;
	v1 =	vld.idx.msk [tilespmem:v1+s20+$0x0], $0xffff  }
.LBB2_19:
0x268: {  	v16 =	vld [tilespmem:s15+$0x70];
	s31 =	sadd.s32 $0x10, s31;
	[tilespmem:s30+$0x390] =	vst v7  }
0x269: {  	v8 =	vld [tilespmem:s15+$0xFFFFFF90];
	p1 =	slt.u32 s31, $0x70;
	[tilespmem:s30+$0x3A0] =	vst v6  }
0x26a: {  	v11 =	vld [tilespmem:s15+$0xFFFFFFA0];
	[tilespmem:s30+$0x3B0] =	vst v4  }
0x26b: {  	v12 =	vld [tilespmem:s15+$0xFFFFFFB0];
	[tilespmem:s30+$0x3C0] =	vst v3  }
0x26c: {  	v13 =	vld [tilespmem:s15+$0xFFFFFFC0];
	[tilespmem:s30+$0x3D0] =	vst v2  }
0x26d: {  	v14 =	vld [tilespmem:s15+$0xFFFFFFD0];
	[tilespmem:s30+$0x3E0] =	vst v1  }
0x26e: {  	v9 =	vld [tilespmem:s15+$0xFFFFFFE0]  }
0x26f: {  	v6 =	vld [tilespmem:s15+$0xFFFFFFF0]  }
0x270: {  	v5 =	vld.idx.msk [tilespmem:v16+s9+$0x0], $0xffff  }
0x271: {  	v10 =	vld [tilespmem:s15+$0x0]  }
0x272: {  	v7 =	vld [tilespmem:s15+$0x10]  }
0x273: {  	v4 =	vld [tilespmem:s15+$0x20]  }
0x274: {  	v3 =	vld [tilespmem:s15+$0x30]  }
0x275: {  	s30 =	sadd.s32 $0x800, s30;
	v1 =	vld [tilespmem:s15+$0x40]  }
0x276: {  	v2 =	vld [tilespmem:s15+$0x50];
	[tilespmem:s30+$0x70] =	vst v5  }
0x277: {  	v17 =	vld.idx.msk [tilespmem:v16+s10+$0x0], $0xffff  }
0x278: {  	v5 =	vld [tilespmem:s15+$0x60]  }
0x279: {  	v15 =	vld [tilespmem:s15+$0xFFFFFF80]  }
0x27a: {  	v18 =	vld.idx.msk [tilespmem:v8+s9+$0x0], $0xffff  }
0x27b: {  	v19 =	vld.idx.msk [tilespmem:v11+s9+$0x0], $0xffff  }
0x27c: {  	v20 =	vld.idx.msk [tilespmem:v12+s9+$0x0], $0xffff  }
0x27d: {  	v21 =	vld.idx.msk [tilespmem:v13+s9+$0x0], $0xffff;
	[tilespmem:s30+$0xF0] =	vst v17  }
0x27e: {  	v17 =	vld.idx.msk [tilespmem:v16+s11+$0x0], $0xffff  }
0x27f: {  	v22 =	vld.idx.msk [tilespmem:v14+s9+$0x0], $0xffff  }
0x280: {  	[tilespmem:s30+$0xFFFFFC10] =	vst v18;
	v18 =	vld.idx.msk [tilespmem:v9+s9+$0x0], $0xffff  }
0x281: {  	v23 =	vld.idx.msk [tilespmem:v15+s9+$0x0], $0xffff;
	[tilespmem:s30+$0xFFFFFC20] =	vst v19  }
0x282: {  	[tilespmem:s30+$0xFFFFFC30] =	vst v20;
	v19 =	vld.idx.msk [tilespmem:v6+s9+$0x0], $0xffff  }
0x283: {  	[tilespmem:s30+$0xFFFFFC40] =	vst v21;
	v20 =	vld.idx.msk [tilespmem:v10+s9+$0x0], $0xffff  }
0x284: {  	v21 =	vld.idx.msk [tilespmem:v7+s9+$0x0], $0xffff;
	[tilespmem:s30+$0x170] =	vst v17  }
0x285: {  	[tilespmem:s30+$0xFFFFFC50] =	vst v22;
	v17 =	vld.idx.msk [tilespmem:v16+s12+$0x0], $0xffff  }
0x286: {  	[tilespmem:s30+$0xFFFFFC60] =	vst v18;
	v18 =	vld.idx.msk [tilespmem:v4+s9+$0x0], $0xffff  }
0x287: {  	[tilespmem:s30+$0xFFFFFC00] =	vst v23;
	v22 =	vld.idx.msk [tilespmem:v3+s9+$0x0], $0xffff  }
0x288: {  	[tilespmem:s30+$0xFFFFFC70] =	vst v19;
	v19 =	vld.idx.msk [tilespmem:v1+s9+$0x0], $0xffff  }
0x289: {  	[tilespmem:s30+$0x0] =	vst v20;
	v20 =	vld.idx.msk [tilespmem:v2+s9+$0x0], $0xffff  }
0x28a: {  	[tilespmem:s30+$0x10] =	vst v21;
	v21 =	vld.idx.msk [tilespmem:v5+s9+$0x0], $0xffff  }
0x28b: {  	v23 =	vld.idx.msk [tilespmem:v15+s10+$0x0], $0xffff;
	[tilespmem:s30+$0x1F0] =	vst v17  }
0x28c: {  	[tilespmem:s30+$0x20] =	vst v18;
	v17 =	vld.idx.msk [tilespmem:v16+s17+$0x0], $0xffff  }
0x28d: {  	v18 =	vld.idx.msk [tilespmem:v8+s10+$0x0], $0xffff;
	[tilespmem:s30+$0x30] =	vst v22  }
0x28e: {  	v22 =	vld.idx.msk [tilespmem:v11+s10+$0x0], $0xffff;
	[tilespmem:s30+$0x40] =	vst v19  }
0x28f: {  	v19 =	vld.idx.msk [tilespmem:v12+s10+$0x0], $0xffff;
	[tilespmem:s30+$0x50] =	vst v20  }
0x290: {  	v20 =	vld.idx.msk [tilespmem:v13+s10+$0x0], $0xffff;
	[tilespmem:s30+$0x60] =	vst v21  }
0x291: {  	[tilespmem:s30+$0xFFFFFC80] =	vst v23;
	v21 =	vld.idx.msk [tilespmem:v14+s10+$0x0], $0xffff  }
0x292: {  	v23 =	vld.idx.msk [tilespmem:v9+s10+$0x0], $0xffff;
	[tilespmem:s30+$0x270] =	vst v17  }
0x293: {  	[tilespmem:s30+$0xFFFFFC90] =	vst v18;
	v17 =	vld.idx.msk [tilespmem:v16+s18+$0x0], $0xffff  }
0x294: {  	[tilespmem:s30+$0xFFFFFCA0] =	vst v22;
	v18 =	vld.idx.msk [tilespmem:v6+s10+$0x0], $0xffff  }
0x295: {  	[tilespmem:s30+$0xFFFFFCB0] =	vst v19;
	v19 =	vld.idx.msk [tilespmem:v10+s10+$0x0], $0xffff  }
0x296: {  	[tilespmem:s30+$0xFFFFFCC0] =	vst v20;
	v20 =	vld.idx.msk [tilespmem:v7+s10+$0x0], $0xffff  }
0x297: {  	[tilespmem:s30+$0xFFFFFCD0] =	vst v21;
	v21 =	vld.idx.msk [tilespmem:v4+s10+$0x0], $0xffff  }
0x298: {  	[tilespmem:s30+$0xFFFFFCE0] =	vst v23;
	v22 =	vld.idx.msk [tilespmem:v3+s10+$0x0], $0xffff  }
0x299: {  	v23 =	vld.idx.msk [tilespmem:v1+s10+$0x0], $0xffff;
	[tilespmem:s30+$0x2F0] =	vst v17  }
0x29a: {  	[tilespmem:s30+$0xFFFFFCF0] =	vst v18;
	v17 =	vld.idx.msk [tilespmem:v16+s19+$0x0], $0xffff  }
0x29b: {  	[tilespmem:s30+$0x80] =	vst v19;
	v18 =	vld.idx.msk [tilespmem:v2+s10+$0x0], $0xffff  }
0x29c: {  	[tilespmem:s30+$0x90] =	vst v20;
	v19 =	vld.idx.msk [tilespmem:v5+s10+$0x0], $0xffff  }
0x29d: {  	v20 =	vld.idx.msk [tilespmem:v15+s11+$0x0], $0xffff;
	[tilespmem:s30+$0xA0] =	vst v21  }
0x29e: {  	v21 =	vld.idx.msk [tilespmem:v8+s11+$0x0], $0xffff;
	[tilespmem:s30+$0xB0] =	vst v22  }
0x29f: {  	v22 =	vld.idx.msk [tilespmem:v11+s11+$0x0], $0xffff;
	[tilespmem:s30+$0xC0] =	vst v23  }
0x2a0: {  	v23 =	vld.idx.msk [tilespmem:v12+s11+$0x0], $0xffff;
	[tilespmem:s30+$0x370] =	vst v17  }
0x2a1: {  	[tilespmem:s30+$0xD0] =	vst v18;
	v16 =	vld.idx.msk [tilespmem:v16+s20+$0x0], $0xffff  }
0x2a2: {  	v17 =	vld.idx.msk [tilespmem:v13+s11+$0x0], $0xffff;
	[tilespmem:s30+$0xE0] =	vst v19  }
0x2a3: {  	[tilespmem:s30+$0xFFFFFD00] =	vst v20;
	v18 =	vld.idx.msk [tilespmem:v14+s11+$0x0], $0xffff  }
0x2a4: {  	[tilespmem:s30+$0xFFFFFD10] =	vst v21;
	v19 =	vld.idx.msk [tilespmem:v9+s11+$0x0], $0xffff  }
0x2a5: {  	[tilespmem:s30+$0xFFFFFD20] =	vst v22;
	v20 =	vld.idx.msk [tilespmem:v6+s11+$0x0], $0xffff  }
0x2a6: {  	[tilespmem:s30+$0xFFFFFD30] =	vst v23;
	v21 =	vld.idx.msk [tilespmem:v10+s11+$0x0], $0xffff  }
0x2a7: {  	v22 =	vld.idx.msk [tilespmem:v7+s11+$0x0], $0xffff;
	[tilespmem:s30+$0x3F0] =	vst v16  }
0x2a8: {  	[tilespmem:s30+$0xFFFFFD40] =	vst v17;
	v16 =	vld.idx.msk [tilespmem:v4+s11+$0x0], $0xffff  }
0x2a9: {  	[tilespmem:s30+$0xFFFFFD50] =	vst v18;
	v17 =	vld.idx.msk [tilespmem:v3+s11+$0x0], $0xffff  }
0x2aa: {  	[tilespmem:s30+$0xFFFFFD60] =	vst v19;
	v18 =	vld.idx.msk [tilespmem:v1+s11+$0x0], $0xffff  }
0x2ab: {  	[tilespmem:s30+$0xFFFFFD70] =	vst v20;
	v19 =	vld.idx.msk [tilespmem:v2+s11+$0x0], $0xffff  }
0x2ac: {  	[tilespmem:s30+$0x100] =	vst v21;
	v20 =	vld.idx.msk [tilespmem:v5+s11+$0x0], $0xffff  }
0x2ad: {  	v21 =	vld.idx.msk [tilespmem:v15+s12+$0x0], $0xffff;
	[tilespmem:s30+$0x110] =	vst v22  }
0x2ae: {  	v22 =	vld.idx.msk [tilespmem:v8+s12+$0x0], $0xffff;
	[tilespmem:s30+$0x120] =	vst v16  }
0x2af: {  	v16 =	vld.idx.msk [tilespmem:v11+s12+$0x0], $0xffff;
	[tilespmem:s30+$0x130] =	vst v17  }
0x2b0: {  	v17 =	vld.idx.msk [tilespmem:v12+s12+$0x0], $0xffff;
	[tilespmem:s30+$0x140] =	vst v18  }
0x2b1: {  	v18 =	vld.idx.msk [tilespmem:v13+s12+$0x0], $0xffff;
	[tilespmem:s30+$0x150] =	vst v19  }
0x2b2: {  	v19 =	vld.idx.msk [tilespmem:v14+s12+$0x0], $0xffff;
	[tilespmem:s30+$0x160] =	vst v20  }
0x2b3: {  	[tilespmem:s30+$0xFFFFFD80] =	vst v21;
	v20 =	vld.idx.msk [tilespmem:v9+s12+$0x0], $0xffff  }
0x2b4: {  	[tilespmem:s30+$0xFFFFFD90] =	vst v22;
	v21 =	vld.idx.msk [tilespmem:v6+s12+$0x0], $0xffff  }
0x2b5: {  	[tilespmem:s30+$0xFFFFFDA0] =	vst v16;
	v16 =	vld.idx.msk [tilespmem:v10+s12+$0x0], $0xffff  }
0x2b6: {  	[tilespmem:s30+$0xFFFFFDB0] =	vst v17;
	v17 =	vld.idx.msk [tilespmem:v7+s12+$0x0], $0xffff  }
0x2b7: {  	[tilespmem:s30+$0xFFFFFDC0] =	vst v18;
	v18 =	vld.idx.msk [tilespmem:v4+s12+$0x0], $0xffff  }
0x2b8: {  	[tilespmem:s30+$0xFFFFFDD0] =	vst v19;
	v19 =	vld.idx.msk [tilespmem:v3+s12+$0x0], $0xffff  }
0x2b9: {  	[tilespmem:s30+$0xFFFFFDE0] =	vst v20;
	v20 =	vld.idx.msk [tilespmem:v1+s12+$0x0], $0xffff  }
0x2ba: {  	[tilespmem:s30+$0xFFFFFDF0] =	vst v21;
	v21 =	vld.idx.msk [tilespmem:v2+s12+$0x0], $0xffff  }
0x2bb: {  	[tilespmem:s30+$0x180] =	vst v16;
	v16 =	vld.idx.msk [tilespmem:v5+s12+$0x0], $0xffff  }
0x2bc: {  	v22 =	vld.idx.msk [tilespmem:v15+s17+$0x0], $0xffff;
	[tilespmem:s30+$0x190] =	vst v17  }
0x2bd: {  	v17 =	vld.idx.msk [tilespmem:v8+s17+$0x0], $0xffff;
	[tilespmem:s30+$0x1A0] =	vst v18  }
0x2be: {  	v18 =	vld.idx.msk [tilespmem:v11+s17+$0x0], $0xffff;
	[tilespmem:s30+$0x1B0] =	vst v19  }
0x2bf: {  	v19 =	vld.idx.msk [tilespmem:v12+s17+$0x0], $0xffff;
	[tilespmem:s30+$0x1C0] =	vst v20  }
0x2c0: {  	v20 =	vld.idx.msk [tilespmem:v13+s17+$0x0], $0xffff;
	[tilespmem:s30+$0x1D0] =	vst v21  }
0x2c1: {  	v21 =	vld.idx.msk [tilespmem:v14+s17+$0x0], $0xffff;
	[tilespmem:s30+$0x1E0] =	vst v16  }
0x2c2: {  	[tilespmem:s30+$0xFFFFFE00] =	vst v22;
	v16 =	vld.idx.msk [tilespmem:v9+s17+$0x0], $0xffff  }
0x2c3: {  	[tilespmem:s30+$0xFFFFFE10] =	vst v17;
	v17 =	vld.idx.msk [tilespmem:v6+s17+$0x0], $0xffff  }
0x2c4: {  	[tilespmem:s30+$0xFFFFFE20] =	vst v18;
	v18 =	vld.idx.msk [tilespmem:v10+s17+$0x0], $0xffff  }
0x2c5: {  	[tilespmem:s30+$0xFFFFFE30] =	vst v19;
	v19 =	vld.idx.msk [tilespmem:v7+s17+$0x0], $0xffff  }
0x2c6: {  	[tilespmem:s30+$0xFFFFFE40] =	vst v20;
	v20 =	vld.idx.msk [tilespmem:v4+s17+$0x0], $0xffff  }
0x2c7: {  	[tilespmem:s30+$0xFFFFFE50] =	vst v21;
	v21 =	vld.idx.msk [tilespmem:v3+s17+$0x0], $0xffff  }
0x2c8: {  	[tilespmem:s30+$0xFFFFFE60] =	vst v16;
	v16 =	vld.idx.msk [tilespmem:v1+s17+$0x0], $0xffff  }
0x2c9: {  	[tilespmem:s30+$0xFFFFFE70] =	vst v17;
	v17 =	vld.idx.msk [tilespmem:v2+s17+$0x0], $0xffff  }
0x2ca: {  	[tilespmem:s30+$0x200] =	vst v18;
	v18 =	vld.idx.msk [tilespmem:v5+s17+$0x0], $0xffff  }
0x2cb: {  	v22 =	vld.idx.msk [tilespmem:v15+s18+$0x0], $0xffff;
	[tilespmem:s30+$0x210] =	vst v19  }
0x2cc: {  	v19 =	vld.idx.msk [tilespmem:v8+s18+$0x0], $0xffff;
	[tilespmem:s30+$0x220] =	vst v20  }
0x2cd: {  	v20 =	vld.idx.msk [tilespmem:v11+s18+$0x0], $0xffff;
	[tilespmem:s30+$0x230] =	vst v21  }
0x2ce: {  	v21 =	vld.idx.msk [tilespmem:v12+s18+$0x0], $0xffff;
	[tilespmem:s30+$0x240] =	vst v16  }
0x2cf: {  	v16 =	vld.idx.msk [tilespmem:v13+s18+$0x0], $0xffff;
	[tilespmem:s30+$0x250] =	vst v17  }
0x2d0: {  	v17 =	vld.idx.msk [tilespmem:v14+s18+$0x0], $0xffff;
	[tilespmem:s30+$0x260] =	vst v18  }
0x2d1: {  	[tilespmem:s30+$0xFFFFFE80] =	vst v22;
	v18 =	vld.idx.msk [tilespmem:v9+s18+$0x0], $0xffff  }
0x2d2: {  	[tilespmem:s30+$0xFFFFFE90] =	vst v19;
	v19 =	vld.idx.msk [tilespmem:v6+s18+$0x0], $0xffff  }
0x2d3: {  	[tilespmem:s30+$0xFFFFFEA0] =	vst v20;
	v20 =	vld.idx.msk [tilespmem:v10+s18+$0x0], $0xffff  }
0x2d4: {  	[tilespmem:s30+$0xFFFFFEB0] =	vst v21;
	v21 =	vld.idx.msk [tilespmem:v7+s18+$0x0], $0xffff  }
0x2d5: {  	[tilespmem:s30+$0xFFFFFEC0] =	vst v16;
	v16 =	vld.idx.msk [tilespmem:v4+s18+$0x0], $0xffff  }
0x2d6: {  	[tilespmem:s30+$0xFFFFFED0] =	vst v17;
	v17 =	vld.idx.msk [tilespmem:v3+s18+$0x0], $0xffff  }
0x2d7: {  	[tilespmem:s30+$0xFFFFFEE0] =	vst v18;
	v18 =	vld.idx.msk [tilespmem:v1+s18+$0x0], $0xffff  }
0x2d8: {  	[tilespmem:s30+$0xFFFFFEF0] =	vst v19;
	v19 =	vld.idx.msk [tilespmem:v2+s18+$0x0], $0xffff  }
0x2d9: {  	[tilespmem:s30+$0x280] =	vst v20;
	v20 =	vld.idx.msk [tilespmem:v5+s18+$0x0], $0xffff  }
0x2da: {  	v22 =	vld.idx.msk [tilespmem:v15+s19+$0x0], $0xffff;
	[tilespmem:s30+$0x290] =	vst v21  }
0x2db: {  	v21 =	vld.idx.msk [tilespmem:v8+s19+$0x0], $0xffff;
	[tilespmem:s30+$0x2A0] =	vst v16  }
0x2dc: {  	v16 =	vld.idx.msk [tilespmem:v11+s19+$0x0], $0xffff;
	[tilespmem:s30+$0x2B0] =	vst v17  }
0x2dd: {  	v17 =	vld.idx.msk [tilespmem:v12+s19+$0x0], $0xffff;
	[tilespmem:s30+$0x2C0] =	vst v18  }
0x2de: {  	v18 =	vld.idx.msk [tilespmem:v13+s19+$0x0], $0xffff;
	[tilespmem:s30+$0x2D0] =	vst v19  }
0x2df: {  	v19 =	vld.idx.msk [tilespmem:v14+s19+$0x0], $0xffff;
	[tilespmem:s30+$0x2E0] =	vst v20  }
0x2e0: {  	[tilespmem:s30+$0xFFFFFF00] =	vst v22;
	v20 =	vld.idx.msk [tilespmem:v9+s19+$0x0], $0xffff  }
0x2e1: {  	[tilespmem:s30+$0xFFFFFF10] =	vst v21;
	v21 =	vld.idx.msk [tilespmem:v6+s19+$0x0], $0xffff  }
0x2e2: {  	[tilespmem:s30+$0xFFFFFF20] =	vst v16;
	v16 =	vld.idx.msk [tilespmem:v10+s19+$0x0], $0xffff  }
0x2e3: {  	[tilespmem:s30+$0xFFFFFF30] =	vst v17;
	v17 =	vld.idx.msk [tilespmem:v7+s19+$0x0], $0xffff  }
0x2e4: {  	[tilespmem:s30+$0xFFFFFF40] =	vst v18;
	v18 =	vld.idx.msk [tilespmem:v4+s19+$0x0], $0xffff  }
0x2e5: {  	[tilespmem:s30+$0xFFFFFF50] =	vst v19;
	v19 =	vld.idx.msk [tilespmem:v3+s19+$0x0], $0xffff  }
0x2e6: {  	[tilespmem:s30+$0xFFFFFF60] =	vst v20;
	v20 =	vld.idx.msk [tilespmem:v1+s19+$0x0], $0xffff  }
0x2e7: {  	[tilespmem:s30+$0xFFFFFF70] =	vst v21;
	v21 =	vld.idx.msk [tilespmem:v2+s19+$0x0], $0xffff  }
0x2e8: {  	[tilespmem:s30+$0x300] =	vst v16;
	v16 =	vld.idx.msk [tilespmem:v5+s19+$0x0], $0xffff  }
0x2e9: {  	v15 =	vld.idx.msk [tilespmem:v15+s20+$0x0], $0xffff;
	[tilespmem:s30+$0x310] =	vst v17  }
0x2ea: {  	v8 =	vld.idx.msk [tilespmem:v8+s20+$0x0], $0xffff;
	[tilespmem:s30+$0x320] =	vst v18  }
0x2eb: {  	v11 =	vld.idx.msk [tilespmem:v11+s20+$0x0], $0xffff;
	[tilespmem:s30+$0x330] =	vst v19  }
0x2ec: {  	v12 =	vld.idx.msk [tilespmem:v12+s20+$0x0], $0xffff;
	[tilespmem:s30+$0x340] =	vst v20  }
0x2ed: {  	v13 =	vld.idx.msk [tilespmem:v13+s20+$0x0], $0xffff;
	[tilespmem:s30+$0x350] =	vst v21  }
0x2ee: {  	v14 =	vld.idx.msk [tilespmem:v14+s20+$0x0], $0xffff;
	[tilespmem:s30+$0x360] =	vst v16  }
0x2ef: {  	[tilespmem:s30+$0xFFFFFF80] =	vst v15;
	v9 =	vld.idx.msk [tilespmem:v9+s20+$0x0], $0xffff  }
0x2f0: {  	[tilespmem:s30+$0xFFFFFF90] =	vst v8;
	v8 =	vld.idx.msk [tilespmem:v6+s20+$0x0], $0xffff  }
0x2f1: {  	[tilespmem:s30+$0xFFFFFFA0] =	vst v11;
	v10 =	vld.idx.msk [tilespmem:v10+s20+$0x0], $0xffff  }
0x2f2: {  	[tilespmem:s30+$0xFFFFFFB0] =	vst v12;
	v7 =	vld.idx.msk [tilespmem:v7+s20+$0x0], $0xffff  }
.Ltmp9:
0x2f3: {  	[tilespmem:s30+$0xFFFFFFC0] =	vst v13;
	v6 =	vld.idx.msk [tilespmem:v4+s20+$0x0], $0xffff;
	(pc) =	sbr.rel @p1 .LBB2_19-.Ltmp9, $4  }
0x2f4: {  	[tilespmem:s30+$0xFFFFFFD0] =	vst v14;
	v4 =	vld.idx.msk [tilespmem:v3+s20+$0x0], $0xffff  }
0x2f5: {  	[tilespmem:s30+$0xFFFFFFE0] =	vst v9;
	v3 =	vld.idx.msk [tilespmem:v1+s20+$0x0], $0xffff  }
0x2f6: {  	[tilespmem:s30+$0xFFFFFFF0] =	vst v8;
	v2 =	vld.idx.msk [tilespmem:v2+s20+$0x0], $0xffff  }
0x2f7: {  	s15 =	sadd.s32 $0x100, s15;
	[tilespmem:s30+$0x380] =	vst v10;
	v1 =	vld.idx.msk [tilespmem:v5+s20+$0x0], $0xffff  }
0x2f8: {  	[tilespmem:s30+$0x390] =	vst v7;
	s8 =	smul.u32 $0x180000, s8  }
0x2f9: {  	[tilespmem:s30+$0x3A0] =	vst v6;
	s1 =	sshll.u32 s2, $0x11  }
0x2fa: {  	[tilespmem:s30+$0x3B0] =	vst v4;
	s1 =	sadd.s32 s1, s8  }
0x2fb: {  	[tilespmem:s30+$0x3C0] =	vst v3;
	s1 =	sadd.s32 s24, s1  }
0x2fc: {  	[tilespmem:s30+$0x3D0] =	vst v2;
	s1 =	sshrl.u32 s1, $0x3  }
0x2fd: {  	s31 =	sadd.s32 s14, s22;
	[tilespmem:s30+$0x3E0] =	vst v1;
	s1 =	sadd.s32 s3, s1  }
0x2fe: {  	[hbm4b:s1+s4] =	stream.linear.scatter [tilespmem:s25], [sflag:$0x3], $0x4000, $0x38;
	[tilespmem:$0x1EA00] =	vst v63  }
0x2ff: {  	s6 =	simm.s32 @!p0 $0x4;
	s1 =	sshll.u32 s31, $0xD  }
0x300: {  	_ =	swait.ge @!p0 [sflag:s6], $0x4000;
	s0 =	sadd.s32 s0, s1  }
0x301: {  	[sflag:s6] =	ssyncset.done @!p0 $0x0;
	s0 =	sshra.s32 s0, $0x2  }
0x302: {  	[sflag:s6] =	ssyncadd.s32 @!p0 $0xFFFFC000;
	s15 =	sadd.s32 $0x80, s0  }
0x303: {  	v16 =	vld [tilespmem:s15+$0x70]  }
0x304: {  	v14 =	vld [tilespmem:s15+$0xFFFFFF90]  }
0x305: {  	v13 =	vld [tilespmem:s15+$0xFFFFFFA0]  }
0x306: {  	v12 =	vld [tilespmem:s15+$0xFFFFFFB0]  }
0x307: {  	v11 =	vld [tilespmem:s15+$0xFFFFFFC0]  }
0x308: {  	v10 =	vld [tilespmem:s15+$0xFFFFFFD0]  }
0x309: {  	v9 =	vld [tilespmem:s15+$0xFFFFFFE0]  }
0x30a: {  	v7 =	vld [tilespmem:s15+$0xFFFFFFF0]  }
0x30b: {  	v8 =	vld [tilespmem:s15+$0x0]  }
0x30c: {  	v6 =	vld [tilespmem:s15+$0x10]  }
0x30d: {  	v5 =	vld [tilespmem:s15+$0x20]  }
0x30e: {  	v3 =	vld [tilespmem:s15+$0x30]  }
0x30f: {  	v4 =	vld [tilespmem:s15+$0x40]  }
0x310: {  	v2 =	vld [tilespmem:s15+$0x50]  }
0x311: {  	v15 =	vld [tilespmem:s15+$0xFFFFFF80]  }
0x312: {  	v1 =	vld.idx.msk [tilespmem:v16+s9+$0x0], $0xffff  }
0x313: {  	v18 =	vld.idx.msk [tilespmem:v14+s9+$0x0], $0xffff  }
0x314: {  	v19 =	vld.idx.msk [tilespmem:v13+s9+$0x0], $0xffff  }
0x315: {  	v20 =	vld.idx.msk [tilespmem:v12+s9+$0x0], $0xffff  }
0x316: {  	v21 =	vld.idx.msk [tilespmem:v11+s9+$0x0], $0xffff  }
0x317: {  	v22 =	vld.idx.msk [tilespmem:v10+s9+$0x0], $0xffff  }
0x318: {  	s0 =	simm.s32 $0x1AE00;
	v47 =	vld.idx.msk [tilespmem:v9+s9+$0x0], $0xffff  }
0x319: {  	v23 =	vld.idx.msk [tilespmem:v15+s9+$0x0], $0xffff;
	[tilespmem:s0+$0x70] =	vst v1  }
0x31a: {  	v48 =	vld.idx.msk [tilespmem:v7+s9+$0x0], $0xffff;
	[tilespmem:s0+$0xFFFFFC10] =	vst v18  }
0x31b: {  	v49 =	vld.idx.msk [tilespmem:v8+s9+$0x0], $0xffff;
	[tilespmem:s0+$0xFFFFFC20] =	vst v19  }
0x31c: {  	v50 =	vld.idx.msk [tilespmem:v6+s9+$0x0], $0xffff;
	[tilespmem:s0+$0xFFFFFC30] =	vst v20  }
0x31d: {  	v51 =	vld.idx.msk [tilespmem:v5+s9+$0x0], $0xffff;
	[tilespmem:s0+$0xFFFFFC40] =	vst v21  }
0x31e: {  	v52 =	vld.idx.msk [tilespmem:v3+s9+$0x0], $0xffff;
	[tilespmem:s0+$0xFFFFFC50] =	vst v22  }
0x31f: {  	v53 =	vld.idx.msk [tilespmem:v4+s9+$0x0], $0xffff;
	[tilespmem:s0+$0xFFFFFC60] =	vst v47  }
0x320: {  	v54 =	vld.idx.msk [tilespmem:v2+s9+$0x0], $0xffff;
	[tilespmem:s0+$0xFFFFFC00] =	vst v23  }
0x321: {  	v1 =	vld [tilespmem:s15+$0x60];
	[tilespmem:s0+$0xFFFFFC70] =	vst v48  }
0x322: {  	[tilespmem:s0+$0x0] =	vst v49;
	v17 =	vld.idx.msk [tilespmem:v16+s10+$0x0], $0xffff  }
0x323: {  	[tilespmem:s0+$0x10] =	vst v50;
	v23 =	vld.idx.msk [tilespmem:v15+s10+$0x0], $0xffff  }
0x324: {  	[tilespmem:s0+$0x20] =	vst v51;
	v56 =	vld.idx.msk [tilespmem:v14+s10+$0x0], $0xffff  }
0x325: {  	[tilespmem:s0+$0x30] =	vst v52;
	v57 =	vld.idx.msk [tilespmem:v13+s10+$0x0], $0xffff  }
0x326: {  	[tilespmem:s0+$0x40] =	vst v53;
	v58 =	vld.idx.msk [tilespmem:v12+s10+$0x0], $0xffff  }
0x327: {  	[tilespmem:s0+$0x50] =	vst v54;
	v59 =	vld.idx.msk [tilespmem:v11+s10+$0x0], $0xffff  }
0x328: {  	v60 =	vld.idx.msk [tilespmem:v10+s10+$0x0], $0xffff;
	[tilespmem:s0+$0xF0] =	vst v17  }
0x329: {  	v61 =	vld.idx.msk [tilespmem:v9+s10+$0x0], $0xffff;
	[tilespmem:s0+$0xFFFFFC80] =	vst v23  }
0x32a: {  	v62 =	vld.idx.msk [tilespmem:v7+s10+$0x0], $0xffff;
	[tilespmem:s0+$0xFFFFFC90] =	vst v56  }
0x32b: {  	v63 =	vld.idx.msk [tilespmem:v8+s10+$0x0], $0xffff;
	[tilespmem:s0+$0xFFFFFCA0] =	vst v57  }
0x32c: {  	v24 =	vld.idx.msk [tilespmem:v6+s10+$0x0], $0xffff;
	[tilespmem:s0+$0xFFFFFCB0] =	vst v58  }
0x32d: {  	v25 =	vld.idx.msk [tilespmem:v5+s10+$0x0], $0xffff;
	[tilespmem:s0+$0xFFFFFCC0] =	vst v59  }
0x32e: {  	v26 =	vld.idx.msk [tilespmem:v3+s10+$0x0], $0xffff;
	[tilespmem:s0+$0xFFFFFCD0] =	vst v60  }
0x32f: {  	v27 =	vld.idx.msk [tilespmem:v4+s10+$0x0], $0xffff;
	[tilespmem:s0+$0xFFFFFCE0] =	vst v61  }
0x330: {  	v28 =	vld.idx.msk [tilespmem:v2+s10+$0x0], $0xffff;
	[tilespmem:s0+$0xFFFFFCF0] =	vst v62  }
0x331: {  	[tilespmem:s0+$0x80] =	vst v63;
	v17 =	vld.idx.msk [tilespmem:v16+s11+$0x0], $0xffff  }
0x332: {  	[tilespmem:s0+$0x90] =	vst v24;
	v30 =	vld.idx.msk [tilespmem:v15+s11+$0x0], $0xffff  }
0x333: {  	[tilespmem:s0+$0xA0] =	vst v25;
	v31 =	vld.idx.msk [tilespmem:v14+s11+$0x0], $0xffff  }
0x334: {  	[tilespmem:s0+$0xB0] =	vst v26;
	v32 =	vld.idx.msk [tilespmem:v13+s11+$0x0], $0xffff  }
0x335: {  	[tilespmem:s0+$0xC0] =	vst v27;
	v33 =	vld.idx.msk [tilespmem:v12+s11+$0x0], $0xffff  }
0x336: {  	[tilespmem:s0+$0xD0] =	vst v28;
	v34 =	vld.idx.msk [tilespmem:v11+s11+$0x0], $0xffff  }
0x337: {  	v35 =	vld.idx.msk [tilespmem:v10+s11+$0x0], $0xffff;
	[tilespmem:s0+$0x170] =	vst v17  }
0x338: {  	v36 =	vld.idx.msk [tilespmem:v9+s11+$0x0], $0xffff;
	[tilespmem:s0+$0xFFFFFD00] =	vst v30  }
0x339: {  	v37 =	vld.idx.msk [tilespmem:v7+s11+$0x0], $0xffff;
	[tilespmem:s0+$0xFFFFFD10] =	vst v31  }
0x33a: {  	v38 =	vld.idx.msk [tilespmem:v8+s11+$0x0], $0xffff;
	[tilespmem:s0+$0xFFFFFD20] =	vst v32  }
0x33b: {  	v39 =	vld.idx.msk [tilespmem:v6+s11+$0x0], $0xffff;
	[tilespmem:s0+$0xFFFFFD30] =	vst v33  }
0x33c: {  	v40 =	vld.idx.msk [tilespmem:v5+s11+$0x0], $0xffff;
	[tilespmem:s0+$0xFFFFFD40] =	vst v34  }
0x33d: {  	v41 =	vld.idx.msk [tilespmem:v3+s11+$0x0], $0xffff;
	[tilespmem:s0+$0xFFFFFD50] =	vst v35  }
0x33e: {  	v42 =	vld.idx.msk [tilespmem:v4+s11+$0x0], $0xffff;
	[tilespmem:s0+$0xFFFFFD60] =	vst v36  }
0x33f: {  	v43 =	vld.idx.msk [tilespmem:v2+s11+$0x0], $0xffff;
	[tilespmem:s0+$0xFFFFFD70] =	vst v37  }
0x340: {  	v55 =	vld.idx.msk [tilespmem:v1+s9+$0x0], $0xffff;
	[tilespmem:s0+$0x100] =	vst v38  }
0x341: {  	[tilespmem:s0+$0x110] =	vst v39;
	v17 =	vld.idx.msk [tilespmem:v16+s12+$0x0], $0xffff  }
0x342: {  	[tilespmem:s0+$0x120] =	vst v40;
	v45 =	vld.idx.msk [tilespmem:v15+s12+$0x0], $0xffff  }
0x343: {  	[tilespmem:s0+$0x130] =	vst v41;
	v46 =	vld.idx.msk [tilespmem:v14+s12+$0x0], $0xffff  }
0x344: {  	[tilespmem:s0+$0x140] =	vst v42;
	v47 =	vld.idx.msk [tilespmem:v13+s12+$0x0], $0xffff  }
0x345: {  	[tilespmem:s0+$0x150] =	vst v43;
	v48 =	vld.idx.msk [tilespmem:v12+s12+$0x0], $0xffff  }
0x346: {  	[tilespmem:s0+$0x60] =	vst v55;
	v49 =	vld.idx.msk [tilespmem:v11+s12+$0x0], $0xffff  }
0x347: {  	v50 =	vld.idx.msk [tilespmem:v10+s12+$0x0], $0xffff;
	[tilespmem:s0+$0x1F0] =	vst v17  }
0x348: {  	v51 =	vld.idx.msk [tilespmem:v9+s12+$0x0], $0xffff;
	[tilespmem:s0+$0xFFFFFD80] =	vst v45  }
0x349: {  	v52 =	vld.idx.msk [tilespmem:v7+s12+$0x0], $0xffff;
	[tilespmem:s0+$0xFFFFFD90] =	vst v46  }
0x34a: {  	v53 =	vld.idx.msk [tilespmem:v8+s12+$0x0], $0xffff;
	[tilespmem:s0+$0xFFFFFDA0] =	vst v47  }
0x34b: {  	v54 =	vld.idx.msk [tilespmem:v6+s12+$0x0], $0xffff;
	[tilespmem:s0+$0xFFFFFDB0] =	vst v48  }
0x34c: {  	v55 =	vld.idx.msk [tilespmem:v5+s12+$0x0], $0xffff;
	[tilespmem:s0+$0xFFFFFDC0] =	vst v49  }
0x34d: {  	v56 =	vld.idx.msk [tilespmem:v3+s12+$0x0], $0xffff;
	[tilespmem:s0+$0xFFFFFDD0] =	vst v50  }
0x34e: {  	v57 =	vld.idx.msk [tilespmem:v4+s12+$0x0], $0xffff;
	[tilespmem:s0+$0xFFFFFDE0] =	vst v51  }
0x34f: {  	v58 =	vld.idx.msk [tilespmem:v2+s12+$0x0], $0xffff;
	[tilespmem:s0+$0xFFFFFDF0] =	vst v52  }
0x350: {  	v29 =	vld.idx.msk [tilespmem:v1+s10+$0x0], $0xffff;
	[tilespmem:s0+$0x180] =	vst v53  }
0x351: {  	[tilespmem:s0+$0x190] =	vst v54;
	v17 =	vld.idx.msk [tilespmem:v16+s17+$0x0], $0xffff  }
0x352: {  	[tilespmem:s0+$0x1A0] =	vst v55;
	v60 =	vld.idx.msk [tilespmem:v15+s17+$0x0], $0xffff  }
0x353: {  	[tilespmem:s0+$0x1B0] =	vst v56;
	v61 =	vld.idx.msk [tilespmem:v14+s17+$0x0], $0xffff  }
0x354: {  	[tilespmem:s0+$0x1C0] =	vst v57;
	v62 =	vld.idx.msk [tilespmem:v13+s17+$0x0], $0xffff  }
0x355: {  	[tilespmem:s0+$0x1D0] =	vst v58;
	v63 =	vld.idx.msk [tilespmem:v12+s17+$0x0], $0xffff  }
0x356: {  	[tilespmem:s0+$0xE0] =	vst v29;
	v24 =	vld.idx.msk [tilespmem:v11+s17+$0x0], $0xffff  }
0x357: {  	v25 =	vld.idx.msk [tilespmem:v10+s17+$0x0], $0xffff;
	[tilespmem:s0+$0x270] =	vst v17  }
0x358: {  	v26 =	vld.idx.msk [tilespmem:v9+s17+$0x0], $0xffff;
	[tilespmem:s0+$0xFFFFFE00] =	vst v60  }
0x359: {  	v27 =	vld.idx.msk [tilespmem:v7+s17+$0x0], $0xffff;
	[tilespmem:s0+$0xFFFFFE10] =	vst v61  }
0x35a: {  	v28 =	vld.idx.msk [tilespmem:v8+s17+$0x0], $0xffff;
	[tilespmem:s0+$0xFFFFFE20] =	vst v62  }
0x35b: {  	v29 =	vld.idx.msk [tilespmem:v6+s17+$0x0], $0xffff;
	[tilespmem:s0+$0xFFFFFE30] =	vst v63  }
0x35c: {  	v30 =	vld.idx.msk [tilespmem:v5+s17+$0x0], $0xffff;
	[tilespmem:s0+$0xFFFFFE40] =	vst v24  }
0x35d: {  	v31 =	vld.idx.msk [tilespmem:v3+s17+$0x0], $0xffff;
	[tilespmem:s0+$0xFFFFFE50] =	vst v25  }
0x35e: {  	v32 =	vld.idx.msk [tilespmem:v4+s17+$0x0], $0xffff;
	[tilespmem:s0+$0xFFFFFE60] =	vst v26  }
0x35f: {  	v33 =	vld.idx.msk [tilespmem:v2+s17+$0x0], $0xffff;
	[tilespmem:s0+$0xFFFFFE70] =	vst v27  }
0x360: {  	v44 =	vld.idx.msk [tilespmem:v1+s11+$0x0], $0xffff;
	[tilespmem:s0+$0x200] =	vst v28  }
0x361: {  	[tilespmem:s0+$0x210] =	vst v29;
	v17 =	vld.idx.msk [tilespmem:v16+s18+$0x0], $0xffff  }
0x362: {  	[tilespmem:s0+$0x220] =	vst v30;
	v22 =	vld.idx.msk [tilespmem:v15+s18+$0x0], $0xffff  }
0x363: {  	[tilespmem:s0+$0x230] =	vst v31;
	v35 =	vld.idx.msk [tilespmem:v14+s18+$0x0], $0xffff  }
0x364: {  	[tilespmem:s0+$0x240] =	vst v32;
	v36 =	vld.idx.msk [tilespmem:v13+s18+$0x0], $0xffff  }
0x365: {  	[tilespmem:s0+$0x250] =	vst v33;
	v37 =	vld.idx.msk [tilespmem:v12+s18+$0x0], $0xffff  }
0x366: {  	[tilespmem:s0+$0x160] =	vst v44;
	v38 =	vld.idx.msk [tilespmem:v11+s18+$0x0], $0xffff  }
0x367: {  	v39 =	vld.idx.msk [tilespmem:v10+s18+$0x0], $0xffff;
	[tilespmem:s0+$0x2F0] =	vst v17  }
0x368: {  	v40 =	vld.idx.msk [tilespmem:v9+s18+$0x0], $0xffff;
	[tilespmem:s0+$0xFFFFFE80] =	vst v22  }
0x369: {  	v41 =	vld.idx.msk [tilespmem:v7+s18+$0x0], $0xffff;
	[tilespmem:s0+$0xFFFFFE90] =	vst v35  }
0x36a: {  	v42 =	vld.idx.msk [tilespmem:v8+s18+$0x0], $0xffff;
	[tilespmem:s0+$0xFFFFFEA0] =	vst v36  }
0x36b: {  	v43 =	vld.idx.msk [tilespmem:v6+s18+$0x0], $0xffff;
	[tilespmem:s0+$0xFFFFFEB0] =	vst v37  }
0x36c: {  	v44 =	vld.idx.msk [tilespmem:v5+s18+$0x0], $0xffff;
	[tilespmem:s0+$0xFFFFFEC0] =	vst v38  }
0x36d: {  	v45 =	vld.idx.msk [tilespmem:v3+s18+$0x0], $0xffff;
	[tilespmem:s0+$0xFFFFFED0] =	vst v39  }
0x36e: {  	v46 =	vld.idx.msk [tilespmem:v4+s18+$0x0], $0xffff;
	[tilespmem:s0+$0xFFFFFEE0] =	vst v40  }
0x36f: {  	v47 =	vld.idx.msk [tilespmem:v2+s18+$0x0], $0xffff;
	[tilespmem:s0+$0xFFFFFEF0] =	vst v41  }
0x370: {  	v59 =	vld.idx.msk [tilespmem:v1+s12+$0x0], $0xffff;
	[tilespmem:s0+$0x280] =	vst v42  }
0x371: {  	[tilespmem:s0+$0x290] =	vst v43;
	v17 =	vld.idx.msk [tilespmem:v16+s19+$0x0], $0xffff  }
0x372: {  	[tilespmem:s0+$0x2A0] =	vst v44;
	v22 =	vld.idx.msk [tilespmem:v15+s19+$0x0], $0xffff  }
0x373: {  	[tilespmem:s0+$0x2B0] =	vst v45;
	v49 =	vld.idx.msk [tilespmem:v14+s19+$0x0], $0xffff  }
0x374: {  	[tilespmem:s0+$0x2C0] =	vst v46;
	v50 =	vld.idx.msk [tilespmem:v13+s19+$0x0], $0xffff  }
0x375: {  	[tilespmem:s0+$0x2D0] =	vst v47;
	v51 =	vld.idx.msk [tilespmem:v12+s19+$0x0], $0xffff  }
0x376: {  	[tilespmem:s0+$0x1E0] =	vst v59;
	v52 =	vld.idx.msk [tilespmem:v11+s19+$0x0], $0xffff  }
0x377: {  	v53 =	vld.idx.msk [tilespmem:v10+s19+$0x0], $0xffff;
	[tilespmem:s0+$0x370] =	vst v17  }
0x378: {  	v54 =	vld.idx.msk [tilespmem:v9+s19+$0x0], $0xffff;
	[tilespmem:s0+$0xFFFFFF00] =	vst v22  }
0x379: {  	v55 =	vld.idx.msk [tilespmem:v7+s19+$0x0], $0xffff;
	[tilespmem:s0+$0xFFFFFF10] =	vst v49  }
0x37a: {  	v56 =	vld.idx.msk [tilespmem:v8+s19+$0x0], $0xffff;
	[tilespmem:s0+$0xFFFFFF20] =	vst v50  }
0x37b: {  	v57 =	vld.idx.msk [tilespmem:v6+s19+$0x0], $0xffff;
	[tilespmem:s0+$0xFFFFFF30] =	vst v51  }
0x37c: {  	v58 =	vld.idx.msk [tilespmem:v5+s19+$0x0], $0xffff;
	[tilespmem:s0+$0xFFFFFF40] =	vst v52  }
0x37d: {  	v59 =	vld.idx.msk [tilespmem:v3+s19+$0x0], $0xffff;
	[tilespmem:s0+$0xFFFFFF50] =	vst v53  }
0x37e: {  	v60 =	vld.idx.msk [tilespmem:v4+s19+$0x0], $0xffff;
	[tilespmem:s0+$0xFFFFFF60] =	vst v54  }
0x37f: {  	v61 =	vld.idx.msk [tilespmem:v2+s19+$0x0], $0xffff;
	[tilespmem:s0+$0xFFFFFF70] =	vst v55  }
0x380: {  	v34 =	vld.idx.msk [tilespmem:v1+s17+$0x0], $0xffff;
	[tilespmem:s0+$0x300] =	vst v56  }
0x381: {  	[tilespmem:s0+$0x310] =	vst v57;
	v16 =	vld.idx.msk [tilespmem:v16+s20+$0x0], $0xffff  }
0x382: {  	[tilespmem:s0+$0x320] =	vst v58;
	v15 =	vld.idx.msk [tilespmem:v15+s20+$0x0], $0xffff  }
0x383: {  	[tilespmem:s0+$0x330] =	vst v59;
	v14 =	vld.idx.msk [tilespmem:v14+s20+$0x0], $0xffff  }
0x384: {  	[tilespmem:s0+$0x340] =	vst v60;
	v13 =	vld.idx.msk [tilespmem:v13+s20+$0x0], $0xffff  }
0x385: {  	[tilespmem:s0+$0x260] =	vst v34;
	v12 =	vld.idx.msk [tilespmem:v12+s20+$0x0], $0xffff  }
0x386: {  	[tilespmem:s0+$0x350] =	vst v61;
	v48 =	vld.idx.msk [tilespmem:v1+s18+$0x0], $0xffff  }
0x387: {  	v11 =	vld.idx.msk [tilespmem:v11+s20+$0x0], $0xffff;
	[tilespmem:s0+$0x3F0] =	vst v16  }
0x388: {  	v10 =	vld.idx.msk [tilespmem:v10+s20+$0x0], $0xffff;
	[tilespmem:s0+$0xFFFFFF80] =	vst v15  }
0x389: {  	v9 =	vld.idx.msk [tilespmem:v9+s20+$0x0], $0xffff;
	[tilespmem:s0+$0xFFFFFF90] =	vst v14  }
0x38a: {  	v63 =	vld.idx.msk [tilespmem:v7+s20+$0x0], $0xffff;
	[tilespmem:s0+$0xFFFFFFA0] =	vst v13  }
0x38b: {  	v8 =	vld.idx.msk [tilespmem:v8+s20+$0x0], $0xffff;
	[tilespmem:s0+$0x2E0] =	vst v48  }
0x38c: {  	[tilespmem:s0+$0xFFFFFFB0] =	vst v12;
	v62 =	vld.idx.msk [tilespmem:v1+s19+$0x0], $0xffff  }
0x38d: {  	v6 =	vld.idx.msk [tilespmem:v6+s20+$0x0], $0xffff;
	[tilespmem:s0+$0xFFFFFFC0] =	vst v11  }
0x38e: {  	v7 =	vld.idx.msk [tilespmem:v5+s20+$0x0], $0xffff;
	[tilespmem:s0+$0xFFFFFFD0] =	vst v10  }
0x38f: {  	v3 =	vld.idx.msk [tilespmem:v3+s20+$0x0], $0xffff;
	[tilespmem:s0+$0xFFFFFFE0] =	vst v9  }
0x390: {  	v4 =	vld.idx.msk [tilespmem:v4+s20+$0x0], $0xffff;
	[tilespmem:s0+$0xFFFFFFF0] =	vst v63  }
0x391: {  	v2 =	vld.idx.msk [tilespmem:v2+s20+$0x0], $0xffff;
	[tilespmem:s0+$0x360] =	vst v62  }
0x392: {  	s2 =	sadd.s32 $0x1, s2;
	s22 =	simm.s32 $0x0;
	s15 =	sadd.s32 $0x100, s15;
	[tilespmem:s0+$0x380] =	vst v8;
	v1 =	vld.idx.msk [tilespmem:v1+s20+$0x0], $0xffff  }
.LBB2_21:
0x393: {  	v16 =	vld [tilespmem:s15+$0x70];
	s22 =	sadd.s32 $0x10, s22;
	[tilespmem:s0+$0x390] =	vst v6  }
0x394: {  	v8 =	vld [tilespmem:s15+$0xFFFFFF90];
	p0 =	slt.u32 s22, $0x70;
	[tilespmem:s0+$0x3A0] =	vst v7  }
0x395: {  	v11 =	vld [tilespmem:s15+$0xFFFFFFA0];
	[tilespmem:s0+$0x3B0] =	vst v3  }
0x396: {  	v12 =	vld [tilespmem:s15+$0xFFFFFFB0];
	[tilespmem:s0+$0x3C0] =	vst v4  }
0x397: {  	v13 =	vld [tilespmem:s15+$0xFFFFFFC0];
	[tilespmem:s0+$0x3D0] =	vst v2  }
0x398: {  	v14 =	vld [tilespmem:s15+$0xFFFFFFD0];
	[tilespmem:s0+$0x3E0] =	vst v1  }
0x399: {  	v9 =	vld [tilespmem:s15+$0xFFFFFFE0]  }
0x39a: {  	v6 =	vld [tilespmem:s15+$0xFFFFFFF0]  }
0x39b: {  	v5 =	vld.idx.msk [tilespmem:v16+s9+$0x0], $0xffff  }
0x39c: {  	v10 =	vld [tilespmem:s15+$0x0]  }
0x39d: {  	v7 =	vld [tilespmem:s15+$0x10]  }
0x39e: {  	v4 =	vld [tilespmem:s15+$0x20]  }
0x39f: {  	v3 =	vld [tilespmem:s15+$0x30]  }
0x3a0: {  	s0 =	sadd.s32 $0x800, s0;
	v1 =	vld [tilespmem:s15+$0x40]  }
0x3a1: {  	v2 =	vld [tilespmem:s15+$0x50];
	[tilespmem:s0+$0x70] =	vst v5  }
0x3a2: {  	v17 =	vld.idx.msk [tilespmem:v16+s10+$0x0], $0xffff  }
0x3a3: {  	v5 =	vld [tilespmem:s15+$0x60]  }
0x3a4: {  	v15 =	vld [tilespmem:s15+$0xFFFFFF80]  }
0x3a5: {  	v18 =	vld.idx.msk [tilespmem:v8+s9+$0x0], $0xffff  }
0x3a6: {  	v19 =	vld.idx.msk [tilespmem:v11+s9+$0x0], $0xffff  }
0x3a7: {  	v20 =	vld.idx.msk [tilespmem:v12+s9+$0x0], $0xffff  }
0x3a8: {  	v21 =	vld.idx.msk [tilespmem:v13+s9+$0x0], $0xffff;
	[tilespmem:s0+$0xF0] =	vst v17  }
0x3a9: {  	v17 =	vld.idx.msk [tilespmem:v16+s11+$0x0], $0xffff  }
0x3aa: {  	v22 =	vld.idx.msk [tilespmem:v14+s9+$0x0], $0xffff  }
0x3ab: {  	[tilespmem:s0+$0xFFFFFC10] =	vst v18;
	v18 =	vld.idx.msk [tilespmem:v9+s9+$0x0], $0xffff  }
0x3ac: {  	v23 =	vld.idx.msk [tilespmem:v15+s9+$0x0], $0xffff;
	[tilespmem:s0+$0xFFFFFC20] =	vst v19  }
0x3ad: {  	[tilespmem:s0+$0xFFFFFC30] =	vst v20;
	v19 =	vld.idx.msk [tilespmem:v6+s9+$0x0], $0xffff  }
0x3ae: {  	[tilespmem:s0+$0xFFFFFC40] =	vst v21;
	v20 =	vld.idx.msk [tilespmem:v10+s9+$0x0], $0xffff  }
0x3af: {  	v21 =	vld.idx.msk [tilespmem:v7+s9+$0x0], $0xffff;
	[tilespmem:s0+$0x170] =	vst v17  }
0x3b0: {  	[tilespmem:s0+$0xFFFFFC50] =	vst v22;
	v17 =	vld.idx.msk [tilespmem:v16+s12+$0x0], $0xffff  }
0x3b1: {  	[tilespmem:s0+$0xFFFFFC60] =	vst v18;
	v18 =	vld.idx.msk [tilespmem:v4+s9+$0x0], $0xffff  }
0x3b2: {  	[tilespmem:s0+$0xFFFFFC00] =	vst v23;
	v22 =	vld.idx.msk [tilespmem:v3+s9+$0x0], $0xffff  }
0x3b3: {  	[tilespmem:s0+$0xFFFFFC70] =	vst v19;
	v19 =	vld.idx.msk [tilespmem:v1+s9+$0x0], $0xffff  }
0x3b4: {  	[tilespmem:s0+$0x0] =	vst v20;
	v20 =	vld.idx.msk [tilespmem:v2+s9+$0x0], $0xffff  }
0x3b5: {  	[tilespmem:s0+$0x10] =	vst v21;
	v21 =	vld.idx.msk [tilespmem:v5+s9+$0x0], $0xffff  }
0x3b6: {  	v23 =	vld.idx.msk [tilespmem:v15+s10+$0x0], $0xffff;
	[tilespmem:s0+$0x1F0] =	vst v17  }
0x3b7: {  	[tilespmem:s0+$0x20] =	vst v18;
	v17 =	vld.idx.msk [tilespmem:v16+s17+$0x0], $0xffff  }
0x3b8: {  	v18 =	vld.idx.msk [tilespmem:v8+s10+$0x0], $0xffff;
	[tilespmem:s0+$0x30] =	vst v22  }
0x3b9: {  	v22 =	vld.idx.msk [tilespmem:v11+s10+$0x0], $0xffff;
	[tilespmem:s0+$0x40] =	vst v19  }
0x3ba: {  	v19 =	vld.idx.msk [tilespmem:v12+s10+$0x0], $0xffff;
	[tilespmem:s0+$0x50] =	vst v20  }
0x3bb: {  	v20 =	vld.idx.msk [tilespmem:v13+s10+$0x0], $0xffff;
	[tilespmem:s0+$0x60] =	vst v21  }
0x3bc: {  	[tilespmem:s0+$0xFFFFFC80] =	vst v23;
	v21 =	vld.idx.msk [tilespmem:v14+s10+$0x0], $0xffff  }
0x3bd: {  	v23 =	vld.idx.msk [tilespmem:v9+s10+$0x0], $0xffff;
	[tilespmem:s0+$0x270] =	vst v17  }
0x3be: {  	[tilespmem:s0+$0xFFFFFC90] =	vst v18;
	v17 =	vld.idx.msk [tilespmem:v16+s18+$0x0], $0xffff  }
0x3bf: {  	[tilespmem:s0+$0xFFFFFCA0] =	vst v22;
	v18 =	vld.idx.msk [tilespmem:v6+s10+$0x0], $0xffff  }
0x3c0: {  	[tilespmem:s0+$0xFFFFFCB0] =	vst v19;
	v19 =	vld.idx.msk [tilespmem:v10+s10+$0x0], $0xffff  }
0x3c1: {  	[tilespmem:s0+$0xFFFFFCC0] =	vst v20;
	v20 =	vld.idx.msk [tilespmem:v7+s10+$0x0], $0xffff  }
0x3c2: {  	[tilespmem:s0+$0xFFFFFCD0] =	vst v21;
	v21 =	vld.idx.msk [tilespmem:v4+s10+$0x0], $0xffff  }
0x3c3: {  	[tilespmem:s0+$0xFFFFFCE0] =	vst v23;
	v22 =	vld.idx.msk [tilespmem:v3+s10+$0x0], $0xffff  }
0x3c4: {  	v23 =	vld.idx.msk [tilespmem:v1+s10+$0x0], $0xffff;
	[tilespmem:s0+$0x2F0] =	vst v17  }
0x3c5: {  	[tilespmem:s0+$0xFFFFFCF0] =	vst v18;
	v17 =	vld.idx.msk [tilespmem:v16+s19+$0x0], $0xffff  }
0x3c6: {  	[tilespmem:s0+$0x80] =	vst v19;
	v18 =	vld.idx.msk [tilespmem:v2+s10+$0x0], $0xffff  }
0x3c7: {  	[tilespmem:s0+$0x90] =	vst v20;
	v19 =	vld.idx.msk [tilespmem:v5+s10+$0x0], $0xffff  }
0x3c8: {  	v20 =	vld.idx.msk [tilespmem:v15+s11+$0x0], $0xffff;
	[tilespmem:s0+$0xA0] =	vst v21  }
0x3c9: {  	v21 =	vld.idx.msk [tilespmem:v8+s11+$0x0], $0xffff;
	[tilespmem:s0+$0xB0] =	vst v22  }
0x3ca: {  	v22 =	vld.idx.msk [tilespmem:v11+s11+$0x0], $0xffff;
	[tilespmem:s0+$0xC0] =	vst v23  }
0x3cb: {  	v23 =	vld.idx.msk [tilespmem:v12+s11+$0x0], $0xffff;
	[tilespmem:s0+$0x370] =	vst v17  }
0x3cc: {  	[tilespmem:s0+$0xD0] =	vst v18;
	v16 =	vld.idx.msk [tilespmem:v16+s20+$0x0], $0xffff  }
0x3cd: {  	v17 =	vld.idx.msk [tilespmem:v13+s11+$0x0], $0xffff;
	[tilespmem:s0+$0xE0] =	vst v19  }
0x3ce: {  	[tilespmem:s0+$0xFFFFFD00] =	vst v20;
	v18 =	vld.idx.msk [tilespmem:v14+s11+$0x0], $0xffff  }
0x3cf: {  	[tilespmem:s0+$0xFFFFFD10] =	vst v21;
	v19 =	vld.idx.msk [tilespmem:v9+s11+$0x0], $0xffff  }
0x3d0: {  	[tilespmem:s0+$0xFFFFFD20] =	vst v22;
	v20 =	vld.idx.msk [tilespmem:v6+s11+$0x0], $0xffff  }
0x3d1: {  	[tilespmem:s0+$0xFFFFFD30] =	vst v23;
	v21 =	vld.idx.msk [tilespmem:v10+s11+$0x0], $0xffff  }
0x3d2: {  	v22 =	vld.idx.msk [tilespmem:v7+s11+$0x0], $0xffff;
	[tilespmem:s0+$0x3F0] =	vst v16  }
0x3d3: {  	[tilespmem:s0+$0xFFFFFD40] =	vst v17;
	v16 =	vld.idx.msk [tilespmem:v4+s11+$0x0], $0xffff  }
0x3d4: {  	[tilespmem:s0+$0xFFFFFD50] =	vst v18;
	v17 =	vld.idx.msk [tilespmem:v3+s11+$0x0], $0xffff  }
0x3d5: {  	[tilespmem:s0+$0xFFFFFD60] =	vst v19;
	v18 =	vld.idx.msk [tilespmem:v1+s11+$0x0], $0xffff  }
0x3d6: {  	[tilespmem:s0+$0xFFFFFD70] =	vst v20;
	v19 =	vld.idx.msk [tilespmem:v2+s11+$0x0], $0xffff  }
0x3d7: {  	[tilespmem:s0+$0x100] =	vst v21;
	v20 =	vld.idx.msk [tilespmem:v5+s11+$0x0], $0xffff  }
0x3d8: {  	v21 =	vld.idx.msk [tilespmem:v15+s12+$0x0], $0xffff;
	[tilespmem:s0+$0x110] =	vst v22  }
0x3d9: {  	v22 =	vld.idx.msk [tilespmem:v8+s12+$0x0], $0xffff;
	[tilespmem:s0+$0x120] =	vst v16  }
0x3da: {  	v16 =	vld.idx.msk [tilespmem:v11+s12+$0x0], $0xffff;
	[tilespmem:s0+$0x130] =	vst v17  }
0x3db: {  	v17 =	vld.idx.msk [tilespmem:v12+s12+$0x0], $0xffff;
	[tilespmem:s0+$0x140] =	vst v18  }
0x3dc: {  	v18 =	vld.idx.msk [tilespmem:v13+s12+$0x0], $0xffff;
	[tilespmem:s0+$0x150] =	vst v19  }
0x3dd: {  	v19 =	vld.idx.msk [tilespmem:v14+s12+$0x0], $0xffff;
	[tilespmem:s0+$0x160] =	vst v20  }
0x3de: {  	[tilespmem:s0+$0xFFFFFD80] =	vst v21;
	v20 =	vld.idx.msk [tilespmem:v9+s12+$0x0], $0xffff  }
0x3df: {  	[tilespmem:s0+$0xFFFFFD90] =	vst v22;
	v21 =	vld.idx.msk [tilespmem:v6+s12+$0x0], $0xffff  }
0x3e0: {  	[tilespmem:s0+$0xFFFFFDA0] =	vst v16;
	v16 =	vld.idx.msk [tilespmem:v10+s12+$0x0], $0xffff  }
0x3e1: {  	[tilespmem:s0+$0xFFFFFDB0] =	vst v17;
	v17 =	vld.idx.msk [tilespmem:v7+s12+$0x0], $0xffff  }
0x3e2: {  	[tilespmem:s0+$0xFFFFFDC0] =	vst v18;
	v18 =	vld.idx.msk [tilespmem:v4+s12+$0x0], $0xffff  }
0x3e3: {  	[tilespmem:s0+$0xFFFFFDD0] =	vst v19;
	v19 =	vld.idx.msk [tilespmem:v3+s12+$0x0], $0xffff  }
0x3e4: {  	[tilespmem:s0+$0xFFFFFDE0] =	vst v20;
	v20 =	vld.idx.msk [tilespmem:v1+s12+$0x0], $0xffff  }
0x3e5: {  	[tilespmem:s0+$0xFFFFFDF0] =	vst v21;
	v21 =	vld.idx.msk [tilespmem:v2+s12+$0x0], $0xffff  }
0x3e6: {  	[tilespmem:s0+$0x180] =	vst v16;
	v16 =	vld.idx.msk [tilespmem:v5+s12+$0x0], $0xffff  }
0x3e7: {  	v22 =	vld.idx.msk [tilespmem:v15+s17+$0x0], $0xffff;
	[tilespmem:s0+$0x190] =	vst v17  }
0x3e8: {  	v17 =	vld.idx.msk [tilespmem:v8+s17+$0x0], $0xffff;
	[tilespmem:s0+$0x1A0] =	vst v18  }
0x3e9: {  	v18 =	vld.idx.msk [tilespmem:v11+s17+$0x0], $0xffff;
	[tilespmem:s0+$0x1B0] =	vst v19  }
0x3ea: {  	v19 =	vld.idx.msk [tilespmem:v12+s17+$0x0], $0xffff;
	[tilespmem:s0+$0x1C0] =	vst v20  }
0x3eb: {  	v20 =	vld.idx.msk [tilespmem:v13+s17+$0x0], $0xffff;
	[tilespmem:s0+$0x1D0] =	vst v21  }
0x3ec: {  	v21 =	vld.idx.msk [tilespmem:v14+s17+$0x0], $0xffff;
	[tilespmem:s0+$0x1E0] =	vst v16  }
0x3ed: {  	[tilespmem:s0+$0xFFFFFE00] =	vst v22;
	v16 =	vld.idx.msk [tilespmem:v9+s17+$0x0], $0xffff  }
0x3ee: {  	[tilespmem:s0+$0xFFFFFE10] =	vst v17;
	v17 =	vld.idx.msk [tilespmem:v6+s17+$0x0], $0xffff  }
0x3ef: {  	[tilespmem:s0+$0xFFFFFE20] =	vst v18;
	v18 =	vld.idx.msk [tilespmem:v10+s17+$0x0], $0xffff  }
0x3f0: {  	[tilespmem:s0+$0xFFFFFE30] =	vst v19;
	v19 =	vld.idx.msk [tilespmem:v7+s17+$0x0], $0xffff  }
0x3f1: {  	[tilespmem:s0+$0xFFFFFE40] =	vst v20;
	v20 =	vld.idx.msk [tilespmem:v4+s17+$0x0], $0xffff  }
0x3f2: {  	[tilespmem:s0+$0xFFFFFE50] =	vst v21;
	v21 =	vld.idx.msk [tilespmem:v3+s17+$0x0], $0xffff  }
0x3f3: {  	[tilespmem:s0+$0xFFFFFE60] =	vst v16;
	v16 =	vld.idx.msk [tilespmem:v1+s17+$0x0], $0xffff  }
0x3f4: {  	[tilespmem:s0+$0xFFFFFE70] =	vst v17;
	v17 =	vld.idx.msk [tilespmem:v2+s17+$0x0], $0xffff  }
0x3f5: {  	[tilespmem:s0+$0x200] =	vst v18;
	v18 =	vld.idx.msk [tilespmem:v5+s17+$0x0], $0xffff  }
0x3f6: {  	v22 =	vld.idx.msk [tilespmem:v15+s18+$0x0], $0xffff;
	[tilespmem:s0+$0x210] =	vst v19  }
0x3f7: {  	v19 =	vld.idx.msk [tilespmem:v8+s18+$0x0], $0xffff;
	[tilespmem:s0+$0x220] =	vst v20  }
0x3f8: {  	v20 =	vld.idx.msk [tilespmem:v11+s18+$0x0], $0xffff;
	[tilespmem:s0+$0x230] =	vst v21  }
0x3f9: {  	v21 =	vld.idx.msk [tilespmem:v12+s18+$0x0], $0xffff;
	[tilespmem:s0+$0x240] =	vst v16  }
0x3fa: {  	v16 =	vld.idx.msk [tilespmem:v13+s18+$0x0], $0xffff;
	[tilespmem:s0+$0x250] =	vst v17  }
0x3fb: {  	v17 =	vld.idx.msk [tilespmem:v14+s18+$0x0], $0xffff;
	[tilespmem:s0+$0x260] =	vst v18  }
0x3fc: {  	[tilespmem:s0+$0xFFFFFE80] =	vst v22;
	v18 =	vld.idx.msk [tilespmem:v9+s18+$0x0], $0xffff  }
0x3fd: {  	[tilespmem:s0+$0xFFFFFE90] =	vst v19;
	v19 =	vld.idx.msk [tilespmem:v6+s18+$0x0], $0xffff  }
0x3fe: {  	[tilespmem:s0+$0xFFFFFEA0] =	vst v20;
	v20 =	vld.idx.msk [tilespmem:v10+s18+$0x0], $0xffff  }
0x3ff: {  	[tilespmem:s0+$0xFFFFFEB0] =	vst v21;
	v21 =	vld.idx.msk [tilespmem:v7+s18+$0x0], $0xffff  }
0x400: {  	[tilespmem:s0+$0xFFFFFEC0] =	vst v16;
	v16 =	vld.idx.msk [tilespmem:v4+s18+$0x0], $0xffff  }
0x401: {  	[tilespmem:s0+$0xFFFFFED0] =	vst v17;
	v17 =	vld.idx.msk [tilespmem:v3+s18+$0x0], $0xffff  }
0x402: {  	[tilespmem:s0+$0xFFFFFEE0] =	vst v18;
	v18 =	vld.idx.msk [tilespmem:v1+s18+$0x0], $0xffff  }
0x403: {  	[tilespmem:s0+$0xFFFFFEF0] =	vst v19;
	v19 =	vld.idx.msk [tilespmem:v2+s18+$0x0], $0xffff  }
0x404: {  	[tilespmem:s0+$0x280] =	vst v20;
	v20 =	vld.idx.msk [tilespmem:v5+s18+$0x0], $0xffff  }
0x405: {  	v22 =	vld.idx.msk [tilespmem:v15+s19+$0x0], $0xffff;
	[tilespmem:s0+$0x290] =	vst v21  }
0x406: {  	v21 =	vld.idx.msk [tilespmem:v8+s19+$0x0], $0xffff;
	[tilespmem:s0+$0x2A0] =	vst v16  }
0x407: {  	v16 =	vld.idx.msk [tilespmem:v11+s19+$0x0], $0xffff;
	[tilespmem:s0+$0x2B0] =	vst v17  }
0x408: {  	v17 =	vld.idx.msk [tilespmem:v12+s19+$0x0], $0xffff;
	[tilespmem:s0+$0x2C0] =	vst v18  }
0x409: {  	v18 =	vld.idx.msk [tilespmem:v13+s19+$0x0], $0xffff;
	[tilespmem:s0+$0x2D0] =	vst v19  }
0x40a: {  	v19 =	vld.idx.msk [tilespmem:v14+s19+$0x0], $0xffff;
	[tilespmem:s0+$0x2E0] =	vst v20  }
0x40b: {  	[tilespmem:s0+$0xFFFFFF00] =	vst v22;
	v20 =	vld.idx.msk [tilespmem:v9+s19+$0x0], $0xffff  }
0x40c: {  	[tilespmem:s0+$0xFFFFFF10] =	vst v21;
	v21 =	vld.idx.msk [tilespmem:v6+s19+$0x0], $0xffff  }
0x40d: {  	[tilespmem:s0+$0xFFFFFF20] =	vst v16;
	v16 =	vld.idx.msk [tilespmem:v10+s19+$0x0], $0xffff  }
0x40e: {  	[tilespmem:s0+$0xFFFFFF30] =	vst v17;
	v17 =	vld.idx.msk [tilespmem:v7+s19+$0x0], $0xffff  }
0x40f: {  	[tilespmem:s0+$0xFFFFFF40] =	vst v18;
	v18 =	vld.idx.msk [tilespmem:v4+s19+$0x0], $0xffff  }
0x410: {  	[tilespmem:s0+$0xFFFFFF50] =	vst v19;
	v19 =	vld.idx.msk [tilespmem:v3+s19+$0x0], $0xffff  }
0x411: {  	[tilespmem:s0+$0xFFFFFF60] =	vst v20;
	v20 =	vld.idx.msk [tilespmem:v1+s19+$0x0], $0xffff  }
0x412: {  	[tilespmem:s0+$0xFFFFFF70] =	vst v21;
	v21 =	vld.idx.msk [tilespmem:v2+s19+$0x0], $0xffff  }
0x413: {  	[tilespmem:s0+$0x300] =	vst v16;
	v16 =	vld.idx.msk [tilespmem:v5+s19+$0x0], $0xffff  }
0x414: {  	v15 =	vld.idx.msk [tilespmem:v15+s20+$0x0], $0xffff;
	[tilespmem:s0+$0x310] =	vst v17  }
0x415: {  	v8 =	vld.idx.msk [tilespmem:v8+s20+$0x0], $0xffff;
	[tilespmem:s0+$0x320] =	vst v18  }
0x416: {  	v11 =	vld.idx.msk [tilespmem:v11+s20+$0x0], $0xffff;
	[tilespmem:s0+$0x330] =	vst v19  }
0x417: {  	v12 =	vld.idx.msk [tilespmem:v12+s20+$0x0], $0xffff;
	[tilespmem:s0+$0x340] =	vst v20  }
0x418: {  	v13 =	vld.idx.msk [tilespmem:v13+s20+$0x0], $0xffff;
	[tilespmem:s0+$0x350] =	vst v21  }
0x419: {  	v14 =	vld.idx.msk [tilespmem:v14+s20+$0x0], $0xffff;
	[tilespmem:s0+$0x360] =	vst v16  }
0x41a: {  	[tilespmem:s0+$0xFFFFFF80] =	vst v15;
	v9 =	vld.idx.msk [tilespmem:v9+s20+$0x0], $0xffff  }
0x41b: {  	[tilespmem:s0+$0xFFFFFF90] =	vst v8;
	v8 =	vld.idx.msk [tilespmem:v6+s20+$0x0], $0xffff  }
0x41c: {  	[tilespmem:s0+$0xFFFFFFA0] =	vst v11;
	v10 =	vld.idx.msk [tilespmem:v10+s20+$0x0], $0xffff  }
0x41d: {  	[tilespmem:s0+$0xFFFFFFB0] =	vst v12;
	v6 =	vld.idx.msk [tilespmem:v7+s20+$0x0], $0xffff  }
.Ltmp10:
0x41e: {  	[tilespmem:s0+$0xFFFFFFC0] =	vst v13;
	v7 =	vld.idx.msk [tilespmem:v4+s20+$0x0], $0xffff;
	(pc) =	sbr.rel @p0 .LBB2_21-.Ltmp10, $4  }
0x41f: {  	[tilespmem:s0+$0xFFFFFFD0] =	vst v14;
	v3 =	vld.idx.msk [tilespmem:v3+s20+$0x0], $0xffff  }
0x420: {  	[tilespmem:s0+$0xFFFFFFE0] =	vst v9;
	v4 =	vld.idx.msk [tilespmem:v1+s20+$0x0], $0xffff  }
0x421: {  	[tilespmem:s0+$0xFFFFFFF0] =	vst v8;
	v2 =	vld.idx.msk [tilespmem:v2+s20+$0x0], $0xffff  }
0x422: {  	s15 =	sadd.s32 $0x100, s15;
	[tilespmem:s0+$0x380] =	vst v10;
	v1 =	vld.idx.msk [tilespmem:v5+s20+$0x0], $0xffff  }
0x423: {  	[tilespmem:s0+$0x390] =	vst v6;
	s21 =	sadd.s32 $0x1, s21  }
0x424: {  	[tilespmem:s0+$0x3A0] =	vst v7;
	s1 =	sshll.u32 s2, $0x11;
	p0 =	sne.s32 s21, $0xC  }
.Ltmp11:
0x425: {  	[tilespmem:s0+$0x3B0] =	vst v3;
	s1 =	sadd.s32 s1, s8;
	(pc) =	sbr.rel @p0 .LBB2_18-.Ltmp11, $4  }
0x426: {  	[tilespmem:s0+$0x3C0] =	vst v4;
	s1 =	sadd.s32 s24, s1  }
0x427: {  	[tilespmem:s0+$0x3D0] =	vst v2;
	s1 =	sshrl.u32 s1, $0x3  }
0x428: {  	s13 =	sadd.s32 $0x2, s13;
	s14 =	sadd.s32 $0x2, s14;
	[tilespmem:s0+$0x3E0] =	vst v1;
	s31 =	sadd.s32 s3, s1  }
0x429: {  	[hbm4b:s31+s4] =	stream.linear.scatter [tilespmem:s28], [sflag:$0x4], $0x4000, $0x38;
	[tilespmem:$0x1EA00] =	vst v63  }
0x42a: {  	s16 =	sadd.s32 $0x1, s16  }
0x42b: {  	p0 =	sne.s32 s16, $0x8  }
.Ltmp12:
0x42c: {  	_ = 	snop;
	(pc) =	sbr.rel @p0 .LBB2_15-.Ltmp12, $2  }
0x42d: {  	_ =	sdelay $0x2  }
0x42e: {  	s30 =	simm.s32 $0x0  }
0x42f: {  	s0 =	simm.s32 $0x3  }
0x430: {  	_ =	swait.ge [sflag:s0], $0x4000  }
0x431: {  	[sflag:s0] =	ssyncset.done $0x0  }
0x432: {  	s1 =	simm.s32 $0x4;
	[sflag:s0] =	ssyncadd.s32 $0xFFFFC000  }
0x433: {  	_ =	swait.ge [sflag:s1], $0x4000  }
0x434: {  	s2 =	rddreg [dreg:$0x18]  }
0x435: {  	s31 =	rddreg [dreg:$0x17];
	s2 =	sadd.s32 $0x1, s2  }
0x436: {  	p0 =	sne.s32 s2, s31  }
.Ltmp13:
0x437: {  	_ = 	snop;
	(pc) =	sbr.rel @p0 .LBB2_1-.Ltmp13, $3  }
0x438: {  	_ =	sdelay $0x1  }
0x439: {  	[sflag:s1] =	ssyncset.done $0x0  }
0x43a: {  	[sflag:s1] =	ssyncadd.s32 $0xFFFFC000  }
0x43b: {  	_ =	sfence.sel $0x180000  }
0x43c: {  	[bflag:$0x0] =	sbarrier.arrive $0xFFFF  }
0x43d: {  	_ =	strace $0x90000047  }
0x43e: {  	s0 =	stileid.u32;
	[bflag:$0x2] =	sbarrier.arrive $0xFFFF  }
0x43f: {  	p0 =	sne.s32 s0, $0x0;
	s0 =	rddreg [dreg:$0x3]  }
0x440: {  	s0 =	sadd.s32 @!p0 $0x100000, s0  }
0x441: {  	[sflag:s0] =	ssyncadd.tile.s32 @!p0 $0x1;
	_ =	shalt  }
.Lfunc_end2:
_tile_overlayer_lowered:
.L_overlay_start_2:
0x442: {  	(tag) =	ssettag $0x2  }
0x443: {  	s0 =	rddreg [dreg:$0x0];
	s2 =	stileid.u32  }
0x444: {  	s1 =	rddreg [dreg:$0x1];
	p0 =	sne.s32 s2, $0x0  }
0x445: {  	s3 =	rddreg [dreg:$0x2];
	[bflag:$0x3] =	sbarrier.arrive $0xFFFF;
	s2 =	simm.s32 @!p0 $0x1C05  }
0x446: {  	[timem:s3], [sflag:s2] =	dma.local @!p0 [hbm:s0], s1  }
0x447: {  	s0 =	simm.s32 @!p0 $0x5  }
0x448: {  	_ =	swait.ge @!p0 [sflag:s0], s1  }
0x449: {  	s1 =	ssub.s32 @!p0 $0x0, s1;
	[sflag:s0] =	ssyncset.done @!p0 $0x0  }
0x44a: {  	[sflag:s0] =	ssyncadd.s32 @!p0 s1  }
0x44b: {  	[bflag:$0x3] =	sbarrier.arrive $0xFFFF  }
0x44c: {  	_ =	shalt  }

</sc_bundles>
